<compile_context>
chip_gen: v7x
topology: tpu7x:2x2x1
jax: 0.10.2.dev20260603
libtpu: 0.0.44.dev20260713+nightly
codegen_flags: <defaults>
</compile_context>

<pallas_src>
import functools

import jax
import jax.numpy as jnp
from jax import lax
from jax.experimental import pallas as pl
from jax.experimental.pallas import tpu as pltpu
from jax.experimental.pallas import tpu_sc as plsc

_NUM_CORES = 2
_NUM_SUBCORES = 16
_LANES = 16
_NW = _NUM_CORES * _NUM_SUBCORES
_TILE_LANES = 128
_CHUNK = 1
_SLOTS = 8


@functools.lru_cache(maxsize=None)
def _build_gather_add(n_tokens: int, batch: int, seq_len_s: int, d: int):
    b_per_w = n_tokens // _NW
    chunks_per_row = seq_len_s // b_per_w
    group_chunks = _LANES // _CHUNK

    mesh = plsc.VectorSubcoreMesh(
        core_axis_name="c", subcore_axis_name="s",
        num_cores=_NUM_CORES, num_subcores=_NUM_SUBCORES)

    @functools.partial(
        pl.kernel,
        mesh=mesh,
        compiler_params=pltpu.CompilerParams(needs_layout_passes=False),
        out_type=jax.ShapeDtypeStruct((batch, d, seq_len_s), jnp.float32),
        scratch_types=[
            pltpu.VMEM((b_per_w,), jnp.int32),
            pltpu.VMEM((d, b_per_w), jnp.float32),
            pltpu.VMEM((d, b_per_w), jnp.float32),
            [pltpu.VMEM((_CHUNK, d, _TILE_LANES), jnp.float32)] * _SLOTS,
            [pltpu.SemaphoreType.DMA] * _SLOTS,
        ],
    )
    def gather_add(ids_hbm, table_hbm, pos_hbm, out_hbm, idx_v, pos_v,
                   outc_v, bufs, sems):
        wid = lax.axis_index("s") * _NUM_CORES + lax.axis_index("c")
        base = wid * b_per_w
        b_i = wid // chunks_per_row
        s_off = pl.multiple_of(
            lax.rem(wid, chunks_per_row) * b_per_w, _TILE_LANES)
        pltpu.sync_copy(ids_hbm.at[pl.ds(base, b_per_w)], idx_v)
        pltpu.sync_copy(pos_hbm.at[:, pl.ds(s_off, b_per_w)], pos_v)

        tok_iota = lax.iota(jnp.int32, _LANES)

        def fire_chunk(slot, vec, lane0):
            for j in range(_CHUNK):
                col0 = pl.multiple_of(
                    lax.bitwise_and(vec[lane0 + j], -_TILE_LANES),
                    _TILE_LANES)
                pltpu.async_copy(
                    table_hbm.at[:, pl.ds(col0, _TILE_LANES)],
                    bufs[slot].at[j], sems[slot])

        def wait_chunk(slot):
            for j in range(_CHUNK):
                pltpu.make_async_copy(
                    table_hbm.at[:, pl.ds(0, _TILE_LANES)],
                    bufs[slot].at[j], sems[slot]).wait()

        def process_chunk(slot, vec, lane0, t0):
            for j in range(_CHUNK):
                lane_v = jnp.full(
                    (_LANES,), lax.bitwise_and(vec[lane0 + j], _TILE_LANES - 1),
                    jnp.int32)
                j_v = jnp.full((_LANES,), j, jnp.int32)
                t_v = jnp.full((_LANES,), t0 + j, jnp.int32)
                for c in range(d // _LANES):
                    f_v = tok_iota + c * _LANES
                    val = plsc.load_gather(bufs[slot], [j_v, f_v, lane_v])
                    p = plsc.load_gather(pos_v, [f_v, t_v])
                    plsc.store_scatter(outc_v, [f_v, t_v], val + p)

        def group(g, prev_vec):
            vec = idx_v[pl.ds(g * _LANES, _LANES)]
            for q in range(group_chunks):
                slot = q % _SLOTS
                if q >= _SLOTS:
                    pq = q - _SLOTS
                    wait_chunk(slot)
                    process_chunk(slot, vec, pq * _CHUNK,
                                  g * _LANES + pq * _CHUNK)
                else:
                    pq = q + group_chunks - _SLOTS

                    @pl.when(g >= 1)
                    def _():
                        wait_chunk(slot)
                        process_chunk(slot, prev_vec, pq * _CHUNK,
                                      (g - 1) * _LANES + pq * _CHUNK)
                fire_chunk(slot, vec, q * _CHUNK)
            return vec

        last_vec = lax.fori_loop(0, b_per_w // _LANES, group,
                                 jnp.zeros((_LANES,), jnp.int32))
        for q in range(group_chunks - _SLOTS, group_chunks):
            slot = q % _SLOTS
            wait_chunk(slot)
            process_chunk(slot, last_vec, q * _CHUNK,
                          (b_per_w // _LANES - 1) * _LANES + q * _CHUNK)

        pltpu.sync_copy(outc_v, out_hbm.at[b_i, :, pl.ds(s_off, b_per_w)])

    return gather_add


def kernel(token_ids, seq_len, token_table, pos_table):
    b, s = token_ids.shape
    _, d = token_table.shape
    table_t = token_table.T
    pos_t = pos_table.T
    if pos_table.shape[0] == s:
        pos_sl = pos_t
    else:
        pos_sl = lax.dynamic_slice(pos_t, (0, seq_len - s), (d, s))
    flat_ids = token_ids.reshape(b * s).astype(jnp.int32)
    out_t = _build_gather_add(b * s, b, s, d)(flat_ids, table_t, pos_sl)
    return jnp.transpose(out_t, (0, 2, 1))

# --- scband reference (transcript-rebuilt; emitter-appended) ---
"""Pipeline reference for scband-transformer-embeddings-17051020165210 (READ-ONLY COPY).

The authoritative reference and input builder live on the scoring server;
editing this copy changes nothing except your own understanding.
"""

import jax, jax.numpy as jnp
import numpy as np

VOCAB = 1000000
EMBED_DIM = 64
MAX_SEQ_LEN = 2048
BATCH = 4
SEQ_LEN = 2048


def setup_inputs(seed: int = 0) -> dict:
    key = jax.random.key(seed)
    k1, k2, k3 = jax.random.split(key, 3)
    token_ids = jax.random.randint(k1, (BATCH, SEQ_LEN), 0, VOCAB, dtype=jnp.int64 if jax.config.jax_enable_x64 else jnp.int32)
    token_table = jax.random.normal(k2, (VOCAB, EMBED_DIM), dtype=jnp.float32) * 0.02
    pos_table = jax.random.normal(k3, (MAX_SEQ_LEN, EMBED_DIM), dtype=jnp.float32) * 0.02
    return {"token_ids": token_ids, "seq_len": SEQ_LEN, "token_table": token_table, "pos_table": pos_table}


def reference(token_ids, seq_len, token_table, pos_table):
    # Token embedding lookup (gather)
    token_embeddings = jnp.take(token_table, token_ids, axis=0)  # (B, S, D)
    # Positional embedding: first seq_len rows, broadcast over batch
    S = token_ids.shape[1]
    pos_embeddings = jax.lax.dynamic_slice_in_dim(pos_table, seq_len - S, S, axis=0)[None, :, :]  # (1, S, D)
    embeddings = token_embeddings + pos_embeddings
    # Dropout in eval mode is identity
    return embeddings

if __name__ == "__main__":
    import jax
    _d = setup_inputs()
    print(jax.jit(kernel)(*tuple(_d.values())))

</pallas_src>

<mosaic_0001>
#map = affine_map<(d0, d1) -> (0)>
#map1 = affine_map<(d0, d1) -> (0, 0)>
#map2 = affine_map<(d0, d1) -> (0, 0, 0)>
module attributes {stable_mosaic.version = 14 : i64} {
  func.func @gather_add(%arg0: i32, %arg1: i32, %arg2: memref<8192xi32, #tpu.memory_space<hbm>>, %arg3: memref<64x1000000xf32, #tpu.memory_space<hbm>>, %arg4: memref<64x2048xf32, #tpu.memory_space<hbm>>, %arg5: memref<4x64x2048xf32, #tpu.memory_space<hbm>>, %arg6: memref<256xi32, #tpu.memory_space<vmem>>, %arg7: memref<64x256xf32, #tpu.memory_space<vmem>>, %arg8: memref<64x256xf32, #tpu.memory_space<vmem>>, %arg9: memref<1x64x128xf32, #tpu.memory_space<vmem>>, %arg10: memref<1x64x128xf32, #tpu.memory_space<vmem>>, %arg11: memref<1x64x128xf32, #tpu.memory_space<vmem>>, %arg12: memref<1x64x128xf32, #tpu.memory_space<vmem>>, %arg13: memref<1x64x128xf32, #tpu.memory_space<vmem>>, %arg14: memref<1x64x128xf32, #tpu.memory_space<vmem>>, %arg15: memref<1x64x128xf32, #tpu.memory_space<vmem>>, %arg16: memref<1x64x128xf32, #tpu.memory_space<vmem>>, %arg17: memref<!tpu.dma_semaphore, #tpu.memory_space<semaphore_mem>>, %arg18: memref<!tpu.dma_semaphore, #tpu.memory_space<semaphore_mem>>, %arg19: memref<!tpu.dma_semaphore, #tpu.memory_space<semaphore_mem>>, %arg20: memref<!tpu.dma_semaphore, #tpu.memory_space<semaphore_mem>>, %arg21: memref<!tpu.dma_semaphore, #tpu.memory_space<semaphore_mem>>, %arg22: memref<!tpu.dma_semaphore, #tpu.memory_space<semaphore_mem>>, %arg23: memref<!tpu.dma_semaphore, #tpu.memory_space<semaphore_mem>>, %arg24: memref<!tpu.dma_semaphore, #tpu.memory_space<semaphore_mem>>) attributes {dimension_semantics = [#tpu.dimension_semantics<core_parallel>, #tpu.dimension_semantics<subcore_parallel>], iteration_bounds = array<i64: 2, 16>, scalar_prefetch = 0 : i64, scratch_operands = 19 : i64, tpu.core_type = #tpu.core_type<sc_vector_subcore>, window_params = [{transform_indices = #map}, {transform_indices = #map1}, {transform_indices = #map1}, {transform_indices = #map2}]} {
    %mul3A = arith.constant 2 : i32
    %mul3A_0 = arith.muli %arg1, %mul3A : i32
    %add3A = arith.addi %mul3A_0, %arg0 : i32
    %mul3A_1 = arith.constant 256 : i32
    %mul3A_2 = arith.muli %add3A, %mul3A_1 : i32
    %jit3A = arith.constant 8 : i32
    %div3A = arith.divsi %add3A, %jit3A : i32
    %sign3A = arith.constant 0 : i32
    %sign3A_3 = arith.cmpi sgt, %add3A, %sign3A : i32
    %sign3A_4 = arith.extui %sign3A_3 : i1 to i32
    %sign3A_5 = arith.constant 0 : i32
    %sign3A_6 = arith.cmpi slt, %add3A, %sign3A_5 : i32
    %sign3A_7 = arith.extui %sign3A_6 : i1 to i32
    %sign3A_8 = arith.subi %sign3A_4, %sign3A_7 : i32
    %sign3A_9 = arith.constant 0 : i32
    %sign3A_10 = arith.cmpi sgt, %jit3A, %sign3A_9 : i32
    %sign3A_11 = arith.extui %sign3A_10 : i1 to i32
    %sign3A_12 = arith.constant 0 : i32
    %sign3A_13 = arith.cmpi slt, %jit3A, %sign3A_12 : i32
    %sign3A_14 = arith.extui %sign3A_13 : i1 to i32
    %sign3A_15 = arith.subi %sign3A_11, %sign3A_14 : i32
    %ne3A = arith.cmpi ne, %sign3A_8, %sign3A_15 : i32
    %rem3A = arith.remsi %add3A, %jit3A : i32
    %ne3A_16 = arith.constant 0 : i32
    %ne3A_17 = arith.cmpi ne, %rem3A, %ne3A_16 : i32
    %and3A = arith.andi %ne3A, %ne3A_17 : i1
    %sub3A = arith.constant 1 : i32
    %sub3A_18 = arith.subi %div3A, %sub3A : i32
    %select_n3A = arith.select %and3A, %sub3A_18, %div3A : i32
    %rem3A_19 = arith.constant 8 : i32
    %rem3A_20 = arith.remsi %add3A, %rem3A_19 : i32
    %mul3A_21 = arith.constant 256 : i32
    %mul3A_22 = arith.muli %rem3A_20, %mul3A_21 : i32
    %multiple_of3A = tpu.assume_multiple %mul3A_22, 128 : i32
    "tpu.region"() ({
      %run_scoped3A = tpu.sem_alloc : memref<!tpu.dma_semaphore, #tpu.memory_space<semaphore_mem>>
      %dma_start3A = tpu.memref_slice %arg2[%mul3A_2] : memref<8192xi32, #tpu.memory_space<hbm>> -> memref<256xi32, #tpu.memory_space<hbm>>
      %dma_start3A_409 = tpu.memref_slice %arg2[%mul3A_2] : memref<8192xi32, #tpu.memory_space<hbm>> -> memref<256xi32, #tpu.memory_space<hbm>>
      tpu.enqueue_dma source(%dma_start3A_409 : memref<256xi32, #tpu.memory_space<hbm>>) target(%arg6 : memref<256xi32, #tpu.memory_space<vmem>>) target_semaphore(%run_scoped3A : memref<!tpu.dma_semaphore, #tpu.memory_space<semaphore_mem>>)
      %dma_wait3A_410 = tpu.memref_slice %arg2[%mul3A_2] : memref<8192xi32, #tpu.memory_space<hbm>> -> memref<256xi32, #tpu.memory_space<hbm>>
      %dma_wait3A_411 = tpu.memref_slice %arg2[%mul3A_2] : memref<8192xi32, #tpu.memory_space<hbm>> -> memref<256xi32, #tpu.memory_space<hbm>>
      tpu.wait_dma2 semaphore(%run_scoped3A : memref<!tpu.dma_semaphore, #tpu.memory_space<semaphore_mem>>) src(%dma_wait3A_411 : memref<256xi32, #tpu.memory_space<hbm>>) dst(%arg6 : memref<256xi32, #tpu.memory_space<vmem>>)
      tpu.yield
    }) : () -> ()
    "tpu.region"() ({
      %run_scoped3A = tpu.sem_alloc : memref<!tpu.dma_semaphore, #tpu.memory_space<semaphore_mem>>
      %dma_start3A = arith.constant 0 : i32
      %dma_start3A_409 = tpu.memref_slice %arg4[%dma_start3A, %multiple_of3A] : memref<64x2048xf32, #tpu.memory_space<hbm>> -> memref<64x256xf32, #tpu.memory_space<hbm>>
      %dma_start3A_410 = arith.constant 0 : i32
      %dma_start3A_411 = tpu.memref_slice %arg4[%dma_start3A_410, %multiple_of3A] : memref<64x2048xf32, #tpu.memory_space<hbm>> -> memref<64x256xf32, #tpu.memory_space<hbm>>
      tpu.enqueue_dma source(%dma_start3A_411 : memref<64x256xf32, #tpu.memory_space<hbm>>) target(%arg7 : memref<64x256xf32, #tpu.memory_space<vmem>>) target_semaphore(%run_scoped3A : memref<!tpu.dma_semaphore, #tpu.memory_space<semaphore_mem>>)
      %dma_wait3A_412 = arith.constant 0 : i32
      %dma_wait3A_413 = tpu.memref_slice %arg4[%dma_wait3A_412, %multiple_of3A] : memref<64x2048xf32, #tpu.memory_space<hbm>> -> memref<64x256xf32, #tpu.memory_space<hbm>>
      %dma_wait3A_414 = arith.constant 0 : i32
      %dma_wait3A_415 = tpu.memref_slice %arg4[%dma_wait3A_414, %multiple_of3A] : memref<64x2048xf32, #tpu.memory_space<hbm>> -> memref<64x256xf32, #tpu.memory_space<hbm>>
      tpu.wait_dma2 semaphore(%run_scoped3A : memref<!tpu.dma_semaphore, #tpu.memory_space<semaphore_mem>>) src(%dma_wait3A_415 : memref<64x256xf32, #tpu.memory_space<hbm>>) dst(%arg7 : memref<64x256xf32, #tpu.memory_space<vmem>>)
      tpu.yield
    }) : () -> ()
    %iota3A = tpu.iota {dimensions = array<i32: 0>} : vector<16xi32>
    %broadcast_in_dim3A = arith.constant 0 : i32
    %broadcast_in_dim3A_23 = vector.broadcast %broadcast_in_dim3A : i32 to vector<16xi32>
    %scan3A = arith.constant 0 : i32
    %scan3A_24 = arith.constant 16 : i32
    %scan3A_25 = arith.addi %scan3A, %scan3A_24 : i32
    %scan3A_26 = arith.constant 1 : i32
    %scan3A_27 = scf.for %scan3A_409 = %scan3A to %scan3A_25 step %scan3A_26 iter_args(%scan3A_410 = %broadcast_in_dim3A_23) -> (vector<16xi32>)  : i32 {
      %mul3A_411 = arith.constant 16 : i32
      %mul3A_412 = arith.muli %scan3A_409, %mul3A_411 : i32
      %get3A = arith.index_cast %mul3A_412 : i32 to index
      %get3A_413 = tpu.vector_load %arg6[%get3A] {strides = array<i32>} : memref<256xi32, #tpu.memory_space<vmem>>, vector<16xi32>,
      %ge3A = arith.constant 1 : i32
      %ge3A_414 = arith.cmpi sge, %scan3A_409, %ge3A : i32
      %convert_element_type3A = arith.extui %ge3A_414 : i1 to i32
      %cond3A = arith.constant 0 : i32
      %cond3A_415 = arith.cmpi ne, %convert_element_type3A, %cond3A : i32
      scf.if %cond3A_415 {
        %dma_wait3A_1162 = arith.constant 0 : i32
        %dma_wait3A_1163 = arith.constant 0 : i32
        %dma_wait3A_1164 = arith.constant 0 : i32
        %dma_wait3A_1165 = tpu.memref_slice %arg9[%dma_wait3A_1162, %dma_wait3A_1163, %dma_wait3A_1164] : memref<1x64x128xf32, #tpu.memory_space<vmem>> -> memref<1x64x128xf32, #tpu.memory_space<vmem>>
        %dma_wait3A_1166 = tpu.memref_squeeze %dma_wait3A_1165 : memref<1x64x128xf32, #tpu.memory_space<vmem>> -> memref<64x128xf32, #tpu.memory_space<vmem>>
        %dma_wait3A_1167 = arith.constant 0 : i32
        %dma_wait3A_1168 = arith.constant 0 : i32
        %dma_wait3A_1169 = tpu.memref_slice %arg3[%dma_wait3A_1167, %dma_wait3A_1168] : memref<64x1000000xf32, #tpu.memory_space<hbm>> -> memref<64x128xf32, #tpu.memory_space<hbm>>
        %dma_wait3A_1170 = arith.constant 0 : i32
        %dma_wait3A_1171 = arith.constant 0 : i32
        %dma_wait3A_1172 = tpu.memref_slice %arg9[%dma_wait3A_1162, %dma_wait3A_1170, %dma_wait3A_1171] : memref<1x64x128xf32, #tpu.memory_space<vmem>> -> memref<1x64x128xf32, #tpu.memory_space<vmem>>
        %dma_wait3A_1173 = tpu.memref_squeeze %dma_wait3A_1172 : memref<1x64x128xf32, #tpu.memory_space<vmem>> -> memref<64x128xf32, #tpu.memory_space<vmem>>
        %dma_wait3A_1174 = arith.constant 0 : i32
        %dma_wait3A_1175 = arith.constant 0 : i32
        %dma_wait3A_1176 = tpu.memref_slice %arg3[%dma_wait3A_1174, %dma_wait3A_1175] : memref<64x1000000xf32, #tpu.memory_space<hbm>> -> memref<64x128xf32, #tpu.memory_space<hbm>>
        tpu.wait_dma2 semaphore(%arg17 : memref<!tpu.dma_semaphore, #tpu.memory_space<semaphore_mem>>) src(%dma_wait3A_1176 : memref<64x128xf32, #tpu.memory_space<hbm>>) dst(%dma_wait3A_1173 : memref<64x128xf32, #tpu.memory_space<vmem>>)
        %sub3A_1177 = arith.constant 1 : i32
        %sub3A_1178 = arith.subi %scan3A_409, %sub3A_1177 : i32
        %mul3A_1179 = arith.constant 16 : i32
        %mul3A_1180 = arith.muli %sub3A_1178, %mul3A_1179 : i32
        %add3A_1181 = arith.constant 8 : i32
        %add3A_1182 = arith.addi %mul3A_1180, %add3A_1181 : i32
        %slice3A_1183 = vector.extract_strided_slice %scan3A_410 {offsets = [8], sizes = [1], strides = [1]} : vector<16xi32> to vector<1xi32>
        %squeeze3A_1184 = vector.extract %slice3A_1183[0] : i32 from vector<1xi32>
        %and3A_1185 = arith.constant 127 : i32
        %and3A_1186 = arith.andi %squeeze3A_1184, %and3A_1185 : i32
        %broadcast_in_dim3A_1187 = vector.broadcast %and3A_1186 : i32 to vector<16xi32>
        %broadcast_in_dim3A_1188 = arith.constant 0 : i32
        %broadcast_in_dim3A_1189 = vector.broadcast %broadcast_in_dim3A_1188 : i32 to vector<16xi32>
        %add3A_1190 = arith.constant 0 : i32
        %add3A_1191 = arith.addi %add3A_1182, %add3A_1190 : i32
        %broadcast_in_dim3A_1192 = vector.broadcast %add3A_1191 : i32 to vector<16xi32>
        %add3A_1193 = arith.constant 0 : i32
        %add3A_1194 = vector.broadcast %add3A_1193 : i32 to vector<16xi32>
        %add3A_1195 = arith.addi %iota3A, %add3A_1194 : vector<16xi32>
        %gather3A_1196 = tpu.vector_load_idx %arg9[%broadcast_in_dim3A_1189, %add3A_1195, %broadcast_in_dim3A_1187] : memref<1x64x128xf32, #tpu.memory_space<vmem>>[vector<16xi32>, vector<16xi32>, vector<16xi32>], vector<16xf32>,
        %gather3A_1197 = tpu.vector_load_idx %arg7[%add3A_1195, %broadcast_in_dim3A_1192] : memref<64x256xf32, #tpu.memory_space<vmem>>[vector<16xi32>, vector<16xi32>], vector<16xf32>,
        %add3A_1198 = arith.addf %gather3A_1196, %gather3A_1197 : vector<16xf32>
        tpu.vector_store_idx %arg8[%add3A_1195, %broadcast_in_dim3A_1192], %add3A_1198 : memref<64x256xf32, #tpu.memory_space<vmem>>[vector<16xi32>, vector<16xi32>], vector<16xf32>,
        %add3A_1199 = arith.constant 16 : i32
        %add3A_1200 = vector.broadcast %add3A_1199 : i32 to vector<16xi32>
        %add3A_1201 = arith.addi %iota3A, %add3A_1200 : vector<16xi32>
        %gather3A_1202 = tpu.vector_load_idx %arg9[%broadcast_in_dim3A_1189, %add3A_1201, %broadcast_in_dim3A_1187] : memref<1x64x128xf32, #tpu.memory_space<vmem>>[vector<16xi32>, vector<16xi32>, vector<16xi32>], vector<16xf32>,
        %gather3A_1203 = tpu.vector_load_idx %arg7[%add3A_1201, %broadcast_in_dim3A_1192] : memref<64x256xf32, #tpu.memory_space<vmem>>[vector<16xi32>, vector<16xi32>], vector<16xf32>,
        %add3A_1204 = arith.addf %gather3A_1202, %gather3A_1203 : vector<16xf32>
        tpu.vector_store_idx %arg8[%add3A_1201, %broadcast_in_dim3A_1192], %add3A_1204 : memref<64x256xf32, #tpu.memory_space<vmem>>[vector<16xi32>, vector<16xi32>], vector<16xf32>,
        %add3A_1205 = arith.constant 32 : i32
        %add3A_1206 = vector.broadcast %add3A_1205 : i32 to vector<16xi32>
        %add3A_1207 = arith.addi %iota3A, %add3A_1206 : vector<16xi32>
        %gather3A_1208 = tpu.vector_load_idx %arg9[%broadcast_in_dim3A_1189, %add3A_1207, %broadcast_in_dim3A_1187] : memref<1x64x128xf32, #tpu.memory_space<vmem>>[vector<16xi32>, vector<16xi32>, vector<16xi32>], vector<16xf32>,
        %gather3A_1209 = tpu.vector_load_idx %arg7[%add3A_1207, %broadcast_in_dim3A_1192] : memref<64x256xf32, #tpu.memory_space<vmem>>[vector<16xi32>, vector<16xi32>], vector<16xf32>,
        %add3A_1210 = arith.addf %gather3A_1208, %gather3A_1209 : vector<16xf32>
        tpu.vector_store_idx %arg8[%add3A_1207, %broadcast_in_dim3A_1192], %add3A_1210 : memref<64x256xf32, #tpu.memory_space<vmem>>[vector<16xi32>, vector<16xi32>], vector<16xf32>,
        %add3A_1211 = arith.constant 48 : i32
        %add3A_1212 = vector.broadcast %add3A_1211 : i32 to vector<16xi32>
        %add3A_1213 = arith.addi %iota3A, %add3A_1212 : vector<16xi32>
        %gather3A_1214 = tpu.vector_load_idx %arg9[%broadcast_in_dim3A_1189, %add3A_1213, %broadcast_in_dim3A_1187] : memref<1x64x128xf32, #tpu.memory_space<vmem>>[vector<16xi32>, vector<16xi32>, vector<16xi32>], vector<16xf32>,
        %gather3A_1215 = tpu.vector_load_idx %arg7[%add3A_1213, %broadcast_in_dim3A_1192] : memref<64x256xf32, #tpu.memory_space<vmem>>[vector<16xi32>, vector<16xi32>], vector<16xf32>,
        %add3A_1216 = arith.addf %gather3A_1214, %gather3A_1215 : vector<16xf32>
        tpu.vector_store_idx %arg8[%add3A_1213, %broadcast_in_dim3A_1192], %add3A_1216 : memref<64x256xf32, #tpu.memory_space<vmem>>[vector<16xi32>, vector<16xi32>], vector<16xf32>,
      } else {
      }
      %slice3A_416 = vector.extract_strided_slice %get3A_413 {offsets = [0], sizes = [1], strides = [1]} : vector<16xi32> to vector<1xi32>
      %squeeze3A_417 = vector.extract %slice3A_416[0] : i32 from vector<1xi32>
      %and3A_418 = arith.constant -128 : i32
      %and3A_419 = arith.andi %squeeze3A_417, %and3A_418 : i32
      %multiple_of3A_420 = tpu.assume_multiple %and3A_419, 128 : i32
      %dma_start3A = arith.constant 0 : i32
      %dma_start3A_421 = arith.constant 0 : i32
      %dma_start3A_422 = arith.constant 0 : i32
      %dma_start3A_423 = tpu.memref_slice %arg9[%dma_start3A, %dma_start3A_421, %dma_start3A_422] : memref<1x64x128xf32, #tpu.memory_space<vmem>> -> memref<1x64x128xf32, #tpu.memory_space<vmem>>
      %dma_start3A_424 = tpu.memref_squeeze %dma_start3A_423 : memref<1x64x128xf32, #tpu.memory_space<vmem>> -> memref<64x128xf32, #tpu.memory_space<vmem>>
      %dma_start3A_425 = arith.constant 0 : i32
      %dma_start3A_426 = tpu.memref_slice %arg3[%dma_start3A_425, %multiple_of3A_420] : memref<64x1000000xf32, #tpu.memory_space<hbm>> -> memref<64x128xf32, #tpu.memory_space<hbm>>
      %dma_start3A_427 = arith.constant 0 : i32
      %dma_start3A_428 = arith.constant 0 : i32
      %dma_start3A_429 = tpu.memref_slice %arg9[%dma_start3A, %dma_start3A_427, %dma_start3A_428] : memref<1x64x128xf32, #tpu.memory_space<vmem>> -> memref<1x64x128xf32, #tpu.memory_space<vmem>>
      %dma_start3A_430 = tpu.memref_squeeze %dma_start3A_429 : memref<1x64x128xf32, #tpu.memory_space<vmem>> -> memref<64x128xf32, #tpu.memory_space<vmem>>
      %dma_start3A_431 = arith.constant 0 : i32
      %dma_start3A_432 = tpu.memref_slice %arg3[%dma_start3A_431, %multiple_of3A_420] : memref<64x1000000xf32, #tpu.memory_space<hbm>> -> memref<64x128xf32, #tpu.memory_space<hbm>>
      tpu.enqueue_dma source(%dma_start3A_432 : memref<64x128xf32, #tpu.memory_space<hbm>>) target(%dma_start3A_430 : memref<64x128xf32, #tpu.memory_space<vmem>>) target_semaphore(%arg17 : memref<!tpu.dma_semaphore, #tpu.memory_space<semaphore_mem>>)
      %ge3A_433 = arith.constant 1 : i32
      %ge3A_434 = arith.cmpi sge, %scan3A_409, %ge3A_433 : i32
      %convert_element_type3A_435 = arith.extui %ge3A_434 : i1 to i32
      %cond3A_436 = arith.constant 0 : i32
      %cond3A_437 = arith.cmpi ne, %convert_element_type3A_435, %cond3A_436 : i32
      scf.if %cond3A_437 {
        %dma_wait3A_1162 = arith.constant 0 : i32
        %dma_wait3A_1163 = arith.constant 0 : i32
        %dma_wait3A_1164 = arith.constant 0 : i32
        %dma_wait3A_1165 = tpu.memref_slice %arg10[%dma_wait3A_1162, %dma_wait3A_1163, %dma_wait3A_1164] : memref<1x64x128xf32, #tpu.memory_space<vmem>> -> memref<1x64x128xf32, #tpu.memory_space<vmem>>
        %dma_wait3A_1166 = tpu.memref_squeeze %dma_wait3A_1165 : memref<1x64x128xf32, #tpu.memory_space<vmem>> -> memref<64x128xf32, #tpu.memory_space<vmem>>
        %dma_wait3A_1167 = arith.constant 0 : i32
        %dma_wait3A_1168 = arith.constant 0 : i32
        %dma_wait3A_1169 = tpu.memref_slice %arg3[%dma_wait3A_1167, %dma_wait3A_1168] : memref<64x1000000xf32, #tpu.memory_space<hbm>> -> memref<64x128xf32, #tpu.memory_space<hbm>>
        %dma_wait3A_1170 = arith.constant 0 : i32
        %dma_wait3A_1171 = arith.constant 0 : i32
        %dma_wait3A_1172 = tpu.memref_slice %arg10[%dma_wait3A_1162, %dma_wait3A_1170, %dma_wait3A_1171] : memref<1x64x128xf32, #tpu.memory_space<vmem>> -> memref<1x64x128xf32, #tpu.memory_space<vmem>>
        %dma_wait3A_1173 = tpu.memref_squeeze %dma_wait3A_1172 : memref<1x64x128xf32, #tpu.memory_space<vmem>> -> memref<64x128xf32, #tpu.memory_space<vmem>>
        %dma_wait3A_1174 = arith.constant 0 : i32
        %dma_wait3A_1175 = arith.constant 0 : i32
        %dma_wait3A_1176 = tpu.memref_slice %arg3[%dma_wait3A_1174, %dma_wait3A_1175] : memref<64x1000000xf32, #tpu.memory_space<hbm>> -> memref<64x128xf32, #tpu.memory_space<hbm>>
        tpu.wait_dma2 semaphore(%arg18 : memref<!tpu.dma_semaphore, #tpu.memory_space<semaphore_mem>>) src(%dma_wait3A_1176 : memref<64x128xf32, #tpu.memory_space<hbm>>) dst(%dma_wait3A_1173 : memref<64x128xf32, #tpu.memory_space<vmem>>)
        %sub3A_1177 = arith.constant 1 : i32
        %sub3A_1178 = arith.subi %scan3A_409, %sub3A_1177 : i32
        %mul3A_1179 = arith.constant 16 : i32
        %mul3A_1180 = arith.muli %sub3A_1178, %mul3A_1179 : i32
        %add3A_1181 = arith.constant 9 : i32
        %add3A_1182 = arith.addi %mul3A_1180, %add3A_1181 : i32
        %slice3A_1183 = vector.extract_strided_slice %scan3A_410 {offsets = [9], sizes = [1], strides = [1]} : vector<16xi32> to vector<1xi32>
        %squeeze3A_1184 = vector.extract %slice3A_1183[0] : i32 from vector<1xi32>
        %and3A_1185 = arith.constant 127 : i32
        %and3A_1186 = arith.andi %squeeze3A_1184, %and3A_1185 : i32
        %broadcast_in_dim3A_1187 = vector.broadcast %and3A_1186 : i32 to vector<16xi32>
        %broadcast_in_dim3A_1188 = arith.constant 0 : i32
        %broadcast_in_dim3A_1189 = vector.broadcast %broadcast_in_dim3A_1188 : i32 to vector<16xi32>
        %add3A_1190 = arith.constant 0 : i32
        %add3A_1191 = arith.addi %add3A_1182, %add3A_1190 : i32
        %broadcast_in_dim3A_1192 = vector.broadcast %add3A_1191 : i32 to vector<16xi32>
        %add3A_1193 = arith.constant 0 : i32
        %add3A_1194 = vector.broadcast %add3A_1193 : i32 to vector<16xi32>
        %add3A_1195 = arith.addi %iota3A, %add3A_1194 : vector<16xi32>
        %gather3A_1196 = tpu.vector_load_idx %arg10[%broadcast_in_dim3A_1189, %add3A_1195, %broadcast_in_dim3A_1187] : memref<1x64x128xf32, #tpu.memory_space<vmem>>[vector<16xi32>, vector<16xi32>, vector<16xi32>], vector<16xf32>,
        %gather3A_1197 = tpu.vector_load_idx %arg7[%add3A_1195, %broadcast_in_dim3A_1192] : memref<64x256xf32, #tpu.memory_space<vmem>>[vector<16xi32>, vector<16xi32>], vector<16xf32>,
        %add3A_1198 = arith.addf %gather3A_1196, %gather3A_1197 : vector<16xf32>
        tpu.vector_store_idx %arg8[%add3A_1195, %broadcast_in_dim3A_1192], %add3A_1198 : memref<64x256xf32, #tpu.memory_space<vmem>>[vector<16xi32>, vector<16xi32>], vector<16xf32>,
        %add3A_1199 = arith.constant 16 : i32
        %add3A_1200 = vector.broadcast %add3A_1199 : i32 to vector<16xi32>
        %add3A_1201 = arith.addi %iota3A, %add3A_1200 : vector<16xi32>
        %gather3A_1202 = tpu.vector_load_idx %arg10[%broadcast_in_dim3A_1189, %add3A_1201, %broadcast_in_dim3A_1187] : memref<1x64x128xf32, #tpu.memory_space<vmem>>[vector<16xi32>, vector<16xi32>, vector<16xi32>], vector<16xf32>,
        %gather3A_1203 = tpu.vector_load_idx %arg7[%add3A_1201, %broadcast_in_dim3A_1192] : memref<64x256xf32, #tpu.memory_space<vmem>>[vector<16xi32>, vector<16xi32>], vector<16xf32>,
        %add3A_1204 = arith.addf %gather3A_1202, %gather3A_1203 : vector<16xf32>
        tpu.vector_store_idx %arg8[%add3A_1201, %broadcast_in_dim3A_1192], %add3A_1204 : memref<64x256xf32, #tpu.memory_space<vmem>>[vector<16xi32>, vector<16xi32>], vector<16xf32>,
        %add3A_1205 = arith.constant 32 : i32
        %add3A_1206 = vector.broadcast %add3A_1205 : i32 to vector<16xi32>
        %add3A_1207 = arith.addi %iota3A, %add3A_1206 : vector<16xi32>
        %gather3A_1208 = tpu.vector_load_idx %arg10[%broadcast_in_dim3A_1189, %add3A_1207, %broadcast_in_dim3A_1187] : memref<1x64x128xf32, #tpu.memory_space<vmem>>[vector<16xi32>, vector<16xi32>, vector<16xi32>], vector<16xf32>,
        %gather3A_1209 = tpu.vector_load_idx %arg7[%add3A_1207, %broadcast_in_dim3A_1192] : memref<64x256xf32, #tpu.memory_space<vmem>>[vector<16xi32>, vector<16xi32>], vector<16xf32>,
        %add3A_1210 = arith.addf %gather3A_1208, %gather3A_1209 : vector<16xf32>
        tpu.vector_store_idx %arg8[%add3A_1207, %broadcast_in_dim3A_1192], %add3A_1210 : memref<64x256xf32, #tpu.memory_space<vmem>>[vector<16xi32>, vector<16xi32>], vector<16xf32>,
        %add3A_1211 = arith.constant 48 : i32
        %add3A_1212 = vector.broadcast %add3A_1211 : i32 to vector<16xi32>
        %add3A_1213 = arith.addi %iota3A, %add3A_1212 : vector<16xi32>
        %gather3A_1214 = tpu.vector_load_idx %arg10[%broadcast_in_dim3A_1189, %add3A_1213, %broadcast_in_dim3A_1187] : memref<1x64x128xf32, #tpu.memory_space<vmem>>[vector<16xi32>, vector<16xi32>, vector<16xi32>], vector<16xf32>,
        %gather3A_1215 = tpu.vector_load_idx %arg7[%add3A_1213, %broadcast_in_dim3A_1192] : memref<64x256xf32, #tpu.memory_space<vmem>>[vector<16xi32>, vector<16xi32>], vector<16xf32>,
        %add3A_1216 = arith.addf %gather3A_1214, %gather3A_1215 : vector<16xf32>
        tpu.vector_store_idx %arg8[%add3A_1213, %broadcast_in_dim3A_1192], %add3A_1216 : memref<64x256xf32, #tpu.memory_space<vmem>>[vector<16xi32>, vector<16xi32>], vector<16xf32>,
      } else {
      }
      %slice3A_438 = vector.extract_strided_slice %get3A_413 {offsets = [1], sizes = [1], strides = [1]} : vector<16xi32> to vector<1xi32>
      %squeeze3A_439 = vector.extract %slice3A_438[0] : i32 from vector<1xi32>
      %and3A_440 = arith.constant -128 : i32
      %and3A_441 = arith.andi %squeeze3A_439, %and3A_440 : i32
      %multiple_of3A_442 = tpu.assume_multiple %and3A_441, 128 : i32
      %dma_start3A_443 = arith.constant 0 : i32
      %dma_start3A_444 = arith.constant 0 : i32
      %dma_start3A_445 = arith.constant 0 : i32
      %dma_start3A_446 = tpu.memref_slice %arg10[%dma_start3A_443, %dma_start3A_444, %dma_start3A_445] : memref<1x64x128xf32, #tpu.memory_space<vmem>> -> memref<1x64x128xf32, #tpu.memory_space<vmem>>
      %dma_start3A_447 = tpu.memref_squeeze %dma_start3A_446 : memref<1x64x128xf32, #tpu.memory_space<vmem>> -> memref<64x128xf32, #tpu.memory_space<vmem>>
      %dma_start3A_448 = arith.constant 0 : i32
      %dma_start3A_449 = tpu.memref_slice %arg3[%dma_start3A_448, %multiple_of3A_442] : memref<64x1000000xf32, #tpu.memory_space<hbm>> -> memref<64x128xf32, #tpu.memory_space<hbm>>
      %dma_start3A_450 = arith.constant 0 : i32
      %dma_start3A_451 = arith.constant 0 : i32
      %dma_start3A_452 = tpu.memref_slice %arg10[%dma_start3A_443, %dma_start3A_450, %dma_start3A_451] : memref<1x64x128xf32, #tpu.memory_space<vmem>> -> memref<1x64x128xf32, #tpu.memory_space<vmem>>
      %dma_start3A_453 = tpu.memref_squeeze %dma_start3A_452 : memref<1x64x128xf32, #tpu.memory_space<vmem>> -> memref<64x128xf32, #tpu.memory_space<vmem>>
      %dma_start3A_454 = arith.constant 0 : i32
      %dma_start3A_455 = tpu.memref_slice %arg3[%dma_start3A_454, %multiple_of3A_442] : memref<64x1000000xf32, #tpu.memory_space<hbm>> -> memref<64x128xf32, #tpu.memory_space<hbm>>
      tpu.enqueue_dma source(%dma_start3A_455 : memref<64x128xf32, #tpu.memory_space<hbm>>) target(%dma_start3A_453 : memref<64x128xf32, #tpu.memory_space<vmem>>) target_semaphore(%arg18 : memref<!tpu.dma_semaphore, #tpu.memory_space<semaphore_mem>>)
      %ge3A_456 = arith.constant 1 : i32
      %ge3A_457 = arith.cmpi sge, %scan3A_409, %ge3A_456 : i32
      %convert_element_type3A_458 = arith.extui %ge3A_457 : i1 to i32
      %cond3A_459 = arith.constant 0 : i32
      %cond3A_460 = arith.cmpi ne, %convert_element_type3A_458, %cond3A_459 : i32
      scf.if %cond3A_460 {
        %dma_wait3A_1162 = arith.constant 0 : i32
        %dma_wait3A_1163 = arith.constant 0 : i32
        %dma_wait3A_1164 = arith.constant 0 : i32
        %dma_wait3A_1165 = tpu.memref_slice %arg11[%dma_wait3A_1162, %dma_wait3A_1163, %dma_wait3A_1164] : memref<1x64x128xf32, #tpu.memory_space<vmem>> -> memref<1x64x128xf32, #tpu.memory_space<vmem>>
        %dma_wait3A_1166 = tpu.memref_squeeze %dma_wait3A_1165 : memref<1x64x128xf32, #tpu.memory_space<vmem>> -> memref<64x128xf32, #tpu.memory_space<vmem>>
        %dma_wait3A_1167 = arith.constant 0 : i32
        %dma_wait3A_1168 = arith.constant 0 : i32
        %dma_wait3A_1169 = tpu.memref_slice %arg3[%dma_wait3A_1167, %dma_wait3A_1168] : memref<64x1000000xf32, #tpu.memory_space<hbm>> -> memref<64x128xf32, #tpu.memory_space<hbm>>
        %dma_wait3A_1170 = arith.constant 0 : i32
        %dma_wait3A_1171 = arith.constant 0 : i32
        %dma_wait3A_1172 = tpu.memref_slice %arg11[%dma_wait3A_1162, %dma_wait3A_1170, %dma_wait3A_1171] : memref<1x64x128xf32, #tpu.memory_space<vmem>> -> memref<1x64x128xf32, #tpu.memory_space<vmem>>
        %dma_wait3A_1173 = tpu.memref_squeeze %dma_wait3A_1172 : memref<1x64x128xf32, #tpu.memory_space<vmem>> -> memref<64x128xf32, #tpu.memory_space<vmem>>
        %dma_wait3A_1174 = arith.constant 0 : i32
        %dma_wait3A_1175 = arith.constant 0 : i32
        %dma_wait3A_1176 = tpu.memref_slice %arg3[%dma_wait3A_1174, %dma_wait3A_1175] : memref<64x1000000xf32, #tpu.memory_space<hbm>> -> memref<64x128xf32, #tpu.memory_space<hbm>>
        tpu.wait_dma2 semaphore(%arg19 : memref<!tpu.dma_semaphore, #tpu.memory_space<semaphore_mem>>) src(%dma_wait3A_1176 : memref<64x128xf32, #tpu.memory_space<hbm>>) dst(%dma_wait3A_1173 : memref<64x128xf32, #tpu.memory_space<vmem>>)
        %sub3A_1177 = arith.constant 1 : i32
        %sub3A_1178 = arith.subi %scan3A_409, %sub3A_1177 : i32
        %mul3A_1179 = arith.constant 16 : i32
        %mul3A_1180 = arith.muli %sub3A_1178, %mul3A_1179 : i32
        %add3A_1181 = arith.constant 10 : i32
        %add3A_1182 = arith.addi %mul3A_1180, %add3A_1181 : i32
        %slice3A_1183 = vector.extract_strided_slice %scan3A_410 {offsets = [10], sizes = [1], strides = [1]} : vector<16xi32> to vector<1xi32>
        %squeeze3A_1184 = vector.extract %slice3A_1183[0] : i32 from vector<1xi32>
        %and3A_1185 = arith.constant 127 : i32
        %and3A_1186 = arith.andi %squeeze3A_1184, %and3A_1185 : i32
        %broadcast_in_dim3A_1187 = vector.broadcast %and3A_1186 : i32 to vector<16xi32>
        %broadcast_in_dim3A_1188 = arith.constant 0 : i32
        %broadcast_in_dim3A_1189 = vector.broadcast %broadcast_in_dim3A_1188 : i32 to vector<16xi32>
        %add3A_1190 = arith.constant 0 : i32
        %add3A_1191 = arith.addi %add3A_1182, %add3A_1190 : i32
        %broadcast_in_dim3A_1192 = vector.broadcast %add3A_1191 : i32 to vector<16xi32>
        %add3A_1193 = arith.constant 0 : i32
        %add3A_1194 = vector.broadcast %add3A_1193 : i32 to vector<16xi32>
        %add3A_1195 = arith.addi %iota3A, %add3A_1194 : vector<16xi32>
        %gather3A_1196 = tpu.vector_load_idx %arg11[%broadcast_in_dim3A_1189, %add3A_1195, %broadcast_in_dim3A_1187] : memref<1x64x128xf32, #tpu.memory_space<vmem>>[vector<16xi32>, vector<16xi32>, vector<16xi32>], vector<16xf32>,
        %gather3A_1197 = tpu.vector_load_idx %arg7[%add3A_1195, %broadcast_in_dim3A_1192] : memref<64x256xf32, #tpu.memory_space<vmem>>[vector<16xi32>, vector<16xi32>], vector<16xf32>,
        %add3A_1198 = arith.addf %gather3A_1196, %gather3A_1197 : vector<16xf32>
        tpu.vector_store_idx %arg8[%add3A_1195, %broadcast_in_dim3A_1192], %add3A_1198 : memref<64x256xf32, #tpu.memory_space<vmem>>[vector<16xi32>, vector<16xi32>], vector<16xf32>,
        %add3A_1199 = arith.constant 16 : i32
        %add3A_1200 = vector.broadcast %add3A_1199 : i32 to vector<16xi32>
        %add3A_1201 = arith.addi %iota3A, %add3A_1200 : vector<16xi32>
        %gather3A_1202 = tpu.vector_load_idx %arg11[%broadcast_in_dim3A_1189, %add3A_1201, %broadcast_in_dim3A_1187] : memref<1x64x128xf32, #tpu.memory_space<vmem>>[vector<16xi32>, vector<16xi32>, vector<16xi32>], vector<16xf32>,
        %gather3A_1203 = tpu.vector_load_idx %arg7[%add3A_1201, %broadcast_in_dim3A_1192] : memref<64x256xf32, #tpu.memory_space<vmem>>[vector<16xi32>, vector<16xi32>], vector<16xf32>,
        %add3A_1204 = arith.addf %gather3A_1202, %gather3A_1203 : vector<16xf32>
        tpu.vector_store_idx %arg8[%add3A_1201, %broadcast_in_dim3A_1192], %add3A_1204 : memref<64x256xf32, #tpu.memory_space<vmem>>[vector<16xi32>, vector<16xi32>], vector<16xf32>,
        %add3A_1205 = arith.constant 32 : i32
        %add3A_1206 = vector.broadcast %add3A_1205 : i32 to vector<16xi32>
        %add3A_1207 = arith.addi %iota3A, %add3A_1206 : vector<16xi32>
        %gather3A_1208 = tpu.vector_load_idx %arg11[%broadcast_in_dim3A_1189, %add3A_1207, %broadcast_in_dim3A_1187] : memref<1x64x128xf32, #tpu.memory_space<vmem>>[vector<16xi32>, vector<16xi32>, vector<16xi32>], vector<16xf32>,
        %gather3A_1209 = tpu.vector_load_idx %arg7[%add3A_1207, %broadcast_in_dim3A_1192] : memref<64x256xf32, #tpu.memory_space<vmem>>[vector<16xi32>, vector<16xi32>], vector<16xf32>,
        %add3A_1210 = arith.addf %gather3A_1208, %gather3A_1209 : vector<16xf32>
        tpu.vector_store_idx %arg8[%add3A_1207, %broadcast_in_dim3A_1192], %add3A_1210 : memref<64x256xf32, #tpu.memory_space<vmem>>[vector<16xi32>, vector<16xi32>], vector<16xf32>,
        %add3A_1211 = arith.constant 48 : i32
        %add3A_1212 = vector.broadcast %add3A_1211 : i32 to vector<16xi32>
        %add3A_1213 = arith.addi %iota3A, %add3A_1212 : vector<16xi32>
        %gather3A_1214 = tpu.vector_load_idx %arg11[%broadcast_in_dim3A_1189, %add3A_1213, %broadcast_in_dim3A_1187] : memref<1x64x128xf32, #tpu.memory_space<vmem>>[vector<16xi32>, vector<16xi32>, vector<16xi32>], vector<16xf32>,
        %gather3A_1215 = tpu.vector_load_idx %arg7[%add3A_1213, %broadcast_in_dim3A_1192] : memref<64x256xf32, #tpu.memory_space<vmem>>[vector<16xi32>, vector<16xi32>], vector<16xf32>,
        %add3A_1216 = arith.addf %gather3A_1214, %gather3A_1215 : vector<16xf32>
        tpu.vector_store_idx %arg8[%add3A_1213, %broadcast_in_dim3A_1192], %add3A_1216 : memref<64x256xf32, #tpu.memory_space<vmem>>[vector<16xi32>, vector<16xi32>], vector<16xf32>,
      } else {
      }
      %slice3A_461 = vector.extract_strided_slice %get3A_413 {offsets = [2], sizes = [1], strides = [1]} : vector<16xi32> to vector<1xi32>
      %squeeze3A_462 = vector.extract %slice3A_461[0] : i32 from vector<1xi32>
      %and3A_463 = arith.constant -128 : i32
      %and3A_464 = arith.andi %squeeze3A_462, %and3A_463 : i32
      %multiple_of3A_465 = tpu.assume_multiple %and3A_464, 128 : i32
      %dma_start3A_466 = arith.constant 0 : i32
      %dma_start3A_467 = arith.constant 0 : i32
      %dma_start3A_468 = arith.constant 0 : i32
      %dma_start3A_469 = tpu.memref_slice %arg11[%dma_start3A_466, %dma_start3A_467, %dma_start3A_468] : memref<1x64x128xf32, #tpu.memory_space<vmem>> -> memref<1x64x128xf32, #tpu.memory_space<vmem>>
      %dma_start3A_470 = tpu.memref_squeeze %dma_start3A_469 : memref<1x64x128xf32, #tpu.memory_space<vmem>> -> memref<64x128xf32, #tpu.memory_space<vmem>>
      %dma_start3A_471 = arith.constant 0 : i32
      %dma_start3A_472 = tpu.memref_slice %arg3[%dma_start3A_471, %multiple_of3A_465] : memref<64x1000000xf32, #tpu.memory_space<hbm>> -> memref<64x128xf32, #tpu.memory_space<hbm>>
      %dma_start3A_473 = arith.constant 0 : i32
      %dma_start3A_474 = arith.constant 0 : i32
      %dma_start3A_475 = tpu.memref_slice %arg11[%dma_start3A_466, %dma_start3A_473, %dma_start3A_474] : memref<1x64x128xf32, #tpu.memory_space<vmem>> -> memref<1x64x128xf32, #tpu.memory_space<vmem>>
      %dma_start3A_476 = tpu.memref_squeeze %dma_start3A_475 : memref<1x64x128xf32, #tpu.memory_space<vmem>> -> memref<64x128xf32, #tpu.memory_space<vmem>>
      %dma_start3A_477 = arith.constant 0 : i32
      %dma_start3A_478 = tpu.memref_slice %arg3[%dma_start3A_477, %multiple_of3A_465] : memref<64x1000000xf32, #tpu.memory_space<hbm>> -> memref<64x128xf32, #tpu.memory_space<hbm>>
      tpu.enqueue_dma source(%dma_start3A_478 : memref<64x128xf32, #tpu.memory_space<hbm>>) target(%dma_start3A_476 : memref<64x128xf32, #tpu.memory_space<vmem>>) target_semaphore(%arg19 : memref<!tpu.dma_semaphore, #tpu.memory_space<semaphore_mem>>)
      %ge3A_479 = arith.constant 1 : i32
      %ge3A_480 = arith.cmpi sge, %scan3A_409, %ge3A_479 : i32
      %convert_element_type3A_481 = arith.extui %ge3A_480 : i1 to i32
      %cond3A_482 = arith.constant 0 : i32
      %cond3A_483 = arith.cmpi ne, %convert_element_type3A_481, %cond3A_482 : i32
      scf.if %cond3A_483 {
        %dma_wait3A_1162 = arith.constant 0 : i32
        %dma_wait3A_1163 = arith.constant 0 : i32
        %dma_wait3A_1164 = arith.constant 0 : i32
        %dma_wait3A_1165 = tpu.memref_slice %arg12[%dma_wait3A_1162, %dma_wait3A_1163, %dma_wait3A_1164] : memref<1x64x128xf32, #tpu.memory_space<vmem>> -> memref<1x64x128xf32, #tpu.memory_space<vmem>>
        %dma_wait3A_1166 = tpu.memref_squeeze %dma_wait3A_1165 : memref<1x64x128xf32, #tpu.memory_space<vmem>> -> memref<64x128xf32, #tpu.memory_space<vmem>>
        %dma_wait3A_1167 = arith.constant 0 : i32
        %dma_wait3A_1168 = arith.constant 0 : i32
        %dma_wait3A_1169 = tpu.memref_slice %arg3[%dma_wait3A_1167, %dma_wait3A_1168] : memref<64x1000000xf32, #tpu.memory_space<hbm>> -> memref<64x128xf32, #tpu.memory_space<hbm>>
        %dma_wait3A_1170 = arith.constant 0 : i32
        %dma_wait3A_1171 = arith.constant 0 : i32
        %dma_wait3A_1172 = tpu.memref_slice %arg12[%dma_wait3A_1162, %dma_wait3A_1170, %dma_wait3A_1171] : memref<1x64x128xf32, #tpu.memory_space<vmem>> -> memref<1x64x128xf32, #tpu.memory_space<vmem>>
        %dma_wait3A_1173 = tpu.memref_squeeze %dma_wait3A_1172 : memref<1x64x128xf32, #tpu.memory_space<vmem>> -> memref<64x128xf32, #tpu.memory_space<vmem>>
        %dma_wait3A_1174 = arith.constant 0 : i32
        %dma_wait3A_1175 = arith.constant 0 : i32
        %dma_wait3A_1176 = tpu.memref_slice %arg3[%dma_wait3A_1174, %dma_wait3A_1175] : memref<64x1000000xf32, #tpu.memory_space<hbm>> -> memref<64x128xf32, #tpu.memory_space<hbm>>
        tpu.wait_dma2 semaphore(%arg20 : memref<!tpu.dma_semaphore, #tpu.memory_space<semaphore_mem>>) src(%dma_wait3A_1176 : memref<64x128xf32, #tpu.memory_space<hbm>>) dst(%dma_wait3A_1173 : memref<64x128xf32, #tpu.memory_space<vmem>>)
        %sub3A_1177 = arith.constant 1 : i32
        %sub3A_1178 = arith.subi %scan3A_409, %sub3A_1177 : i32
        %mul3A_1179 = arith.constant 16 : i32
        %mul3A_1180 = arith.muli %sub3A_1178, %mul3A_1179 : i32
        %add3A_1181 = arith.constant 11 : i32
        %add3A_1182 = arith.addi %mul3A_1180, %add3A_1181 : i32
        %slice3A_1183 = vector.extract_strided_slice %scan3A_410 {offsets = [11], sizes = [1], strides = [1]} : vector<16xi32> to vector<1xi32>
        %squeeze3A_1184 = vector.extract %slice3A_1183[0] : i32 from vector<1xi32>
        %and3A_1185 = arith.constant 127 : i32
        %and3A_1186 = arith.andi %squeeze3A_1184, %and3A_1185 : i32
        %broadcast_in_dim3A_1187 = vector.broadcast %and3A_1186 : i32 to vector<16xi32>
        %broadcast_in_dim3A_1188 = arith.constant 0 : i32
        %broadcast_in_dim3A_1189 = vector.broadcast %broadcast_in_dim3A_1188 : i32 to vector<16xi32>
        %add3A_1190 = arith.constant 0 : i32
        %add3A_1191 = arith.addi %add3A_1182, %add3A_1190 : i32
        %broadcast_in_dim3A_1192 = vector.broadcast %add3A_1191 : i32 to vector<16xi32>
        %add3A_1193 = arith.constant 0 : i32
        %add3A_1194 = vector.broadcast %add3A_1193 : i32 to vector<16xi32>
        %add3A_1195 = arith.addi %iota3A, %add3A_1194 : vector<16xi32>
        %gather3A_1196 = tpu.vector_load_idx %arg12[%broadcast_in_dim3A_1189, %add3A_1195, %broadcast_in_dim3A_1187] : memref<1x64x128xf32, #tpu.memory_space<vmem>>[vector<16xi32>, vector<16xi32>, vector<16xi32>], vector<16xf32>,
        %gather3A_1197 = tpu.vector_load_idx %arg7[%add3A_1195, %broadcast_in_dim3A_1192] : memref<64x256xf32, #tpu.memory_space<vmem>>[vector<16xi32>, vector<16xi32>], vector<16xf32>,
        %add3A_1198 = arith.addf %gather3A_1196, %gather3A_1197 : vector<16xf32>
        tpu.vector_store_idx %arg8[%add3A_1195, %broadcast_in_dim3A_1192], %add3A_1198 : memref<64x256xf32, #tpu.memory_space<vmem>>[vector<16xi32>, vector<16xi32>], vector<16xf32>,
        %add3A_1199 = arith.constant 16 : i32
        %add3A_1200 = vector.broadcast %add3A_1199 : i32 to vector<16xi32>
        %add3A_1201 = arith.addi %iota3A, %add3A_1200 : vector<16xi32>
        %gather3A_1202 = tpu.vector_load_idx %arg12[%broadcast_in_dim3A_1189, %add3A_1201, %broadcast_in_dim3A_1187] : memref<1x64x128xf32, #tpu.memory_space<vmem>>[vector<16xi32>, vector<16xi32>, vector<16xi32>], vector<16xf32>,
        %gather3A_1203 = tpu.vector_load_idx %arg7[%add3A_1201, %broadcast_in_dim3A_1192] : memref<64x256xf32, #tpu.memory_space<vmem>>[vector<16xi32>, vector<16xi32>], vector<16xf32>,
        %add3A_1204 = arith.addf %gather3A_1202, %gather3A_1203 : vector<16xf32>
        tpu.vector_store_idx %arg8[%add3A_1201, %broadcast_in_dim3A_1192], %add3A_1204 : memref<64x256xf32, #tpu.memory_space<vmem>>[vector<16xi32>, vector<16xi32>], vector<16xf32>,
        %add3A_1205 = arith.constant 32 : i32
        %add3A_1206 = vector.broadcast %add3A_1205 : i32 to vector<16xi32>
        %add3A_1207 = arith.addi %iota3A, %add3A_1206 : vector<16xi32>
        %gather3A_1208 = tpu.vector_load_idx %arg12[%broadcast_in_dim3A_1189, %add3A_1207, %broadcast_in_dim3A_1187] : memref<1x64x128xf32, #tpu.memory_space<vmem>>[vector<16xi32>, vector<16xi32>, vector<16xi32>], vector<16xf32>,
        %gather3A_1209 = tpu.vector_load_idx %arg7[%add3A_1207, %broadcast_in_dim3A_1192] : memref<64x256xf32, #tpu.memory_space<vmem>>[vector<16xi32>, vector<16xi32>], vector<16xf32>,
        %add3A_1210 = arith.addf %gather3A_1208, %gather3A_1209 : vector<16xf32>
        tpu.vector_store_idx %arg8[%add3A_1207, %broadcast_in_dim3A_1192], %add3A_1210 : memref<64x256xf32, #tpu.memory_space<vmem>>[vector<16xi32>, vector<16xi32>], vector<16xf32>,
        %add3A_1211 = arith.constant 48 : i32
        %add3A_1212 = vector.broadcast %add3A_1211 : i32 to vector<16xi32>
        %add3A_1213 = arith.addi %iota3A, %add3A_1212 : vector<16xi32>
        %gather3A_1214 = tpu.vector_load_idx %arg12[%broadcast_in_dim3A_1189, %add3A_1213, %broadcast_in_dim3A_1187] : memref<1x64x128xf32, #tpu.memory_space<vmem>>[vector<16xi32>, vector<16xi32>, vector<16xi32>], vector<16xf32>,
        %gather3A_1215 = tpu.vector_load_idx %arg7[%add3A_1213, %broadcast_in_dim3A_1192] : memref<64x256xf32, #tpu.memory_space<vmem>>[vector<16xi32>, vector<16xi32>], vector<16xf32>,
        %add3A_1216 = arith.addf %gather3A_1214, %gather3A_1215 : vector<16xf32>
        tpu.vector_store_idx %arg8[%add3A_1213, %broadcast_in_dim3A_1192], %add3A_1216 : memref<64x256xf32, #tpu.memory_space<vmem>>[vector<16xi32>, vector<16xi32>], vector<16xf32>,
      } else {
      }
      %slice3A_484 = vector.extract_strided_slice %get3A_413 {offsets = [3], sizes = [1], strides = [1]} : vector<16xi32> to vector<1xi32>
      %squeeze3A_485 = vector.extract %slice3A_484[0] : i32 from vector<1xi32>
      %and3A_486 = arith.constant -128 : i32
      %and3A_487 = arith.andi %squeeze3A_485, %and3A_486 : i32
      %multiple_of3A_488 = tpu.assume_multiple %and3A_487, 128 : i32
      %dma_start3A_489 = arith.constant 0 : i32
      %dma_start3A_490 = arith.constant 0 : i32
      %dma_start3A_491 = arith.constant 0 : i32
      %dma_start3A_492 = tpu.memref_slice %arg12[%dma_start3A_489, %dma_start3A_490, %dma_start3A_491] : memref<1x64x128xf32, #tpu.memory_space<vmem>> -> memref<1x64x128xf32, #tpu.memory_space<vmem>>
      %dma_start3A_493 = tpu.memref_squeeze %dma_start3A_492 : memref<1x64x128xf32, #tpu.memory_space<vmem>> -> memref<64x128xf32, #tpu.memory_space<vmem>>
      %dma_start3A_494 = arith.constant 0 : i32
      %dma_start3A_495 = tpu.memref_slice %arg3[%dma_start3A_494, %multiple_of3A_488] : memref<64x1000000xf32, #tpu.memory_space<hbm>> -> memref<64x128xf32, #tpu.memory_space<hbm>>
      %dma_start3A_496 = arith.constant 0 : i32
      %dma_start3A_497 = arith.constant 0 : i32
      %dma_start3A_498 = tpu.memref_slice %arg12[%dma_start3A_489, %dma_start3A_496, %dma_start3A_497] : memref<1x64x128xf32, #tpu.memory_space<vmem>> -> memref<1x64x128xf32, #tpu.memory_space<vmem>>
      %dma_start3A_499 = tpu.memref_squeeze %dma_start3A_498 : memref<1x64x128xf32, #tpu.memory_space<vmem>> -> memref<64x128xf32, #tpu.memory_space<vmem>>
      %dma_start3A_500 = arith.constant 0 : i32
      %dma_start3A_501 = tpu.memref_slice %arg3[%dma_start3A_500, %multiple_of3A_488] : memref<64x1000000xf32, #tpu.memory_space<hbm>> -> memref<64x128xf32, #tpu.memory_space<hbm>>
      tpu.enqueue_dma source(%dma_start3A_501 : memref<64x128xf32, #tpu.memory_space<hbm>>) target(%dma_start3A_499 : memref<64x128xf32, #tpu.memory_space<vmem>>) target_semaphore(%arg20 : memref<!tpu.dma_semaphore, #tpu.memory_space<semaphore_mem>>)
      %ge3A_502 = arith.constant 1 : i32
      %ge3A_503 = arith.cmpi sge, %scan3A_409, %ge3A_502 : i32
      %convert_element_type3A_504 = arith.extui %ge3A_503 : i1 to i32
      %cond3A_505 = arith.constant 0 : i32
      %cond3A_506 = arith.cmpi ne, %convert_element_type3A_504, %cond3A_505 : i32
      scf.if %cond3A_506 {
        %dma_wait3A_1162 = arith.constant 0 : i32
        %dma_wait3A_1163 = arith.constant 0 : i32
        %dma_wait3A_1164 = arith.constant 0 : i32
        %dma_wait3A_1165 = tpu.memref_slice %arg13[%dma_wait3A_1162, %dma_wait3A_1163, %dma_wait3A_1164] : memref<1x64x128xf32, #tpu.memory_space<vmem>> -> memref<1x64x128xf32, #tpu.memory_space<vmem>>
        %dma_wait3A_1166 = tpu.memref_squeeze %dma_wait3A_1165 : memref<1x64x128xf32, #tpu.memory_space<vmem>> -> memref<64x128xf32, #tpu.memory_space<vmem>>
        %dma_wait3A_1167 = arith.constant 0 : i32
        %dma_wait3A_1168 = arith.constant 0 : i32
        %dma_wait3A_1169 = tpu.memref_slice %arg3[%dma_wait3A_1167, %dma_wait3A_1168] : memref<64x1000000xf32, #tpu.memory_space<hbm>> -> memref<64x128xf32, #tpu.memory_space<hbm>>
        %dma_wait3A_1170 = arith.constant 0 : i32
        %dma_wait3A_1171 = arith.constant 0 : i32
        %dma_wait3A_1172 = tpu.memref_slice %arg13[%dma_wait3A_1162, %dma_wait3A_1170, %dma_wait3A_1171] : memref<1x64x128xf32, #tpu.memory_space<vmem>> -> memref<1x64x128xf32, #tpu.memory_space<vmem>>
        %dma_wait3A_1173 = tpu.memref_squeeze %dma_wait3A_1172 : memref<1x64x128xf32, #tpu.memory_space<vmem>> -> memref<64x128xf32, #tpu.memory_space<vmem>>
        %dma_wait3A_1174 = arith.constant 0 : i32
        %dma_wait3A_1175 = arith.constant 0 : i32
        %dma_wait3A_1176 = tpu.memref_slice %arg3[%dma_wait3A_1174, %dma_wait3A_1175] : memref<64x1000000xf32, #tpu.memory_space<hbm>> -> memref<64x128xf32, #tpu.memory_space<hbm>>
        tpu.wait_dma2 semaphore(%arg21 : memref<!tpu.dma_semaphore, #tpu.memory_space<semaphore_mem>>) src(%dma_wait3A_1176 : memref<64x128xf32, #tpu.memory_space<hbm>>) dst(%dma_wait3A_1173 : memref<64x128xf32, #tpu.memory_space<vmem>>)
        %sub3A_1177 = arith.constant 1 : i32
        %sub3A_1178 = arith.subi %scan3A_409, %sub3A_1177 : i32
        %mul3A_1179 = arith.constant 16 : i32
        %mul3A_1180 = arith.muli %sub3A_1178, %mul3A_1179 : i32
        %add3A_1181 = arith.constant 12 : i32
        %add3A_1182 = arith.addi %mul3A_1180, %add3A_1181 : i32
        %slice3A_1183 = vector.extract_strided_slice %scan3A_410 {offsets = [12], sizes = [1], strides = [1]} : vector<16xi32> to vector<1xi32>
        %squeeze3A_1184 = vector.extract %slice3A_1183[0] : i32 from vector<1xi32>
        %and3A_1185 = arith.constant 127 : i32
        %and3A_1186 = arith.andi %squeeze3A_1184, %and3A_1185 : i32
        %broadcast_in_dim3A_1187 = vector.broadcast %and3A_1186 : i32 to vector<16xi32>
        %broadcast_in_dim3A_1188 = arith.constant 0 : i32
        %broadcast_in_dim3A_1189 = vector.broadcast %broadcast_in_dim3A_1188 : i32 to vector<16xi32>
        %add3A_1190 = arith.constant 0 : i32
        %add3A_1191 = arith.addi %add3A_1182, %add3A_1190 : i32
        %broadcast_in_dim3A_1192 = vector.broadcast %add3A_1191 : i32 to vector<16xi32>
        %add3A_1193 = arith.constant 0 : i32
        %add3A_1194 = vector.broadcast %add3A_1193 : i32 to vector<16xi32>
        %add3A_1195 = arith.addi %iota3A, %add3A_1194 : vector<16xi32>
        %gather3A_1196 = tpu.vector_load_idx %arg13[%broadcast_in_dim3A_1189, %add3A_1195, %broadcast_in_dim3A_1187] : memref<1x64x128xf32, #tpu.memory_space<vmem>>[vector<16xi32>, vector<16xi32>, vector<16xi32>], vector<16xf32>,
        %gather3A_1197 = tpu.vector_load_idx %arg7[%add3A_1195, %broadcast_in_dim3A_1192] : memref<64x256xf32, #tpu.memory_space<vmem>>[vector<16xi32>, vector<16xi32>], vector<16xf32>,
        %add3A_1198 = arith.addf %gather3A_1196, %gather3A_1197 : vector<16xf32>
        tpu.vector_store_idx %arg8[%add3A_1195, %broadcast_in_dim3A_1192], %add3A_1198 : memref<64x256xf32, #tpu.memory_space<vmem>>[vector<16xi32>, vector<16xi32>], vector<16xf32>,
        %add3A_1199 = arith.constant 16 : i32
        %add3A_1200 = vector.broadcast %add3A_1199 : i32 to vector<16xi32>
        %add3A_1201 = arith.addi %iota3A, %add3A_1200 : vector<16xi32>
        %gather3A_1202 = tpu.vector_load_idx %arg13[%broadcast_in_dim3A_1189, %add3A_1201, %broadcast_in_dim3A_1187] : memref<1x64x128xf32, #tpu.memory_space<vmem>>[vector<16xi32>, vector<16xi32>, vector<16xi32>], vector<16xf32>,
        %gather3A_1203 = tpu.vector_load_idx %arg7[%add3A_1201, %broadcast_in_dim3A_1192] : memref<64x256xf32, #tpu.memory_space<vmem>>[vector<16xi32>, vector<16xi32>], vector<16xf32>,
        %add3A_1204 = arith.addf %gather3A_1202, %gather3A_1203 : vector<16xf32>
        tpu.vector_store_idx %arg8[%add3A_1201, %broadcast_in_dim3A_1192], %add3A_1204 : memref<64x256xf32, #tpu.memory_space<vmem>>[vector<16xi32>, vector<16xi32>], vector<16xf32>,
        %add3A_1205 = arith.constant 32 : i32
        %add3A_1206 = vector.broadcast %add3A_1205 : i32 to vector<16xi32>
        %add3A_1207 = arith.addi %iota3A, %add3A_1206 : vector<16xi32>
        %gather3A_1208 = tpu.vector_load_idx %arg13[%broadcast_in_dim3A_1189, %add3A_1207, %broadcast_in_dim3A_1187] : memref<1x64x128xf32, #tpu.memory_space<vmem>>[vector<16xi32>, vector<16xi32>, vector<16xi32>], vector<16xf32>,
        %gather3A_1209 = tpu.vector_load_idx %arg7[%add3A_1207, %broadcast_in_dim3A_1192] : memref<64x256xf32, #tpu.memory_space<vmem>>[vector<16xi32>, vector<16xi32>], vector<16xf32>,
        %add3A_1210 = arith.addf %gather3A_1208, %gather3A_1209 : vector<16xf32>
        tpu.vector_store_idx %arg8[%add3A_1207, %broadcast_in_dim3A_1192], %add3A_1210 : memref<64x256xf32, #tpu.memory_space<vmem>>[vector<16xi32>, vector<16xi32>], vector<16xf32>,
        %add3A_1211 = arith.constant 48 : i32
        %add3A_1212 = vector.broadcast %add3A_1211 : i32 to vector<16xi32>
        %add3A_1213 = arith.addi %iota3A, %add3A_1212 : vector<16xi32>
        %gather3A_1214 = tpu.vector_load_idx %arg13[%broadcast_in_dim3A_1189, %add3A_1213, %broadcast_in_dim3A_1187] : memref<1x64x128xf32, #tpu.memory_space<vmem>>[vector<16xi32>, vector<16xi32>, vector<16xi32>], vector<16xf32>,
        %gather3A_1215 = tpu.vector_load_idx %arg7[%add3A_1213, %broadcast_in_dim3A_1192] : memref<64x256xf32, #tpu.memory_space<vmem>>[vector<16xi32>, vector<16xi32>], vector<16xf32>,
        %add3A_1216 = arith.addf %gather3A_1214, %gather3A_1215 : vector<16xf32>
        tpu.vector_store_idx %arg8[%add3A_1213, %broadcast_in_dim3A_1192], %add3A_1216 : memref<64x256xf32, #tpu.memory_space<vmem>>[vector<16xi32>, vector<16xi32>], vector<16xf32>,
      } else {
      }
      %slice3A_507 = vector.extract_strided_slice %get3A_413 {offsets = [4], sizes = [1], strides = [1]} : vector<16xi32> to vector<1xi32>
      %squeeze3A_508 = vector.extract %slice3A_507[0] : i32 from vector<1xi32>
      %and3A_509 = arith.constant -128 : i32
      %and3A_510 = arith.andi %squeeze3A_508, %and3A_509 : i32
      %multiple_of3A_511 = tpu.assume_multiple %and3A_510, 128 : i32
      %dma_start3A_512 = arith.constant 0 : i32
      %dma_start3A_513 = arith.constant 0 : i32
      %dma_start3A_514 = arith.constant 0 : i32
      %dma_start3A_515 = tpu.memref_slice %arg13[%dma_start3A_512, %dma_start3A_513, %dma_start3A_514] : memref<1x64x128xf32, #tpu.memory_space<vmem>> -> memref<1x64x128xf32, #tpu.memory_space<vmem>>
      %dma_start3A_516 = tpu.memref_squeeze %dma_start3A_515 : memref<1x64x128xf32, #tpu.memory_space<vmem>> -> memref<64x128xf32, #tpu.memory_space<vmem>>
      %dma_start3A_517 = arith.constant 0 : i32
      %dma_start3A_518 = tpu.memref_slice %arg3[%dma_start3A_517, %multiple_of3A_511] : memref<64x1000000xf32, #tpu.memory_space<hbm>> -> memref<64x128xf32, #tpu.memory_space<hbm>>
      %dma_start3A_519 = arith.constant 0 : i32
      %dma_start3A_520 = arith.constant 0 : i32
      %dma_start3A_521 = tpu.memref_slice %arg13[%dma_start3A_512, %dma_start3A_519, %dma_start3A_520] : memref<1x64x128xf32, #tpu.memory_space<vmem>> -> memref<1x64x128xf32, #tpu.memory_space<vmem>>
      %dma_start3A_522 = tpu.memref_squeeze %dma_start3A_521 : memref<1x64x128xf32, #tpu.memory_space<vmem>> -> memref<64x128xf32, #tpu.memory_space<vmem>>
      %dma_start3A_523 = arith.constant 0 : i32
      %dma_start3A_524 = tpu.memref_slice %arg3[%dma_start3A_523, %multiple_of3A_511] : memref<64x1000000xf32, #tpu.memory_space<hbm>> -> memref<64x128xf32, #tpu.memory_space<hbm>>
      tpu.enqueue_dma source(%dma_start3A_524 : memref<64x128xf32, #tpu.memory_space<hbm>>) target(%dma_start3A_522 : memref<64x128xf32, #tpu.memory_space<vmem>>) target_semaphore(%arg21 : memref<!tpu.dma_semaphore, #tpu.memory_space<semaphore_mem>>)
      %ge3A_525 = arith.constant 1 : i32
      %ge3A_526 = arith.cmpi sge, %scan3A_409, %ge3A_525 : i32
      %convert_element_type3A_527 = arith.extui %ge3A_526 : i1 to i32
      %cond3A_528 = arith.constant 0 : i32
      %cond3A_529 = arith.cmpi ne, %convert_element_type3A_527, %cond3A_528 : i32
      scf.if %cond3A_529 {
        %dma_wait3A_1162 = arith.constant 0 : i32
        %dma_wait3A_1163 = arith.constant 0 : i32
        %dma_wait3A_1164 = arith.constant 0 : i32
        %dma_wait3A_1165 = tpu.memref_slice %arg14[%dma_wait3A_1162, %dma_wait3A_1163, %dma_wait3A_1164] : memref<1x64x128xf32, #tpu.memory_space<vmem>> -> memref<1x64x128xf32, #tpu.memory_space<vmem>>
        %dma_wait3A_1166 = tpu.memref_squeeze %dma_wait3A_1165 : memref<1x64x128xf32, #tpu.memory_space<vmem>> -> memref<64x128xf32, #tpu.memory_space<vmem>>
        %dma_wait3A_1167 = arith.constant 0 : i32
        %dma_wait3A_1168 = arith.constant 0 : i32
        %dma_wait3A_1169 = tpu.memref_slice %arg3[%dma_wait3A_1167, %dma_wait3A_1168] : memref<64x1000000xf32, #tpu.memory_space<hbm>> -> memref<64x128xf32, #tpu.memory_space<hbm>>
        %dma_wait3A_1170 = arith.constant 0 : i32
        %dma_wait3A_1171 = arith.constant 0 : i32
        %dma_wait3A_1172 = tpu.memref_slice %arg14[%dma_wait3A_1162, %dma_wait3A_1170, %dma_wait3A_1171] : memref<1x64x128xf32, #tpu.memory_space<vmem>> -> memref<1x64x128xf32, #tpu.memory_space<vmem>>
        %dma_wait3A_1173 = tpu.memref_squeeze %dma_wait3A_1172 : memref<1x64x128xf32, #tpu.memory_space<vmem>> -> memref<64x128xf32, #tpu.memory_space<vmem>>
        %dma_wait3A_1174 = arith.constant 0 : i32
        %dma_wait3A_1175 = arith.constant 0 : i32
        %dma_wait3A_1176 = tpu.memref_slice %arg3[%dma_wait3A_1174, %dma_wait3A_1175] : memref<64x1000000xf32, #tpu.memory_space<hbm>> -> memref<64x128xf32, #tpu.memory_space<hbm>>
        tpu.wait_dma2 semaphore(%arg22 : memref<!tpu.dma_semaphore, #tpu.memory_space<semaphore_mem>>) src(%dma_wait3A_1176 : memref<64x128xf32, #tpu.memory_space<hbm>>) dst(%dma_wait3A_1173 : memref<64x128xf32, #tpu.memory_space<vmem>>)
        %sub3A_1177 = arith.constant 1 : i32
        %sub3A_1178 = arith.subi %scan3A_409, %sub3A_1177 : i32
        %mul3A_1179 = arith.constant 16 : i32
        %mul3A_1180 = arith.muli %sub3A_1178, %mul3A_1179 : i32
        %add3A_1181 = arith.constant 13 : i32
        %add3A_1182 = arith.addi %mul3A_1180, %add3A_1181 : i32
        %slice3A_1183 = vector.extract_strided_slice %scan3A_410 {offsets = [13], sizes = [1], strides = [1]} : vector<16xi32> to vector<1xi32>
        %squeeze3A_1184 = vector.extract %slice3A_1183[0] : i32 from vector<1xi32>
        %and3A_1185 = arith.constant 127 : i32
        %and3A_1186 = arith.andi %squeeze3A_1184, %and3A_1185 : i32
        %broadcast_in_dim3A_1187 = vector.broadcast %and3A_1186 : i32 to vector<16xi32>
        %broadcast_in_dim3A_1188 = arith.constant 0 : i32
        %broadcast_in_dim3A_1189 = vector.broadcast %broadcast_in_dim3A_1188 : i32 to vector<16xi32>
        %add3A_1190 = arith.constant 0 : i32
        %add3A_1191 = arith.addi %add3A_1182, %add3A_1190 : i32
        %broadcast_in_dim3A_1192 = vector.broadcast %add3A_1191 : i32 to vector<16xi32>
        %add3A_1193 = arith.constant 0 : i32
        %add3A_1194 = vector.broadcast %add3A_1193 : i32 to vector<16xi32>
        %add3A_1195 = arith.addi %iota3A, %add3A_1194 : vector<16xi32>
        %gather3A_1196 = tpu.vector_load_idx %arg14[%broadcast_in_dim3A_1189, %add3A_1195, %broadcast_in_dim3A_1187] : memref<1x64x128xf32, #tpu.memory_space<vmem>>[vector<16xi32>, vector<16xi32>, vector<16xi32>], vector<16xf32>,
        %gather3A_1197 = tpu.vector_load_idx %arg7[%add3A_1195, %broadcast_in_dim3A_1192] : memref<64x256xf32, #tpu.memory_space<vmem>>[vector<16xi32>, vector<16xi32>], vector<16xf32>,
        %add3A_1198 = arith.addf %gather3A_1196, %gather3A_1197 : vector<16xf32>
        tpu.vector_store_idx %arg8[%add3A_1195, %broadcast_in_dim3A_1192], %add3A_1198 : memref<64x256xf32, #tpu.memory_space<vmem>>[vector<16xi32>, vector<16xi32>], vector<16xf32>,
        %add3A_1199 = arith.constant 16 : i32
        %add3A_1200 = vector.broadcast %add3A_1199 : i32 to vector<16xi32>
        %add3A_1201 = arith.addi %iota3A, %add3A_1200 : vector<16xi32>
        %gather3A_1202 = tpu.vector_load_idx %arg14[%broadcast_in_dim3A_1189, %add3A_1201, %broadcast_in_dim3A_1187] : memref<1x64x128xf32, #tpu.memory_space<vmem>>[vector<16xi32>, vector<16xi32>, vector<16xi32>], vector<16xf32>,
        %gather3A_1203 = tpu.vector_load_idx %arg7[%add3A_1201, %broadcast_in_dim3A_1192] : memref<64x256xf32, #tpu.memory_space<vmem>>[vector<16xi32>, vector<16xi32>], vector<16xf32>,
        %add3A_1204 = arith.addf %gather3A_1202, %gather3A_1203 : vector<16xf32>
        tpu.vector_store_idx %arg8[%add3A_1201, %broadcast_in_dim3A_1192], %add3A_1204 : memref<64x256xf32, #tpu.memory_space<vmem>>[vector<16xi32>, vector<16xi32>], vector<16xf32>,
        %add3A_1205 = arith.constant 32 : i32
        %add3A_1206 = vector.broadcast %add3A_1205 : i32 to vector<16xi32>
        %add3A_1207 = arith.addi %iota3A, %add3A_1206 : vector<16xi32>
        %gather3A_1208 = tpu.vector_load_idx %arg14[%broadcast_in_dim3A_1189, %add3A_1207, %broadcast_in_dim3A_1187] : memref<1x64x128xf32, #tpu.memory_space<vmem>>[vector<16xi32>, vector<16xi32>, vector<16xi32>], vector<16xf32>,
        %gather3A_1209 = tpu.vector_load_idx %arg7[%add3A_1207, %broadcast_in_dim3A_1192] : memref<64x256xf32, #tpu.memory_space<vmem>>[vector<16xi32>, vector<16xi32>], vector<16xf32>,
        %add3A_1210 = arith.addf %gather3A_1208, %gather3A_1209 : vector<16xf32>
        tpu.vector_store_idx %arg8[%add3A_1207, %broadcast_in_dim3A_1192], %add3A_1210 : memref<64x256xf32, #tpu.memory_space<vmem>>[vector<16xi32>, vector<16xi32>], vector<16xf32>,
        %add3A_1211 = arith.constant 48 : i32
        %add3A_1212 = vector.broadcast %add3A_1211 : i32 to vector<16xi32>
        %add3A_1213 = arith.addi %iota3A, %add3A_1212 : vector<16xi32>
        %gather3A_1214 = tpu.vector_load_idx %arg14[%broadcast_in_dim3A_1189, %add3A_1213, %broadcast_in_dim3A_1187] : memref<1x64x128xf32, #tpu.memory_space<vmem>>[vector<16xi32>, vector<16xi32>, vector<16xi32>], vector<16xf32>,
        %gather3A_1215 = tpu.vector_load_idx %arg7[%add3A_1213, %broadcast_in_dim3A_1192] : memref<64x256xf32, #tpu.memory_space<vmem>>[vector<16xi32>, vector<16xi32>], vector<16xf32>,
        %add3A_1216 = arith.addf %gather3A_1214, %gather3A_1215 : vector<16xf32>
        tpu.vector_store_idx %arg8[%add3A_1213, %broadcast_in_dim3A_1192], %add3A_1216 : memref<64x256xf32, #tpu.memory_space<vmem>>[vector<16xi32>, vector<16xi32>], vector<16xf32>,
      } else {
      }
      %slice3A_530 = vector.extract_strided_slice %get3A_413 {offsets = [5], sizes = [1], strides = [1]} : vector<16xi32> to vector<1xi32>
      %squeeze3A_531 = vector.extract %slice3A_530[0] : i32 from vector<1xi32>
      %and3A_532 = arith.constant -128 : i32
      %and3A_533 = arith.andi %squeeze3A_531, %and3A_532 : i32
      %multiple_of3A_534 = tpu.assume_multiple %and3A_533, 128 : i32
      %dma_start3A_535 = arith.constant 0 : i32
      %dma_start3A_536 = arith.constant 0 : i32
      %dma_start3A_537 = arith.constant 0 : i32
      %dma_start3A_538 = tpu.memref_slice %arg14[%dma_start3A_535, %dma_start3A_536, %dma_start3A_537] : memref<1x64x128xf32, #tpu.memory_space<vmem>> -> memref<1x64x128xf32, #tpu.memory_space<vmem>>
      %dma_start3A_539 = tpu.memref_squeeze %dma_start3A_538 : memref<1x64x128xf32, #tpu.memory_space<vmem>> -> memref<64x128xf32, #tpu.memory_space<vmem>>
      %dma_start3A_540 = arith.constant 0 : i32
      %dma_start3A_541 = tpu.memref_slice %arg3[%dma_start3A_540, %multiple_of3A_534] : memref<64x1000000xf32, #tpu.memory_space<hbm>> -> memref<64x128xf32, #tpu.memory_space<hbm>>
      %dma_start3A_542 = arith.constant 0 : i32
      %dma_start3A_543 = arith.constant 0 : i32
      %dma_start3A_544 = tpu.memref_slice %arg14[%dma_start3A_535, %dma_start3A_542, %dma_start3A_543] : memref<1x64x128xf32, #tpu.memory_space<vmem>> -> memref<1x64x128xf32, #tpu.memory_space<vmem>>
      %dma_start3A_545 = tpu.memref_squeeze %dma_start3A_544 : memref<1x64x128xf32, #tpu.memory_space<vmem>> -> memref<64x128xf32, #tpu.memory_space<vmem>>
      %dma_start3A_546 = arith.constant 0 : i32
      %dma_start3A_547 = tpu.memref_slice %arg3[%dma_start3A_546, %multiple_of3A_534] : memref<64x1000000xf32, #tpu.memory_space<hbm>> -> memref<64x128xf32, #tpu.memory_space<hbm>>
      tpu.enqueue_dma source(%dma_start3A_547 : memref<64x128xf32, #tpu.memory_space<hbm>>) target(%dma_start3A_545 : memref<64x128xf32, #tpu.memory_space<vmem>>) target_semaphore(%arg22 : memref<!tpu.dma_semaphore, #tpu.memory_space<semaphore_mem>>)
      %ge3A_548 = arith.constant 1 : i32
      %ge3A_549 = arith.cmpi sge, %scan3A_409, %ge3A_548 : i32
      %convert_element_type3A_550 = arith.extui %ge3A_549 : i1 to i32
      %cond3A_551 = arith.constant 0 : i32
      %cond3A_552 = arith.cmpi ne, %convert_element_type3A_550, %cond3A_551 : i32
      scf.if %cond3A_552 {
        %dma_wait3A_1162 = arith.constant 0 : i32
        %dma_wait3A_1163 = arith.constant 0 : i32
        %dma_wait3A_1164 = arith.constant 0 : i32
        %dma_wait3A_1165 = tpu.memref_slice %arg15[%dma_wait3A_1162, %dma_wait3A_1163, %dma_wait3A_1164] : memref<1x64x128xf32, #tpu.memory_space<vmem>> -> memref<1x64x128xf32, #tpu.memory_space<vmem>>
        %dma_wait3A_1166 = tpu.memref_squeeze %dma_wait3A_1165 : memref<1x64x128xf32, #tpu.memory_space<vmem>> -> memref<64x128xf32, #tpu.memory_space<vmem>>
        %dma_wait3A_1167 = arith.constant 0 : i32
        %dma_wait3A_1168 = arith.constant 0 : i32
        %dma_wait3A_1169 = tpu.memref_slice %arg3[%dma_wait3A_1167, %dma_wait3A_1168] : memref<64x1000000xf32, #tpu.memory_space<hbm>> -> memref<64x128xf32, #tpu.memory_space<hbm>>
        %dma_wait3A_1170 = arith.constant 0 : i32
        %dma_wait3A_1171 = arith.constant 0 : i32
        %dma_wait3A_1172 = tpu.memref_slice %arg15[%dma_wait3A_1162, %dma_wait3A_1170, %dma_wait3A_1171] : memref<1x64x128xf32, #tpu.memory_space<vmem>> -> memref<1x64x128xf32, #tpu.memory_space<vmem>>
        %dma_wait3A_1173 = tpu.memref_squeeze %dma_wait3A_1172 : memref<1x64x128xf32, #tpu.memory_space<vmem>> -> memref<64x128xf32, #tpu.memory_space<vmem>>
        %dma_wait3A_1174 = arith.constant 0 : i32
        %dma_wait3A_1175 = arith.constant 0 : i32
        %dma_wait3A_1176 = tpu.memref_slice %arg3[%dma_wait3A_1174, %dma_wait3A_1175] : memref<64x1000000xf32, #tpu.memory_space<hbm>> -> memref<64x128xf32, #tpu.memory_space<hbm>>
        tpu.wait_dma2 semaphore(%arg23 : memref<!tpu.dma_semaphore, #tpu.memory_space<semaphore_mem>>) src(%dma_wait3A_1176 : memref<64x128xf32, #tpu.memory_space<hbm>>) dst(%dma_wait3A_1173 : memref<64x128xf32, #tpu.memory_space<vmem>>)
        %sub3A_1177 = arith.constant 1 : i32
        %sub3A_1178 = arith.subi %scan3A_409, %sub3A_1177 : i32
        %mul3A_1179 = arith.constant 16 : i32
        %mul3A_1180 = arith.muli %sub3A_1178, %mul3A_1179 : i32
        %add3A_1181 = arith.constant 14 : i32
        %add3A_1182 = arith.addi %mul3A_1180, %add3A_1181 : i32
        %slice3A_1183 = vector.extract_strided_slice %scan3A_410 {offsets = [14], sizes = [1], strides = [1]} : vector<16xi32> to vector<1xi32>
        %squeeze3A_1184 = vector.extract %slice3A_1183[0] : i32 from vector<1xi32>
        %and3A_1185 = arith.constant 127 : i32
        %and3A_1186 = arith.andi %squeeze3A_1184, %and3A_1185 : i32
        %broadcast_in_dim3A_1187 = vector.broadcast %and3A_1186 : i32 to vector<16xi32>
        %broadcast_in_dim3A_1188 = arith.constant 0 : i32
        %broadcast_in_dim3A_1189 = vector.broadcast %broadcast_in_dim3A_1188 : i32 to vector<16xi32>
        %add3A_1190 = arith.constant 0 : i32
        %add3A_1191 = arith.addi %add3A_1182, %add3A_1190 : i32
        %broadcast_in_dim3A_1192 = vector.broadcast %add3A_1191 : i32 to vector<16xi32>
        %add3A_1193 = arith.constant 0 : i32
        %add3A_1194 = vector.broadcast %add3A_1193 : i32 to vector<16xi32>
        %add3A_1195 = arith.addi %iota3A, %add3A_1194 : vector<16xi32>
        %gather3A_1196 = tpu.vector_load_idx %arg15[%broadcast_in_dim3A_1189, %add3A_1195, %broadcast_in_dim3A_1187] : memref<1x64x128xf32, #tpu.memory_space<vmem>>[vector<16xi32>, vector<16xi32>, vector<16xi32>], vector<16xf32>,
        %gather3A_1197 = tpu.vector_load_idx %arg7[%add3A_1195, %broadcast_in_dim3A_1192] : memref<64x256xf32, #tpu.memory_space<vmem>>[vector<16xi32>, vector<16xi32>], vector<16xf32>,
        %add3A_1198 = arith.addf %gather3A_1196, %gather3A_1197 : vector<16xf32>
        tpu.vector_store_idx %arg8[%add3A_1195, %broadcast_in_dim3A_1192], %add3A_1198 : memref<64x256xf32, #tpu.memory_space<vmem>>[vector<16xi32>, vector<16xi32>], vector<16xf32>,
        %add3A_1199 = arith.constant 16 : i32
        %add3A_1200 = vector.broadcast %add3A_1199 : i32 to vector<16xi32>
        %add3A_1201 = arith.addi %iota3A, %add3A_1200 : vector<16xi32>
        %gather3A_1202 = tpu.vector_load_idx %arg15[%broadcast_in_dim3A_1189, %add3A_1201, %broadcast_in_dim3A_1187] : memref<1x64x128xf32, #tpu.memory_space<vmem>>[vector<16xi32>, vector<16xi32>, vector<16xi32>], vector<16xf32>,
        %gather3A_1203 = tpu.vector_load_idx %arg7[%add3A_1201, %broadcast_in_dim3A_1192] : memref<64x256xf32, #tpu.memory_space<vmem>>[vector<16xi32>, vector<16xi32>], vector<16xf32>,
        %add3A_1204 = arith.addf %gather3A_1202, %gather3A_1203 : vector<16xf32>
        tpu.vector_store_idx %arg8[%add3A_1201, %broadcast_in_dim3A_1192], %add3A_1204 : memref<64x256xf32, #tpu.memory_space<vmem>>[vector<16xi32>, vector<16xi32>], vector<16xf32>,
        %add3A_1205 = arith.constant 32 : i32
        %add3A_1206 = vector.broadcast %add3A_1205 : i32 to vector<16xi32>
        %add3A_1207 = arith.addi %iota3A, %add3A_1206 : vector<16xi32>
        %gather3A_1208 = tpu.vector_load_idx %arg15[%broadcast_in_dim3A_1189, %add3A_1207, %broadcast_in_dim3A_1187] : memref<1x64x128xf32, #tpu.memory_space<vmem>>[vector<16xi32>, vector<16xi32>, vector<16xi32>], vector<16xf32>,
        %gather3A_1209 = tpu.vector_load_idx %arg7[%add3A_1207, %broadcast_in_dim3A_1192] : memref<64x256xf32, #tpu.memory_space<vmem>>[vector<16xi32>, vector<16xi32>], vector<16xf32>,
        %add3A_1210 = arith.addf %gather3A_1208, %gather3A_1209 : vector<16xf32>
        tpu.vector_store_idx %arg8[%add3A_1207, %broadcast_in_dim3A_1192], %add3A_1210 : memref<64x256xf32, #tpu.memory_space<vmem>>[vector<16xi32>, vector<16xi32>], vector<16xf32>,
        %add3A_1211 = arith.constant 48 : i32
        %add3A_1212 = vector.broadcast %add3A_1211 : i32 to vector<16xi32>
        %add3A_1213 = arith.addi %iota3A, %add3A_1212 : vector<16xi32>
        %gather3A_1214 = tpu.vector_load_idx %arg15[%broadcast_in_dim3A_1189, %add3A_1213, %broadcast_in_dim3A_1187] : memref<1x64x128xf32, #tpu.memory_space<vmem>>[vector<16xi32>, vector<16xi32>, vector<16xi32>], vector<16xf32>,
        %gather3A_1215 = tpu.vector_load_idx %arg7[%add3A_1213, %broadcast_in_dim3A_1192] : memref<64x256xf32, #tpu.memory_space<vmem>>[vector<16xi32>, vector<16xi32>], vector<16xf32>,
        %add3A_1216 = arith.addf %gather3A_1214, %gather3A_1215 : vector<16xf32>
        tpu.vector_store_idx %arg8[%add3A_1213, %broadcast_in_dim3A_1192], %add3A_1216 : memref<64x256xf32, #tpu.memory_space<vmem>>[vector<16xi32>, vector<16xi32>], vector<16xf32>,
      } else {
      }
      %slice3A_553 = vector.extract_strided_slice %get3A_413 {offsets = [6], sizes = [1], strides = [1]} : vector<16xi32> to vector<1xi32>
      %squeeze3A_554 = vector.extract %slice3A_553[0] : i32 from vector<1xi32>
      %and3A_555 = arith.constant -128 : i32
      %and3A_556 = arith.andi %squeeze3A_554, %and3A_555 : i32
      %multiple_of3A_557 = tpu.assume_multiple %and3A_556, 128 : i32
      %dma_start3A_558 = arith.constant 0 : i32
      %dma_start3A_559 = arith.constant 0 : i32
      %dma_start3A_560 = arith.constant 0 : i32
      %dma_start3A_561 = tpu.memref_slice %arg15[%dma_start3A_558, %dma_start3A_559, %dma_start3A_560] : memref<1x64x128xf32, #tpu.memory_space<vmem>> -> memref<1x64x128xf32, #tpu.memory_space<vmem>>
      %dma_start3A_562 = tpu.memref_squeeze %dma_start3A_561 : memref<1x64x128xf32, #tpu.memory_space<vmem>> -> memref<64x128xf32, #tpu.memory_space<vmem>>
      %dma_start3A_563 = arith.constant 0 : i32
      %dma_start3A_564 = tpu.memref_slice %arg3[%dma_start3A_563, %multiple_of3A_557] : memref<64x1000000xf32, #tpu.memory_space<hbm>> -> memref<64x128xf32, #tpu.memory_space<hbm>>
      %dma_start3A_565 = arith.constant 0 : i32
      %dma_start3A_566 = arith.constant 0 : i32
      %dma_start3A_567 = tpu.memref_slice %arg15[%dma_start3A_558, %dma_start3A_565, %dma_start3A_566] : memref<1x64x128xf32, #tpu.memory_space<vmem>> -> memref<1x64x128xf32, #tpu.memory_space<vmem>>
      %dma_start3A_568 = tpu.memref_squeeze %dma_start3A_567 : memref<1x64x128xf32, #tpu.memory_space<vmem>> -> memref<64x128xf32, #tpu.memory_space<vmem>>
      %dma_start3A_569 = arith.constant 0 : i32
      %dma_start3A_570 = tpu.memref_slice %arg3[%dma_start3A_569, %multiple_of3A_557] : memref<64x1000000xf32, #tpu.memory_space<hbm>> -> memref<64x128xf32, #tpu.memory_space<hbm>>
      tpu.enqueue_dma source(%dma_start3A_570 : memref<64x128xf32, #tpu.memory_space<hbm>>) target(%dma_start3A_568 : memref<64x128xf32, #tpu.memory_space<vmem>>) target_semaphore(%arg23 : memref<!tpu.dma_semaphore, #tpu.memory_space<semaphore_mem>>)
      %ge3A_571 = arith.constant 1 : i32
      %ge3A_572 = arith.cmpi sge, %scan3A_409, %ge3A_571 : i32
      %convert_element_type3A_573 = arith.extui %ge3A_572 : i1 to i32
      %cond3A_574 = arith.constant 0 : i32
      %cond3A_575 = arith.cmpi ne, %convert_element_type3A_573, %cond3A_574 : i32
      scf.if %cond3A_575 {
        %dma_wait3A_1162 = arith.constant 0 : i32
        %dma_wait3A_1163 = arith.constant 0 : i32
        %dma_wait3A_1164 = arith.constant 0 : i32
        %dma_wait3A_1165 = tpu.memref_slice %arg16[%dma_wait3A_1162, %dma_wait3A_1163, %dma_wait3A_1164] : memref<1x64x128xf32, #tpu.memory_space<vmem>> -> memref<1x64x128xf32, #tpu.memory_space<vmem>>
        %dma_wait3A_1166 = tpu.memref_squeeze %dma_wait3A_1165 : memref<1x64x128xf32, #tpu.memory_space<vmem>> -> memref<64x128xf32, #tpu.memory_space<vmem>>
        %dma_wait3A_1167 = arith.constant 0 : i32
        %dma_wait3A_1168 = arith.constant 0 : i32
        %dma_wait3A_1169 = tpu.memref_slice %arg3[%dma_wait3A_1167, %dma_wait3A_1168] : memref<64x1000000xf32, #tpu.memory_space<hbm>> -> memref<64x128xf32, #tpu.memory_space<hbm>>
        %dma_wait3A_1170 = arith.constant 0 : i32
        %dma_wait3A_1171 = arith.constant 0 : i32
        %dma_wait3A_1172 = tpu.memref_slice %arg16[%dma_wait3A_1162, %dma_wait3A_1170, %dma_wait3A_1171] : memref<1x64x128xf32, #tpu.memory_space<vmem>> -> memref<1x64x128xf32, #tpu.memory_space<vmem>>
        %dma_wait3A_1173 = tpu.memref_squeeze %dma_wait3A_1172 : memref<1x64x128xf32, #tpu.memory_space<vmem>> -> memref<64x128xf32, #tpu.memory_space<vmem>>
        %dma_wait3A_1174 = arith.constant 0 : i32
        %dma_wait3A_1175 = arith.constant 0 : i32
        %dma_wait3A_1176 = tpu.memref_slice %arg3[%dma_wait3A_1174, %dma_wait3A_1175] : memref<64x1000000xf32, #tpu.memory_space<hbm>> -> memref<64x128xf32, #tpu.memory_space<hbm>>
        tpu.wait_dma2 semaphore(%arg24 : memref<!tpu.dma_semaphore, #tpu.memory_space<semaphore_mem>>) src(%dma_wait3A_1176 : memref<64x128xf32, #tpu.memory_space<hbm>>) dst(%dma_wait3A_1173 : memref<64x128xf32, #tpu.memory_space<vmem>>)
        %sub3A_1177 = arith.constant 1 : i32
        %sub3A_1178 = arith.subi %scan3A_409, %sub3A_1177 : i32
        %mul3A_1179 = arith.constant 16 : i32
        %mul3A_1180 = arith.muli %sub3A_1178, %mul3A_1179 : i32
        %add3A_1181 = arith.constant 15 : i32
        %add3A_1182 = arith.addi %mul3A_1180, %add3A_1181 : i32
        %slice3A_1183 = vector.extract_strided_slice %scan3A_410 {offsets = [15], sizes = [1], strides = [1]} : vector<16xi32> to vector<1xi32>
        %squeeze3A_1184 = vector.extract %slice3A_1183[0] : i32 from vector<1xi32>
        %and3A_1185 = arith.constant 127 : i32
        %and3A_1186 = arith.andi %squeeze3A_1184, %and3A_1185 : i32
        %broadcast_in_dim3A_1187 = vector.broadcast %and3A_1186 : i32 to vector<16xi32>
        %broadcast_in_dim3A_1188 = arith.constant 0 : i32
        %broadcast_in_dim3A_1189 = vector.broadcast %broadcast_in_dim3A_1188 : i32 to vector<16xi32>
        %add3A_1190 = arith.constant 0 : i32
        %add3A_1191 = arith.addi %add3A_1182, %add3A_1190 : i32
        %broadcast_in_dim3A_1192 = vector.broadcast %add3A_1191 : i32 to vector<16xi32>
        %add3A_1193 = arith.constant 0 : i32
        %add3A_1194 = vector.broadcast %add3A_1193 : i32 to vector<16xi32>
        %add3A_1195 = arith.addi %iota3A, %add3A_1194 : vector<16xi32>
        %gather3A_1196 = tpu.vector_load_idx %arg16[%broadcast_in_dim3A_1189, %add3A_1195, %broadcast_in_dim3A_1187] : memref<1x64x128xf32, #tpu.memory_space<vmem>>[vector<16xi32>, vector<16xi32>, vector<16xi32>], vector<16xf32>,
        %gather3A_1197 = tpu.vector_load_idx %arg7[%add3A_1195, %broadcast_in_dim3A_1192] : memref<64x256xf32, #tpu.memory_space<vmem>>[vector<16xi32>, vector<16xi32>], vector<16xf32>,
        %add3A_1198 = arith.addf %gather3A_1196, %gather3A_1197 : vector<16xf32>
        tpu.vector_store_idx %arg8[%add3A_1195, %broadcast_in_dim3A_1192], %add3A_1198 : memref<64x256xf32, #tpu.memory_space<vmem>>[vector<16xi32>, vector<16xi32>], vector<16xf32>,
        %add3A_1199 = arith.constant 16 : i32
        %add3A_1200 = vector.broadcast %add3A_1199 : i32 to vector<16xi32>
        %add3A_1201 = arith.addi %iota3A, %add3A_1200 : vector<16xi32>
        %gather3A_1202 = tpu.vector_load_idx %arg16[%broadcast_in_dim3A_1189, %add3A_1201, %broadcast_in_dim3A_1187] : memref<1x64x128xf32, #tpu.memory_space<vmem>>[vector<16xi32>, vector<16xi32>, vector<16xi32>], vector<16xf32>,
        %gather3A_1203 = tpu.vector_load_idx %arg7[%add3A_1201, %broadcast_in_dim3A_1192] : memref<64x256xf32, #tpu.memory_space<vmem>>[vector<16xi32>, vector<16xi32>], vector<16xf32>,
        %add3A_1204 = arith.addf %gather3A_1202, %gather3A_1203 : vector<16xf32>
        tpu.vector_store_idx %arg8[%add3A_1201, %broadcast_in_dim3A_1192], %add3A_1204 : memref<64x256xf32, #tpu.memory_space<vmem>>[vector<16xi32>, vector<16xi32>], vector<16xf32>,
        %add3A_1205 = arith.constant 32 : i32
        %add3A_1206 = vector.broadcast %add3A_1205 : i32 to vector<16xi32>
        %add3A_1207 = arith.addi %iota3A, %add3A_1206 : vector<16xi32>
        %gather3A_1208 = tpu.vector_load_idx %arg16[%broadcast_in_dim3A_1189, %add3A_1207, %broadcast_in_dim3A_1187] : memref<1x64x128xf32, #tpu.memory_space<vmem>>[vector<16xi32>, vector<16xi32>, vector<16xi32>], vector<16xf32>,
        %gather3A_1209 = tpu.vector_load_idx %arg7[%add3A_1207, %broadcast_in_dim3A_1192] : memref<64x256xf32, #tpu.memory_space<vmem>>[vector<16xi32>, vector<16xi32>], vector<16xf32>,
        %add3A_1210 = arith.addf %gather3A_1208, %gather3A_1209 : vector<16xf32>
        tpu.vector_store_idx %arg8[%add3A_1207, %broadcast_in_dim3A_1192], %add3A_1210 : memref<64x256xf32, #tpu.memory_space<vmem>>[vector<16xi32>, vector<16xi32>], vector<16xf32>,
        %add3A_1211 = arith.constant 48 : i32
        %add3A_1212 = vector.broadcast %add3A_1211 : i32 to vector<16xi32>
        %add3A_1213 = arith.addi %iota3A, %add3A_1212 : vector<16xi32>
        %gather3A_1214 = tpu.vector_load_idx %arg16[%broadcast_in_dim3A_1189, %add3A_1213, %broadcast_in_dim3A_1187] : memref<1x64x128xf32, #tpu.memory_space<vmem>>[vector<16xi32>, vector<16xi32>, vector<16xi32>], vector<16xf32>,
        %gather3A_1215 = tpu.vector_load_idx %arg7[%add3A_1213, %broadcast_in_dim3A_1192] : memref<64x256xf32, #tpu.memory_space<vmem>>[vector<16xi32>, vector<16xi32>], vector<16xf32>,
        %add3A_1216 = arith.addf %gather3A_1214, %gather3A_1215 : vector<16xf32>
        tpu.vector_store_idx %arg8[%add3A_1213, %broadcast_in_dim3A_1192], %add3A_1216 : memref<64x256xf32, #tpu.memory_space<vmem>>[vector<16xi32>, vector<16xi32>], vector<16xf32>,
      } else {
      }
      %slice3A_576 = vector.extract_strided_slice %get3A_413 {offsets = [7], sizes = [1], strides = [1]} : vector<16xi32> to vector<1xi32>
      %squeeze3A_577 = vector.extract %slice3A_576[0] : i32 from vector<1xi32>
      %and3A_578 = arith.constant -128 : i32
      %and3A_579 = arith.andi %squeeze3A_577, %and3A_578 : i32
      %multiple_of3A_580 = tpu.assume_multiple %and3A_579, 128 : i32
      %dma_start3A_581 = arith.constant 0 : i32
      %dma_start3A_582 = arith.constant 0 : i32
      %dma_start3A_583 = arith.constant 0 : i32
      %dma_start3A_584 = tpu.memref_slice %arg16[%dma_start3A_581, %dma_start3A_582, %dma_start3A_583] : memref<1x64x128xf32, #tpu.memory_space<vmem>> -> memref<1x64x128xf32, #tpu.memory_space<vmem>>
      %dma_start3A_585 = tpu.memref_squeeze %dma_start3A_584 : memref<1x64x128xf32, #tpu.memory_space<vmem>> -> memref<64x128xf32, #tpu.memory_space<vmem>>
      %dma_start3A_586 = arith.constant 0 : i32
      %dma_start3A_587 = tpu.memref_slice %arg3[%dma_start3A_586, %multiple_of3A_580] : memref<64x1000000xf32, #tpu.memory_space<hbm>> -> memref<64x128xf32, #tpu.memory_space<hbm>>
      %dma_start3A_588 = arith.constant 0 : i32
      %dma_start3A_589 = arith.constant 0 : i32
      %dma_start3A_590 = tpu.memref_slice %arg16[%dma_start3A_581, %dma_start3A_588, %dma_start3A_589] : memref<1x64x128xf32, #tpu.memory_space<vmem>> -> memref<1x64x128xf32, #tpu.memory_space<vmem>>
      %dma_start3A_591 = tpu.memref_squeeze %dma_start3A_590 : memref<1x64x128xf32, #tpu.memory_space<vmem>> -> memref<64x128xf32, #tpu.memory_space<vmem>>
      %dma_start3A_592 = arith.constant 0 : i32
      %dma_start3A_593 = tpu.memref_slice %arg3[%dma_start3A_592, %multiple_of3A_580] : memref<64x1000000xf32, #tpu.memory_space<hbm>> -> memref<64x128xf32, #tpu.memory_space<hbm>>
      tpu.enqueue_dma source(%dma_start3A_593 : memref<64x128xf32, #tpu.memory_space<hbm>>) target(%dma_start3A_591 : memref<64x128xf32, #tpu.memory_space<vmem>>) target_semaphore(%arg24 : memref<!tpu.dma_semaphore, #tpu.memory_space<semaphore_mem>>)
      %dma_wait3A_594 = arith.constant 0 : i32
      %dma_wait3A_595 = arith.constant 0 : i32
      %dma_wait3A_596 = arith.constant 0 : i32
      %dma_wait3A_597 = tpu.memref_slice %arg9[%dma_wait3A_594, %dma_wait3A_595, %dma_wait3A_596] : memref<1x64x128xf32, #tpu.memory_space<vmem>> -> memref<1x64x128xf32, #tpu.memory_space<vmem>>
      %dma_wait3A_598 = tpu.memref_squeeze %dma_wait3A_597 : memref<1x64x128xf32, #tpu.memory_space<vmem>> -> memref<64x128xf32, #tpu.memory_space<vmem>>
      %dma_wait3A_599 = arith.constant 0 : i32
      %dma_wait3A_600 = arith.constant 0 : i32
      %dma_wait3A_601 = tpu.memref_slice %arg3[%dma_wait3A_599, %dma_wait3A_600] : memref<64x1000000xf32, #tpu.memory_space<hbm>> -> memref<64x128xf32, #tpu.memory_space<hbm>>
      %dma_wait3A_602 = arith.constant 0 : i32
      %dma_wait3A_603 = arith.constant 0 : i32
      %dma_wait3A_604 = tpu.memref_slice %arg9[%dma_wait3A_594, %dma_wait3A_602, %dma_wait3A_603] : memref<1x64x128xf32, #tpu.memory_space<vmem>> -> memref<1x64x128xf32, #tpu.memory_space<vmem>>
      %dma_wait3A_605 = tpu.memref_squeeze %dma_wait3A_604 : memref<1x64x128xf32, #tpu.memory_space<vmem>> -> memref<64x128xf32, #tpu.memory_space<vmem>>
      %dma_wait3A_606 = arith.constant 0 : i32
      %dma_wait3A_607 = arith.constant 0 : i32
      %dma_wait3A_608 = tpu.memref_slice %arg3[%dma_wait3A_606, %dma_wait3A_607] : memref<64x1000000xf32, #tpu.memory_space<hbm>> -> memref<64x128xf32, #tpu.memory_space<hbm>>
      tpu.wait_dma2 semaphore(%arg17 : memref<!tpu.dma_semaphore, #tpu.memory_space<semaphore_mem>>) src(%dma_wait3A_608 : memref<64x128xf32, #tpu.memory_space<hbm>>) dst(%dma_wait3A_605 : memref<64x128xf32, #tpu.memory_space<vmem>>)
      %mul3A_609 = arith.constant 16 : i32
      %mul3A_610 = arith.muli %scan3A_409, %mul3A_609 : i32
      %add3A_611 = arith.constant 0 : i32
      %add3A_612 = arith.addi %mul3A_610, %add3A_611 : i32
      %slice3A_613 = vector.extract_strided_slice %get3A_413 {offsets = [0], sizes = [1], strides = [1]} : vector<16xi32> to vector<1xi32>
      %squeeze3A_614 = vector.extract %slice3A_613[0] : i32 from vector<1xi32>
      %and3A_615 = arith.constant 127 : i32
      %and3A_616 = arith.andi %squeeze3A_614, %and3A_615 : i32
      %broadcast_in_dim3A_617 = vector.broadcast %and3A_616 : i32 to vector<16xi32>
      %broadcast_in_dim3A_618 = arith.constant 0 : i32
      %broadcast_in_dim3A_619 = vector.broadcast %broadcast_in_dim3A_618 : i32 to vector<16xi32>
      %add3A_620 = arith.constant 0 : i32
      %add3A_621 = arith.addi %add3A_612, %add3A_620 : i32
      %broadcast_in_dim3A_622 = vector.broadcast %add3A_621 : i32 to vector<16xi32>
      %add3A_623 = arith.constant 0 : i32
      %add3A_624 = vector.broadcast %add3A_623 : i32 to vector<16xi32>
      %add3A_625 = arith.addi %iota3A, %add3A_624 : vector<16xi32>
      %gather3A_626 = tpu.vector_load_idx %arg9[%broadcast_in_dim3A_619, %add3A_625, %broadcast_in_dim3A_617] : memref<1x64x128xf32, #tpu.memory_space<vmem>>[vector<16xi32>, vector<16xi32>, vector<16xi32>], vector<16xf32>,
      %gather3A_627 = tpu.vector_load_idx %arg7[%add3A_625, %broadcast_in_dim3A_622] : memref<64x256xf32, #tpu.memory_space<vmem>>[vector<16xi32>, vector<16xi32>], vector<16xf32>,
      %add3A_628 = arith.addf %gather3A_626, %gather3A_627 : vector<16xf32>
      tpu.vector_store_idx %arg8[%add3A_625, %broadcast_in_dim3A_622], %add3A_628 : memref<64x256xf32, #tpu.memory_space<vmem>>[vector<16xi32>, vector<16xi32>], vector<16xf32>,
      %add3A_629 = arith.constant 16 : i32
      %add3A_630 = vector.broadcast %add3A_629 : i32 to vector<16xi32>
      %add3A_631 = arith.addi %iota3A, %add3A_630 : vector<16xi32>
      %gather3A_632 = tpu.vector_load_idx %arg9[%broadcast_in_dim3A_619, %add3A_631, %broadcast_in_dim3A_617] : memref<1x64x128xf32, #tpu.memory_space<vmem>>[vector<16xi32>, vector<16xi32>, vector<16xi32>], vector<16xf32>,
      %gather3A_633 = tpu.vector_load_idx %arg7[%add3A_631, %broadcast_in_dim3A_622] : memref<64x256xf32, #tpu.memory_space<vmem>>[vector<16xi32>, vector<16xi32>], vector<16xf32>,
      %add3A_634 = arith.addf %gather3A_632, %gather3A_633 : vector<16xf32>
      tpu.vector_store_idx %arg8[%add3A_631, %broadcast_in_dim3A_622], %add3A_634 : memref<64x256xf32, #tpu.memory_space<vmem>>[vector<16xi32>, vector<16xi32>], vector<16xf32>,
      %add3A_635 = arith.constant 32 : i32
      %add3A_636 = vector.broadcast %add3A_635 : i32 to vector<16xi32>
      %add3A_637 = arith.addi %iota3A, %add3A_636 : vector<16xi32>
      %gather3A_638 = tpu.vector_load_idx %arg9[%broadcast_in_dim3A_619, %add3A_637, %broadcast_in_dim3A_617] : memref<1x64x128xf32, #tpu.memory_space<vmem>>[vector<16xi32>, vector<16xi32>, vector<16xi32>], vector<16xf32>,
      %gather3A_639 = tpu.vector_load_idx %arg7[%add3A_637, %broadcast_in_dim3A_622] : memref<64x256xf32, #tpu.memory_space<vmem>>[vector<16xi32>, vector<16xi32>], vector<16xf32>,
      %add3A_640 = arith.addf %gather3A_638, %gather3A_639 : vector<16xf32>
      tpu.vector_store_idx %arg8[%add3A_637, %broadcast_in_dim3A_622], %add3A_640 : memref<64x256xf32, #tpu.memory_space<vmem>>[vector<16xi32>, vector<16xi32>], vector<16xf32>,
      %add3A_641 = arith.constant 48 : i32
      %add3A_642 = vector.broadcast %add3A_641 : i32 to vector<16xi32>
      %add3A_643 = arith.addi %iota3A, %add3A_642 : vector<16xi32>
      %gather3A_644 = tpu.vector_load_idx %arg9[%broadcast_in_dim3A_619, %add3A_643, %broadcast_in_dim3A_617] : memref<1x64x128xf32, #tpu.memory_space<vmem>>[vector<16xi32>, vector<16xi32>, vector<16xi32>], vector<16xf32>,
      %gather3A_645 = tpu.vector_load_idx %arg7[%add3A_643, %broadcast_in_dim3A_622] : memref<64x256xf32, #tpu.memory_space<vmem>>[vector<16xi32>, vector<16xi32>], vector<16xf32>,
      %add3A_646 = arith.addf %gather3A_644, %gather3A_645 : vector<16xf32>
      tpu.vector_store_idx %arg8[%add3A_643, %broadcast_in_dim3A_622], %add3A_646 : memref<64x256xf32, #tpu.memory_space<vmem>>[vector<16xi32>, vector<16xi32>], vector<16xf32>,
      %slice3A_647 = vector.extract_strided_slice %get3A_413 {offsets = [8], sizes = [1], strides = [1]} : vector<16xi32> to vector<1xi32>
      %squeeze3A_648 = vector.extract %slice3A_647[0] : i32 from vector<1xi32>
      %and3A_649 = arith.constant -128 : i32
      %and3A_650 = arith.andi %squeeze3A_648, %and3A_649 : i32
      %multiple_of3A_651 = tpu.assume_multiple %and3A_650, 128 : i32
      %dma_start3A_652 = arith.constant 0 : i32
      %dma_start3A_653 = arith.constant 0 : i32
      %dma_start3A_654 = arith.constant 0 : i32
      %dma_start3A_655 = tpu.memref_slice %arg9[%dma_start3A_652, %dma_start3A_653, %dma_start3A_654] : memref<1x64x128xf32, #tpu.memory_space<vmem>> -> memref<1x64x128xf32, #tpu.memory_space<vmem>>
      %dma_start3A_656 = tpu.memref_squeeze %dma_start3A_655 : memref<1x64x128xf32, #tpu.memory_space<vmem>> -> memref<64x128xf32, #tpu.memory_space<vmem>>
      %dma_start3A_657 = arith.constant 0 : i32
      %dma_start3A_658 = tpu.memref_slice %arg3[%dma_start3A_657, %multiple_of3A_651] : memref<64x1000000xf32, #tpu.memory_space<hbm>> -> memref<64x128xf32, #tpu.memory_space<hbm>>
      %dma_start3A_659 = arith.constant 0 : i32
      %dma_start3A_660 = arith.constant 0 : i32
      %dma_start3A_661 = tpu.memref_slice %arg9[%dma_start3A_652, %dma_start3A_659, %dma_start3A_660] : memref<1x64x128xf32, #tpu.memory_space<vmem>> -> memref<1x64x128xf32, #tpu.memory_space<vmem>>
      %dma_start3A_662 = tpu.memref_squeeze %dma_start3A_661 : memref<1x64x128xf32, #tpu.memory_space<vmem>> -> memref<64x128xf32, #tpu.memory_space<vmem>>
      %dma_start3A_663 = arith.constant 0 : i32
      %dma_start3A_664 = tpu.memref_slice %arg3[%dma_start3A_663, %multiple_of3A_651] : memref<64x1000000xf32, #tpu.memory_space<hbm>> -> memref<64x128xf32, #tpu.memory_space<hbm>>
      tpu.enqueue_dma source(%dma_start3A_664 : memref<64x128xf32, #tpu.memory_space<hbm>>) target(%dma_start3A_662 : memref<64x128xf32, #tpu.memory_space<vmem>>) target_semaphore(%arg17 : memref<!tpu.dma_semaphore, #tpu.memory_space<semaphore_mem>>)
      %dma_wait3A_665 = arith.constant 0 : i32
      %dma_wait3A_666 = arith.constant 0 : i32
      %dma_wait3A_667 = arith.constant 0 : i32
      %dma_wait3A_668 = tpu.memref_slice %arg10[%dma_wait3A_665, %dma_wait3A_666, %dma_wait3A_667] : memref<1x64x128xf32, #tpu.memory_space<vmem>> -> memref<1x64x128xf32, #tpu.memory_space<vmem>>
      %dma_wait3A_669 = tpu.memref_squeeze %dma_wait3A_668 : memref<1x64x128xf32, #tpu.memory_space<vmem>> -> memref<64x128xf32, #tpu.memory_space<vmem>>
      %dma_wait3A_670 = arith.constant 0 : i32
      %dma_wait3A_671 = arith.constant 0 : i32
      %dma_wait3A_672 = tpu.memref_slice %arg3[%dma_wait3A_670, %dma_wait3A_671] : memref<64x1000000xf32, #tpu.memory_space<hbm>> -> memref<64x128xf32, #tpu.memory_space<hbm>>
      %dma_wait3A_673 = arith.constant 0 : i32
      %dma_wait3A_674 = arith.constant 0 : i32
      %dma_wait3A_675 = tpu.memref_slice %arg10[%dma_wait3A_665, %dma_wait3A_673, %dma_wait3A_674] : memref<1x64x128xf32, #tpu.memory_space<vmem>> -> memref<1x64x128xf32, #tpu.memory_space<vmem>>
      %dma_wait3A_676 = tpu.memref_squeeze %dma_wait3A_675 : memref<1x64x128xf32, #tpu.memory_space<vmem>> -> memref<64x128xf32, #tpu.memory_space<vmem>>
      %dma_wait3A_677 = arith.constant 0 : i32
      %dma_wait3A_678 = arith.constant 0 : i32
      %dma_wait3A_679 = tpu.memref_slice %arg3[%dma_wait3A_677, %dma_wait3A_678] : memref<64x1000000xf32, #tpu.memory_space<hbm>> -> memref<64x128xf32, #tpu.memory_space<hbm>>
      tpu.wait_dma2 semaphore(%arg18 : memref<!tpu.dma_semaphore, #tpu.memory_space<semaphore_mem>>) src(%dma_wait3A_679 : memref<64x128xf32, #tpu.memory_space<hbm>>) dst(%dma_wait3A_676 : memref<64x128xf32, #tpu.memory_space<vmem>>)
      %mul3A_680 = arith.constant 16 : i32
      %mul3A_681 = arith.muli %scan3A_409, %mul3A_680 : i32
      %add3A_682 = arith.constant 1 : i32
      %add3A_683 = arith.addi %mul3A_681, %add3A_682 : i32
      %slice3A_684 = vector.extract_strided_slice %get3A_413 {offsets = [1], sizes = [1], strides = [1]} : vector<16xi32> to vector<1xi32>
      %squeeze3A_685 = vector.extract %slice3A_684[0] : i32 from vector<1xi32>
      %and3A_686 = arith.constant 127 : i32
      %and3A_687 = arith.andi %squeeze3A_685, %and3A_686 : i32
      %broadcast_in_dim3A_688 = vector.broadcast %and3A_687 : i32 to vector<16xi32>
      %broadcast_in_dim3A_689 = arith.constant 0 : i32
      %broadcast_in_dim3A_690 = vector.broadcast %broadcast_in_dim3A_689 : i32 to vector<16xi32>
      %add3A_691 = arith.constant 0 : i32
      %add3A_692 = arith.addi %add3A_683, %add3A_691 : i32
      %broadcast_in_dim3A_693 = vector.broadcast %add3A_692 : i32 to vector<16xi32>
      %add3A_694 = arith.constant 0 : i32
      %add3A_695 = vector.broadcast %add3A_694 : i32 to vector<16xi32>
      %add3A_696 = arith.addi %iota3A, %add3A_695 : vector<16xi32>
      %gather3A_697 = tpu.vector_load_idx %arg10[%broadcast_in_dim3A_690, %add3A_696, %broadcast_in_dim3A_688] : memref<1x64x128xf32, #tpu.memory_space<vmem>>[vector<16xi32>, vector<16xi32>, vector<16xi32>], vector<16xf32>,
      %gather3A_698 = tpu.vector_load_idx %arg7[%add3A_696, %broadcast_in_dim3A_693] : memref<64x256xf32, #tpu.memory_space<vmem>>[vector<16xi32>, vector<16xi32>], vector<16xf32>,
      %add3A_699 = arith.addf %gather3A_697, %gather3A_698 : vector<16xf32>
      tpu.vector_store_idx %arg8[%add3A_696, %broadcast_in_dim3A_693], %add3A_699 : memref<64x256xf32, #tpu.memory_space<vmem>>[vector<16xi32>, vector<16xi32>], vector<16xf32>,
      %add3A_700 = arith.constant 16 : i32
      %add3A_701 = vector.broadcast %add3A_700 : i32 to vector<16xi32>
      %add3A_702 = arith.addi %iota3A, %add3A_701 : vector<16xi32>
      %gather3A_703 = tpu.vector_load_idx %arg10[%broadcast_in_dim3A_690, %add3A_702, %broadcast_in_dim3A_688] : memref<1x64x128xf32, #tpu.memory_space<vmem>>[vector<16xi32>, vector<16xi32>, vector<16xi32>], vector<16xf32>,
      %gather3A_704 = tpu.vector_load_idx %arg7[%add3A_702, %broadcast_in_dim3A_693] : memref<64x256xf32, #tpu.memory_space<vmem>>[vector<16xi32>, vector<16xi32>], vector<16xf32>,
      %add3A_705 = arith.addf %gather3A_703, %gather3A_704 : vector<16xf32>
      tpu.vector_store_idx %arg8[%add3A_702, %broadcast_in_dim3A_693], %add3A_705 : memref<64x256xf32, #tpu.memory_space<vmem>>[vector<16xi32>, vector<16xi32>], vector<16xf32>,
      %add3A_706 = arith.constant 32 : i32
      %add3A_707 = vector.broadcast %add3A_706 : i32 to vector<16xi32>
      %add3A_708 = arith.addi %iota3A, %add3A_707 : vector<16xi32>
      %gather3A_709 = tpu.vector_load_idx %arg10[%broadcast_in_dim3A_690, %add3A_708, %broadcast_in_dim3A_688] : memref<1x64x128xf32, #tpu.memory_space<vmem>>[vector<16xi32>, vector<16xi32>, vector<16xi32>], vector<16xf32>,
      %gather3A_710 = tpu.vector_load_idx %arg7[%add3A_708, %broadcast_in_dim3A_693] : memref<64x256xf32, #tpu.memory_space<vmem>>[vector<16xi32>, vector<16xi32>], vector<16xf32>,
      %add3A_711 = arith.addf %gather3A_709, %gather3A_710 : vector<16xf32>
      tpu.vector_store_idx %arg8[%add3A_708, %broadcast_in_dim3A_693], %add3A_711 : memref<64x256xf32, #tpu.memory_space<vmem>>[vector<16xi32>, vector<16xi32>], vector<16xf32>,
      %add3A_712 = arith.constant 48 : i32
      %add3A_713 = vector.broadcast %add3A_712 : i32 to vector<16xi32>
      %add3A_714 = arith.addi %iota3A, %add3A_713 : vector<16xi32>
      %gather3A_715 = tpu.vector_load_idx %arg10[%broadcast_in_dim3A_690, %add3A_714, %broadcast_in_dim3A_688] : memref<1x64x128xf32, #tpu.memory_space<vmem>>[vector<16xi32>, vector<16xi32>, vector<16xi32>], vector<16xf32>,
      %gather3A_716 = tpu.vector_load_idx %arg7[%add3A_714, %broadcast_in_dim3A_693] : memref<64x256xf32, #tpu.memory_space<vmem>>[vector<16xi32>, vector<16xi32>], vector<16xf32>,
      %add3A_717 = arith.addf %gather3A_715, %gather3A_716 : vector<16xf32>
      tpu.vector_store_idx %arg8[%add3A_714, %broadcast_in_dim3A_693], %add3A_717 : memref<64x256xf32, #tpu.memory_space<vmem>>[vector<16xi32>, vector<16xi32>], vector<16xf32>,
      %slice3A_718 = vector.extract_strided_slice %get3A_413 {offsets = [9], sizes = [1], strides = [1]} : vector<16xi32> to vector<1xi32>
      %squeeze3A_719 = vector.extract %slice3A_718[0] : i32 from vector<1xi32>
      %and3A_720 = arith.constant -128 : i32
      %and3A_721 = arith.andi %squeeze3A_719, %and3A_720 : i32
      %multiple_of3A_722 = tpu.assume_multiple %and3A_721, 128 : i32
      %dma_start3A_723 = arith.constant 0 : i32
      %dma_start3A_724 = arith.constant 0 : i32
      %dma_start3A_725 = arith.constant 0 : i32
      %dma_start3A_726 = tpu.memref_slice %arg10[%dma_start3A_723, %dma_start3A_724, %dma_start3A_725] : memref<1x64x128xf32, #tpu.memory_space<vmem>> -> memref<1x64x128xf32, #tpu.memory_space<vmem>>
      %dma_start3A_727 = tpu.memref_squeeze %dma_start3A_726 : memref<1x64x128xf32, #tpu.memory_space<vmem>> -> memref<64x128xf32, #tpu.memory_space<vmem>>
      %dma_start3A_728 = arith.constant 0 : i32
      %dma_start3A_729 = tpu.memref_slice %arg3[%dma_start3A_728, %multiple_of3A_722] : memref<64x1000000xf32, #tpu.memory_space<hbm>> -> memref<64x128xf32, #tpu.memory_space<hbm>>
      %dma_start3A_730 = arith.constant 0 : i32
      %dma_start3A_731 = arith.constant 0 : i32
      %dma_start3A_732 = tpu.memref_slice %arg10[%dma_start3A_723, %dma_start3A_730, %dma_start3A_731] : memref<1x64x128xf32, #tpu.memory_space<vmem>> -> memref<1x64x128xf32, #tpu.memory_space<vmem>>
      %dma_start3A_733 = tpu.memref_squeeze %dma_start3A_732 : memref<1x64x128xf32, #tpu.memory_space<vmem>> -> memref<64x128xf32, #tpu.memory_space<vmem>>
      %dma_start3A_734 = arith.constant 0 : i32
      %dma_start3A_735 = tpu.memref_slice %arg3[%dma_start3A_734, %multiple_of3A_722] : memref<64x1000000xf32, #tpu.memory_space<hbm>> -> memref<64x128xf32, #tpu.memory_space<hbm>>
      tpu.enqueue_dma source(%dma_start3A_735 : memref<64x128xf32, #tpu.memory_space<hbm>>) target(%dma_start3A_733 : memref<64x128xf32, #tpu.memory_space<vmem>>) target_semaphore(%arg18 : memref<!tpu.dma_semaphore, #tpu.memory_space<semaphore_mem>>)
      %dma_wait3A_736 = arith.constant 0 : i32
      %dma_wait3A_737 = arith.constant 0 : i32
      %dma_wait3A_738 = arith.constant 0 : i32
      %dma_wait3A_739 = tpu.memref_slice %arg11[%dma_wait3A_736, %dma_wait3A_737, %dma_wait3A_738] : memref<1x64x128xf32, #tpu.memory_space<vmem>> -> memref<1x64x128xf32, #tpu.memory_space<vmem>>
      %dma_wait3A_740 = tpu.memref_squeeze %dma_wait3A_739 : memref<1x64x128xf32, #tpu.memory_space<vmem>> -> memref<64x128xf32, #tpu.memory_space<vmem>>
      %dma_wait3A_741 = arith.constant 0 : i32
      %dma_wait3A_742 = arith.constant 0 : i32
      %dma_wait3A_743 = tpu.memref_slice %arg3[%dma_wait3A_741, %dma_wait3A_742] : memref<64x1000000xf32, #tpu.memory_space<hbm>> -> memref<64x128xf32, #tpu.memory_space<hbm>>
      %dma_wait3A_744 = arith.constant 0 : i32
      %dma_wait3A_745 = arith.constant 0 : i32
      %dma_wait3A_746 = tpu.memref_slice %arg11[%dma_wait3A_736, %dma_wait3A_744, %dma_wait3A_745] : memref<1x64x128xf32, #tpu.memory_space<vmem>> -> memref<1x64x128xf32, #tpu.memory_space<vmem>>
      %dma_wait3A_747 = tpu.memref_squeeze %dma_wait3A_746 : memref<1x64x128xf32, #tpu.memory_space<vmem>> -> memref<64x128xf32, #tpu.memory_space<vmem>>
      %dma_wait3A_748 = arith.constant 0 : i32
      %dma_wait3A_749 = arith.constant 0 : i32
      %dma_wait3A_750 = tpu.memref_slice %arg3[%dma_wait3A_748, %dma_wait3A_749] : memref<64x1000000xf32, #tpu.memory_space<hbm>> -> memref<64x128xf32, #tpu.memory_space<hbm>>
      tpu.wait_dma2 semaphore(%arg19 : memref<!tpu.dma_semaphore, #tpu.memory_space<semaphore_mem>>) src(%dma_wait3A_750 : memref<64x128xf32, #tpu.memory_space<hbm>>) dst(%dma_wait3A_747 : memref<64x128xf32, #tpu.memory_space<vmem>>)
      %mul3A_751 = arith.constant 16 : i32
      %mul3A_752 = arith.muli %scan3A_409, %mul3A_751 : i32
      %add3A_753 = arith.constant 2 : i32
      %add3A_754 = arith.addi %mul3A_752, %add3A_753 : i32
      %slice3A_755 = vector.extract_strided_slice %get3A_413 {offsets = [2], sizes = [1], strides = [1]} : vector<16xi32> to vector<1xi32>
      %squeeze3A_756 = vector.extract %slice3A_755[0] : i32 from vector<1xi32>
      %and3A_757 = arith.constant 127 : i32
      %and3A_758 = arith.andi %squeeze3A_756, %and3A_757 : i32
      %broadcast_in_dim3A_759 = vector.broadcast %and3A_758 : i32 to vector<16xi32>
      %broadcast_in_dim3A_760 = arith.constant 0 : i32
      %broadcast_in_dim3A_761 = vector.broadcast %broadcast_in_dim3A_760 : i32 to vector<16xi32>
      %add3A_762 = arith.constant 0 : i32
      %add3A_763 = arith.addi %add3A_754, %add3A_762 : i32
      %broadcast_in_dim3A_764 = vector.broadcast %add3A_763 : i32 to vector<16xi32>
      %add3A_765 = arith.constant 0 : i32
      %add3A_766 = vector.broadcast %add3A_765 : i32 to vector<16xi32>
      %add3A_767 = arith.addi %iota3A, %add3A_766 : vector<16xi32>
      %gather3A_768 = tpu.vector_load_idx %arg11[%broadcast_in_dim3A_761, %add3A_767, %broadcast_in_dim3A_759] : memref<1x64x128xf32, #tpu.memory_space<vmem>>[vector<16xi32>, vector<16xi32>, vector<16xi32>], vector<16xf32>,
      %gather3A_769 = tpu.vector_load_idx %arg7[%add3A_767, %broadcast_in_dim3A_764] : memref<64x256xf32, #tpu.memory_space<vmem>>[vector<16xi32>, vector<16xi32>], vector<16xf32>,
      %add3A_770 = arith.addf %gather3A_768, %gather3A_769 : vector<16xf32>
      tpu.vector_store_idx %arg8[%add3A_767, %broadcast_in_dim3A_764], %add3A_770 : memref<64x256xf32, #tpu.memory_space<vmem>>[vector<16xi32>, vector<16xi32>], vector<16xf32>,
      %add3A_771 = arith.constant 16 : i32
      %add3A_772 = vector.broadcast %add3A_771 : i32 to vector<16xi32>
      %add3A_773 = arith.addi %iota3A, %add3A_772 : vector<16xi32>
      %gather3A_774 = tpu.vector_load_idx %arg11[%broadcast_in_dim3A_761, %add3A_773, %broadcast_in_dim3A_759] : memref<1x64x128xf32, #tpu.memory_space<vmem>>[vector<16xi32>, vector<16xi32>, vector<16xi32>], vector<16xf32>,
      %gather3A_775 = tpu.vector_load_idx %arg7[%add3A_773, %broadcast_in_dim3A_764] : memref<64x256xf32, #tpu.memory_space<vmem>>[vector<16xi32>, vector<16xi32>], vector<16xf32>,
      %add3A_776 = arith.addf %gather3A_774, %gather3A_775 : vector<16xf32>
      tpu.vector_store_idx %arg8[%add3A_773, %broadcast_in_dim3A_764], %add3A_776 : memref<64x256xf32, #tpu.memory_space<vmem>>[vector<16xi32>, vector<16xi32>], vector<16xf32>,
      %add3A_777 = arith.constant 32 : i32
      %add3A_778 = vector.broadcast %add3A_777 : i32 to vector<16xi32>
      %add3A_779 = arith.addi %iota3A, %add3A_778 : vector<16xi32>
      %gather3A_780 = tpu.vector_load_idx %arg11[%broadcast_in_dim3A_761, %add3A_779, %broadcast_in_dim3A_759] : memref<1x64x128xf32, #tpu.memory_space<vmem>>[vector<16xi32>, vector<16xi32>, vector<16xi32>], vector<16xf32>,
      %gather3A_781 = tpu.vector_load_idx %arg7[%add3A_779, %broadcast_in_dim3A_764] : memref<64x256xf32, #tpu.memory_space<vmem>>[vector<16xi32>, vector<16xi32>], vector<16xf32>,
      %add3A_782 = arith.addf %gather3A_780, %gather3A_781 : vector<16xf32>
      tpu.vector_store_idx %arg8[%add3A_779, %broadcast_in_dim3A_764], %add3A_782 : memref<64x256xf32, #tpu.memory_space<vmem>>[vector<16xi32>, vector<16xi32>], vector<16xf32>,
      %add3A_783 = arith.constant 48 : i32
      %add3A_784 = vector.broadcast %add3A_783 : i32 to vector<16xi32>
      %add3A_785 = arith.addi %iota3A, %add3A_784 : vector<16xi32>
      %gather3A_786 = tpu.vector_load_idx %arg11[%broadcast_in_dim3A_761, %add3A_785, %broadcast_in_dim3A_759] : memref<1x64x128xf32, #tpu.memory_space<vmem>>[vector<16xi32>, vector<16xi32>, vector<16xi32>], vector<16xf32>,
      %gather3A_787 = tpu.vector_load_idx %arg7[%add3A_785, %broadcast_in_dim3A_764] : memref<64x256xf32, #tpu.memory_space<vmem>>[vector<16xi32>, vector<16xi32>], vector<16xf32>,
      %add3A_788 = arith.addf %gather3A_786, %gather3A_787 : vector<16xf32>
      tpu.vector_store_idx %arg8[%add3A_785, %broadcast_in_dim3A_764], %add3A_788 : memref<64x256xf32, #tpu.memory_space<vmem>>[vector<16xi32>, vector<16xi32>], vector<16xf32>,
      %slice3A_789 = vector.extract_strided_slice %get3A_413 {offsets = [10], sizes = [1], strides = [1]} : vector<16xi32> to vector<1xi32>
      %squeeze3A_790 = vector.extract %slice3A_789[0] : i32 from vector<1xi32>
      %and3A_791 = arith.constant -128 : i32
      %and3A_792 = arith.andi %squeeze3A_790, %and3A_791 : i32
      %multiple_of3A_793 = tpu.assume_multiple %and3A_792, 128 : i32
      %dma_start3A_794 = arith.constant 0 : i32
      %dma_start3A_795 = arith.constant 0 : i32
      %dma_start3A_796 = arith.constant 0 : i32
      %dma_start3A_797 = tpu.memref_slice %arg11[%dma_start3A_794, %dma_start3A_795, %dma_start3A_796] : memref<1x64x128xf32, #tpu.memory_space<vmem>> -> memref<1x64x128xf32, #tpu.memory_space<vmem>>
      %dma_start3A_798 = tpu.memref_squeeze %dma_start3A_797 : memref<1x64x128xf32, #tpu.memory_space<vmem>> -> memref<64x128xf32, #tpu.memory_space<vmem>>
      %dma_start3A_799 = arith.constant 0 : i32
      %dma_start3A_800 = tpu.memref_slice %arg3[%dma_start3A_799, %multiple_of3A_793] : memref<64x1000000xf32, #tpu.memory_space<hbm>> -> memref<64x128xf32, #tpu.memory_space<hbm>>
      %dma_start3A_801 = arith.constant 0 : i32
      %dma_start3A_802 = arith.constant 0 : i32
      %dma_start3A_803 = tpu.memref_slice %arg11[%dma_start3A_794, %dma_start3A_801, %dma_start3A_802] : memref<1x64x128xf32, #tpu.memory_space<vmem>> -> memref<1x64x128xf32, #tpu.memory_space<vmem>>
      %dma_start3A_804 = tpu.memref_squeeze %dma_start3A_803 : memref<1x64x128xf32, #tpu.memory_space<vmem>> -> memref<64x128xf32, #tpu.memory_space<vmem>>
      %dma_start3A_805 = arith.constant 0 : i32
      %dma_start3A_806 = tpu.memref_slice %arg3[%dma_start3A_805, %multiple_of3A_793] : memref<64x1000000xf32, #tpu.memory_space<hbm>> -> memref<64x128xf32, #tpu.memory_space<hbm>>
      tpu.enqueue_dma source(%dma_start3A_806 : memref<64x128xf32, #tpu.memory_space<hbm>>) target(%dma_start3A_804 : memref<64x128xf32, #tpu.memory_space<vmem>>) target_semaphore(%arg19 : memref<!tpu.dma_semaphore, #tpu.memory_space<semaphore_mem>>)
      %dma_wait3A_807 = arith.constant 0 : i32
      %dma_wait3A_808 = arith.constant 0 : i32
      %dma_wait3A_809 = arith.constant 0 : i32
      %dma_wait3A_810 = tpu.memref_slice %arg12[%dma_wait3A_807, %dma_wait3A_808, %dma_wait3A_809] : memref<1x64x128xf32, #tpu.memory_space<vmem>> -> memref<1x64x128xf32, #tpu.memory_space<vmem>>
      %dma_wait3A_811 = tpu.memref_squeeze %dma_wait3A_810 : memref<1x64x128xf32, #tpu.memory_space<vmem>> -> memref<64x128xf32, #tpu.memory_space<vmem>>
      %dma_wait3A_812 = arith.constant 0 : i32
      %dma_wait3A_813 = arith.constant 0 : i32
      %dma_wait3A_814 = tpu.memref_slice %arg3[%dma_wait3A_812, %dma_wait3A_813] : memref<64x1000000xf32, #tpu.memory_space<hbm>> -> memref<64x128xf32, #tpu.memory_space<hbm>>
      %dma_wait3A_815 = arith.constant 0 : i32
      %dma_wait3A_816 = arith.constant 0 : i32
      %dma_wait3A_817 = tpu.memref_slice %arg12[%dma_wait3A_807, %dma_wait3A_815, %dma_wait3A_816] : memref<1x64x128xf32, #tpu.memory_space<vmem>> -> memref<1x64x128xf32, #tpu.memory_space<vmem>>
      %dma_wait3A_818 = tpu.memref_squeeze %dma_wait3A_817 : memref<1x64x128xf32, #tpu.memory_space<vmem>> -> memref<64x128xf32, #tpu.memory_space<vmem>>
      %dma_wait3A_819 = arith.constant 0 : i32
      %dma_wait3A_820 = arith.constant 0 : i32
      %dma_wait3A_821 = tpu.memref_slice %arg3[%dma_wait3A_819, %dma_wait3A_820] : memref<64x1000000xf32, #tpu.memory_space<hbm>> -> memref<64x128xf32, #tpu.memory_space<hbm>>
      tpu.wait_dma2 semaphore(%arg20 : memref<!tpu.dma_semaphore, #tpu.memory_space<semaphore_mem>>) src(%dma_wait3A_821 : memref<64x128xf32, #tpu.memory_space<hbm>>) dst(%dma_wait3A_818 : memref<64x128xf32, #tpu.memory_space<vmem>>)
      %mul3A_822 = arith.constant 16 : i32
      %mul3A_823 = arith.muli %scan3A_409, %mul3A_822 : i32
      %add3A_824 = arith.constant 3 : i32
      %add3A_825 = arith.addi %mul3A_823, %add3A_824 : i32
      %slice3A_826 = vector.extract_strided_slice %get3A_413 {offsets = [3], sizes = [1], strides = [1]} : vector<16xi32> to vector<1xi32>
      %squeeze3A_827 = vector.extract %slice3A_826[0] : i32 from vector<1xi32>
      %and3A_828 = arith.constant 127 : i32
      %and3A_829 = arith.andi %squeeze3A_827, %and3A_828 : i32
      %broadcast_in_dim3A_830 = vector.broadcast %and3A_829 : i32 to vector<16xi32>
      %broadcast_in_dim3A_831 = arith.constant 0 : i32
      %broadcast_in_dim3A_832 = vector.broadcast %broadcast_in_dim3A_831 : i32 to vector<16xi32>
      %add3A_833 = arith.constant 0 : i32
      %add3A_834 = arith.addi %add3A_825, %add3A_833 : i32
      %broadcast_in_dim3A_835 = vector.broadcast %add3A_834 : i32 to vector<16xi32>
      %add3A_836 = arith.constant 0 : i32
      %add3A_837 = vector.broadcast %add3A_836 : i32 to vector<16xi32>
      %add3A_838 = arith.addi %iota3A, %add3A_837 : vector<16xi32>
      %gather3A_839 = tpu.vector_load_idx %arg12[%broadcast_in_dim3A_832, %add3A_838, %broadcast_in_dim3A_830] : memref<1x64x128xf32, #tpu.memory_space<vmem>>[vector<16xi32>, vector<16xi32>, vector<16xi32>], vector<16xf32>,
      %gather3A_840 = tpu.vector_load_idx %arg7[%add3A_838, %broadcast_in_dim3A_835] : memref<64x256xf32, #tpu.memory_space<vmem>>[vector<16xi32>, vector<16xi32>], vector<16xf32>,
      %add3A_841 = arith.addf %gather3A_839, %gather3A_840 : vector<16xf32>
      tpu.vector_store_idx %arg8[%add3A_838, %broadcast_in_dim3A_835], %add3A_841 : memref<64x256xf32, #tpu.memory_space<vmem>>[vector<16xi32>, vector<16xi32>], vector<16xf32>,
      %add3A_842 = arith.constant 16 : i32
      %add3A_843 = vector.broadcast %add3A_842 : i32 to vector<16xi32>
      %add3A_844 = arith.addi %iota3A, %add3A_843 : vector<16xi32>
      %gather3A_845 = tpu.vector_load_idx %arg12[%broadcast_in_dim3A_832, %add3A_844, %broadcast_in_dim3A_830] : memref<1x64x128xf32, #tpu.memory_space<vmem>>[vector<16xi32>, vector<16xi32>, vector<16xi32>], vector<16xf32>,
      %gather3A_846 = tpu.vector_load_idx %arg7[%add3A_844, %broadcast_in_dim3A_835] : memref<64x256xf32, #tpu.memory_space<vmem>>[vector<16xi32>, vector<16xi32>], vector<16xf32>,
      %add3A_847 = arith.addf %gather3A_845, %gather3A_846 : vector<16xf32>
      tpu.vector_store_idx %arg8[%add3A_844, %broadcast_in_dim3A_835], %add3A_847 : memref<64x256xf32, #tpu.memory_space<vmem>>[vector<16xi32>, vector<16xi32>], vector<16xf32>,
      %add3A_848 = arith.constant 32 : i32
      %add3A_849 = vector.broadcast %add3A_848 : i32 to vector<16xi32>
      %add3A_850 = arith.addi %iota3A, %add3A_849 : vector<16xi32>
      %gather3A_851 = tpu.vector_load_idx %arg12[%broadcast_in_dim3A_832, %add3A_850, %broadcast_in_dim3A_830] : memref<1x64x128xf32, #tpu.memory_space<vmem>>[vector<16xi32>, vector<16xi32>, vector<16xi32>], vector<16xf32>,
      %gather3A_852 = tpu.vector_load_idx %arg7[%add3A_850, %broadcast_in_dim3A_835] : memref<64x256xf32, #tpu.memory_space<vmem>>[vector<16xi32>, vector<16xi32>], vector<16xf32>,
      %add3A_853 = arith.addf %gather3A_851, %gather3A_852 : vector<16xf32>
      tpu.vector_store_idx %arg8[%add3A_850, %broadcast_in_dim3A_835], %add3A_853 : memref<64x256xf32, #tpu.memory_space<vmem>>[vector<16xi32>, vector<16xi32>], vector<16xf32>,
      %add3A_854 = arith.constant 48 : i32
      %add3A_855 = vector.broadcast %add3A_854 : i32 to vector<16xi32>
      %add3A_856 = arith.addi %iota3A, %add3A_855 : vector<16xi32>
      %gather3A_857 = tpu.vector_load_idx %arg12[%broadcast_in_dim3A_832, %add3A_856, %broadcast_in_dim3A_830] : memref<1x64x128xf32, #tpu.memory_space<vmem>>[vector<16xi32>, vector<16xi32>, vector<16xi32>], vector<16xf32>,
      %gather3A_858 = tpu.vector_load_idx %arg7[%add3A_856, %broadcast_in_dim3A_835] : memref<64x256xf32, #tpu.memory_space<vmem>>[vector<16xi32>, vector<16xi32>], vector<16xf32>,
      %add3A_859 = arith.addf %gather3A_857, %gather3A_858 : vector<16xf32>
      tpu.vector_store_idx %arg8[%add3A_856, %broadcast_in_dim3A_835], %add3A_859 : memref<64x256xf32, #tpu.memory_space<vmem>>[vector<16xi32>, vector<16xi32>], vector<16xf32>,
      %slice3A_860 = vector.extract_strided_slice %get3A_413 {offsets = [11], sizes = [1], strides = [1]} : vector<16xi32> to vector<1xi32>
      %squeeze3A_861 = vector.extract %slice3A_860[0] : i32 from vector<1xi32>
      %and3A_862 = arith.constant -128 : i32
      %and3A_863 = arith.andi %squeeze3A_861, %and3A_862 : i32
      %multiple_of3A_864 = tpu.assume_multiple %and3A_863, 128 : i32
      %dma_start3A_865 = arith.constant 0 : i32
      %dma_start3A_866 = arith.constant 0 : i32
      %dma_start3A_867 = arith.constant 0 : i32
      %dma_start3A_868 = tpu.memref_slice %arg12[%dma_start3A_865, %dma_start3A_866, %dma_start3A_867] : memref<1x64x128xf32, #tpu.memory_space<vmem>> -> memref<1x64x128xf32, #tpu.memory_space<vmem>>
      %dma_start3A_869 = tpu.memref_squeeze %dma_start3A_868 : memref<1x64x128xf32, #tpu.memory_space<vmem>> -> memref<64x128xf32, #tpu.memory_space<vmem>>
      %dma_start3A_870 = arith.constant 0 : i32
      %dma_start3A_871 = tpu.memref_slice %arg3[%dma_start3A_870, %multiple_of3A_864] : memref<64x1000000xf32, #tpu.memory_space<hbm>> -> memref<64x128xf32, #tpu.memory_space<hbm>>
      %dma_start3A_872 = arith.constant 0 : i32
      %dma_start3A_873 = arith.constant 0 : i32
      %dma_start3A_874 = tpu.memref_slice %arg12[%dma_start3A_865, %dma_start3A_872, %dma_start3A_873] : memref<1x64x128xf32, #tpu.memory_space<vmem>> -> memref<1x64x128xf32, #tpu.memory_space<vmem>>
      %dma_start3A_875 = tpu.memref_squeeze %dma_start3A_874 : memref<1x64x128xf32, #tpu.memory_space<vmem>> -> memref<64x128xf32, #tpu.memory_space<vmem>>
      %dma_start3A_876 = arith.constant 0 : i32
      %dma_start3A_877 = tpu.memref_slice %arg3[%dma_start3A_876, %multiple_of3A_864] : memref<64x1000000xf32, #tpu.memory_space<hbm>> -> memref<64x128xf32, #tpu.memory_space<hbm>>
      tpu.enqueue_dma source(%dma_start3A_877 : memref<64x128xf32, #tpu.memory_space<hbm>>) target(%dma_start3A_875 : memref<64x128xf32, #tpu.memory_space<vmem>>) target_semaphore(%arg20 : memref<!tpu.dma_semaphore, #tpu.memory_space<semaphore_mem>>)
      %dma_wait3A_878 = arith.constant 0 : i32
      %dma_wait3A_879 = arith.constant 0 : i32
      %dma_wait3A_880 = arith.constant 0 : i32
      %dma_wait3A_881 = tpu.memref_slice %arg13[%dma_wait3A_878, %dma_wait3A_879, %dma_wait3A_880] : memref<1x64x128xf32, #tpu.memory_space<vmem>> -> memref<1x64x128xf32, #tpu.memory_space<vmem>>
      %dma_wait3A_882 = tpu.memref_squeeze %dma_wait3A_881 : memref<1x64x128xf32, #tpu.memory_space<vmem>> -> memref<64x128xf32, #tpu.memory_space<vmem>>
      %dma_wait3A_883 = arith.constant 0 : i32
      %dma_wait3A_884 = arith.constant 0 : i32
      %dma_wait3A_885 = tpu.memref_slice %arg3[%dma_wait3A_883, %dma_wait3A_884] : memref<64x1000000xf32, #tpu.memory_space<hbm>> -> memref<64x128xf32, #tpu.memory_space<hbm>>
      %dma_wait3A_886 = arith.constant 0 : i32
      %dma_wait3A_887 = arith.constant 0 : i32
      %dma_wait3A_888 = tpu.memref_slice %arg13[%dma_wait3A_878, %dma_wait3A_886, %dma_wait3A_887] : memref<1x64x128xf32, #tpu.memory_space<vmem>> -> memref<1x64x128xf32, #tpu.memory_space<vmem>>
      %dma_wait3A_889 = tpu.memref_squeeze %dma_wait3A_888 : memref<1x64x128xf32, #tpu.memory_space<vmem>> -> memref<64x128xf32, #tpu.memory_space<vmem>>
      %dma_wait3A_890 = arith.constant 0 : i32
      %dma_wait3A_891 = arith.constant 0 : i32
      %dma_wait3A_892 = tpu.memref_slice %arg3[%dma_wait3A_890, %dma_wait3A_891] : memref<64x1000000xf32, #tpu.memory_space<hbm>> -> memref<64x128xf32, #tpu.memory_space<hbm>>
      tpu.wait_dma2 semaphore(%arg21 : memref<!tpu.dma_semaphore, #tpu.memory_space<semaphore_mem>>) src(%dma_wait3A_892 : memref<64x128xf32, #tpu.memory_space<hbm>>) dst(%dma_wait3A_889 : memref<64x128xf32, #tpu.memory_space<vmem>>)
      %mul3A_893 = arith.constant 16 : i32
      %mul3A_894 = arith.muli %scan3A_409, %mul3A_893 : i32
      %add3A_895 = arith.constant 4 : i32
      %add3A_896 = arith.addi %mul3A_894, %add3A_895 : i32
      %slice3A_897 = vector.extract_strided_slice %get3A_413 {offsets = [4], sizes = [1], strides = [1]} : vector<16xi32> to vector<1xi32>
      %squeeze3A_898 = vector.extract %slice3A_897[0] : i32 from vector<1xi32>
      %and3A_899 = arith.constant 127 : i32
      %and3A_900 = arith.andi %squeeze3A_898, %and3A_899 : i32
      %broadcast_in_dim3A_901 = vector.broadcast %and3A_900 : i32 to vector<16xi32>
      %broadcast_in_dim3A_902 = arith.constant 0 : i32
      %broadcast_in_dim3A_903 = vector.broadcast %broadcast_in_dim3A_902 : i32 to vector<16xi32>
      %add3A_904 = arith.constant 0 : i32
      %add3A_905 = arith.addi %add3A_896, %add3A_904 : i32
      %broadcast_in_dim3A_906 = vector.broadcast %add3A_905 : i32 to vector<16xi32>
      %add3A_907 = arith.constant 0 : i32
      %add3A_908 = vector.broadcast %add3A_907 : i32 to vector<16xi32>
      %add3A_909 = arith.addi %iota3A, %add3A_908 : vector<16xi32>
      %gather3A_910 = tpu.vector_load_idx %arg13[%broadcast_in_dim3A_903, %add3A_909, %broadcast_in_dim3A_901] : memref<1x64x128xf32, #tpu.memory_space<vmem>>[vector<16xi32>, vector<16xi32>, vector<16xi32>], vector<16xf32>,
      %gather3A_911 = tpu.vector_load_idx %arg7[%add3A_909, %broadcast_in_dim3A_906] : memref<64x256xf32, #tpu.memory_space<vmem>>[vector<16xi32>, vector<16xi32>], vector<16xf32>,
      %add3A_912 = arith.addf %gather3A_910, %gather3A_911 : vector<16xf32>
      tpu.vector_store_idx %arg8[%add3A_909, %broadcast_in_dim3A_906], %add3A_912 : memref<64x256xf32, #tpu.memory_space<vmem>>[vector<16xi32>, vector<16xi32>], vector<16xf32>,
      %add3A_913 = arith.constant 16 : i32
      %add3A_914 = vector.broadcast %add3A_913 : i32 to vector<16xi32>
      %add3A_915 = arith.addi %iota3A, %add3A_914 : vector<16xi32>
      %gather3A_916 = tpu.vector_load_idx %arg13[%broadcast_in_dim3A_903, %add3A_915, %broadcast_in_dim3A_901] : memref<1x64x128xf32, #tpu.memory_space<vmem>>[vector<16xi32>, vector<16xi32>, vector<16xi32>], vector<16xf32>,
      %gather3A_917 = tpu.vector_load_idx %arg7[%add3A_915, %broadcast_in_dim3A_906] : memref<64x256xf32, #tpu.memory_space<vmem>>[vector<16xi32>, vector<16xi32>], vector<16xf32>,
      %add3A_918 = arith.addf %gather3A_916, %gather3A_917 : vector<16xf32>
      tpu.vector_store_idx %arg8[%add3A_915, %broadcast_in_dim3A_906], %add3A_918 : memref<64x256xf32, #tpu.memory_space<vmem>>[vector<16xi32>, vector<16xi32>], vector<16xf32>,
      %add3A_919 = arith.constant 32 : i32
      %add3A_920 = vector.broadcast %add3A_919 : i32 to vector<16xi32>
      %add3A_921 = arith.addi %iota3A, %add3A_920 : vector<16xi32>
      %gather3A_922 = tpu.vector_load_idx %arg13[%broadcast_in_dim3A_903, %add3A_921, %broadcast_in_dim3A_901] : memref<1x64x128xf32, #tpu.memory_space<vmem>>[vector<16xi32>, vector<16xi32>, vector<16xi32>], vector<16xf32>,
      %gather3A_923 = tpu.vector_load_idx %arg7[%add3A_921, %broadcast_in_dim3A_906] : memref<64x256xf32, #tpu.memory_space<vmem>>[vector<16xi32>, vector<16xi32>], vector<16xf32>,
      %add3A_924 = arith.addf %gather3A_922, %gather3A_923 : vector<16xf32>
      tpu.vector_store_idx %arg8[%add3A_921, %broadcast_in_dim3A_906], %add3A_924 : memref<64x256xf32, #tpu.memory_space<vmem>>[vector<16xi32>, vector<16xi32>], vector<16xf32>,
      %add3A_925 = arith.constant 48 : i32
      %add3A_926 = vector.broadcast %add3A_925 : i32 to vector<16xi32>
      %add3A_927 = arith.addi %iota3A, %add3A_926 : vector<16xi32>
      %gather3A_928 = tpu.vector_load_idx %arg13[%broadcast_in_dim3A_903, %add3A_927, %broadcast_in_dim3A_901] : memref<1x64x128xf32, #tpu.memory_space<vmem>>[vector<16xi32>, vector<16xi32>, vector<16xi32>], vector<16xf32>,
      %gather3A_929 = tpu.vector_load_idx %arg7[%add3A_927, %broadcast_in_dim3A_906] : memref<64x256xf32, #tpu.memory_space<vmem>>[vector<16xi32>, vector<16xi32>], vector<16xf32>,
      %add3A_930 = arith.addf %gather3A_928, %gather3A_929 : vector<16xf32>
      tpu.vector_store_idx %arg8[%add3A_927, %broadcast_in_dim3A_906], %add3A_930 : memref<64x256xf32, #tpu.memory_space<vmem>>[vector<16xi32>, vector<16xi32>], vector<16xf32>,
      %slice3A_931 = vector.extract_strided_slice %get3A_413 {offsets = [12], sizes = [1], strides = [1]} : vector<16xi32> to vector<1xi32>
      %squeeze3A_932 = vector.extract %slice3A_931[0] : i32 from vector<1xi32>
      %and3A_933 = arith.constant -128 : i32
      %and3A_934 = arith.andi %squeeze3A_932, %and3A_933 : i32
      %multiple_of3A_935 = tpu.assume_multiple %and3A_934, 128 : i32
      %dma_start3A_936 = arith.constant 0 : i32
      %dma_start3A_937 = arith.constant 0 : i32
      %dma_start3A_938 = arith.constant 0 : i32
      %dma_start3A_939 = tpu.memref_slice %arg13[%dma_start3A_936, %dma_start3A_937, %dma_start3A_938] : memref<1x64x128xf32, #tpu.memory_space<vmem>> -> memref<1x64x128xf32, #tpu.memory_space<vmem>>
      %dma_start3A_940 = tpu.memref_squeeze %dma_start3A_939 : memref<1x64x128xf32, #tpu.memory_space<vmem>> -> memref<64x128xf32, #tpu.memory_space<vmem>>
      %dma_start3A_941 = arith.constant 0 : i32
      %dma_start3A_942 = tpu.memref_slice %arg3[%dma_start3A_941, %multiple_of3A_935] : memref<64x1000000xf32, #tpu.memory_space<hbm>> -> memref<64x128xf32, #tpu.memory_space<hbm>>
      %dma_start3A_943 = arith.constant 0 : i32
      %dma_start3A_944 = arith.constant 0 : i32
      %dma_start3A_945 = tpu.memref_slice %arg13[%dma_start3A_936, %dma_start3A_943, %dma_start3A_944] : memref<1x64x128xf32, #tpu.memory_space<vmem>> -> memref<1x64x128xf32, #tpu.memory_space<vmem>>
      %dma_start3A_946 = tpu.memref_squeeze %dma_start3A_945 : memref<1x64x128xf32, #tpu.memory_space<vmem>> -> memref<64x128xf32, #tpu.memory_space<vmem>>
      %dma_start3A_947 = arith.constant 0 : i32
      %dma_start3A_948 = tpu.memref_slice %arg3[%dma_start3A_947, %multiple_of3A_935] : memref<64x1000000xf32, #tpu.memory_space<hbm>> -> memref<64x128xf32, #tpu.memory_space<hbm>>
      tpu.enqueue_dma source(%dma_start3A_948 : memref<64x128xf32, #tpu.memory_space<hbm>>) target(%dma_start3A_946 : memref<64x128xf32, #tpu.memory_space<vmem>>) target_semaphore(%arg21 : memref<!tpu.dma_semaphore, #tpu.memory_space<semaphore_mem>>)
      %dma_wait3A_949 = arith.constant 0 : i32
      %dma_wait3A_950 = arith.constant 0 : i32
      %dma_wait3A_951 = arith.constant 0 : i32
      %dma_wait3A_952 = tpu.memref_slice %arg14[%dma_wait3A_949, %dma_wait3A_950, %dma_wait3A_951] : memref<1x64x128xf32, #tpu.memory_space<vmem>> -> memref<1x64x128xf32, #tpu.memory_space<vmem>>
      %dma_wait3A_953 = tpu.memref_squeeze %dma_wait3A_952 : memref<1x64x128xf32, #tpu.memory_space<vmem>> -> memref<64x128xf32, #tpu.memory_space<vmem>>
      %dma_wait3A_954 = arith.constant 0 : i32
      %dma_wait3A_955 = arith.constant 0 : i32
      %dma_wait3A_956 = tpu.memref_slice %arg3[%dma_wait3A_954, %dma_wait3A_955] : memref<64x1000000xf32, #tpu.memory_space<hbm>> -> memref<64x128xf32, #tpu.memory_space<hbm>>
      %dma_wait3A_957 = arith.constant 0 : i32
      %dma_wait3A_958 = arith.constant 0 : i32
      %dma_wait3A_959 = tpu.memref_slice %arg14[%dma_wait3A_949, %dma_wait3A_957, %dma_wait3A_958] : memref<1x64x128xf32, #tpu.memory_space<vmem>> -> memref<1x64x128xf32, #tpu.memory_space<vmem>>
      %dma_wait3A_960 = tpu.memref_squeeze %dma_wait3A_959 : memref<1x64x128xf32, #tpu.memory_space<vmem>> -> memref<64x128xf32, #tpu.memory_space<vmem>>
      %dma_wait3A_961 = arith.constant 0 : i32
      %dma_wait3A_962 = arith.constant 0 : i32
      %dma_wait3A_963 = tpu.memref_slice %arg3[%dma_wait3A_961, %dma_wait3A_962] : memref<64x1000000xf32, #tpu.memory_space<hbm>> -> memref<64x128xf32, #tpu.memory_space<hbm>>
      tpu.wait_dma2 semaphore(%arg22 : memref<!tpu.dma_semaphore, #tpu.memory_space<semaphore_mem>>) src(%dma_wait3A_963 : memref<64x128xf32, #tpu.memory_space<hbm>>) dst(%dma_wait3A_960 : memref<64x128xf32, #tpu.memory_space<vmem>>)
      %mul3A_964 = arith.constant 16 : i32
      %mul3A_965 = arith.muli %scan3A_409, %mul3A_964 : i32
      %add3A_966 = arith.constant 5 : i32
      %add3A_967 = arith.addi %mul3A_965, %add3A_966 : i32
      %slice3A_968 = vector.extract_strided_slice %get3A_413 {offsets = [5], sizes = [1], strides = [1]} : vector<16xi32> to vector<1xi32>
      %squeeze3A_969 = vector.extract %slice3A_968[0] : i32 from vector<1xi32>
      %and3A_970 = arith.constant 127 : i32
      %and3A_971 = arith.andi %squeeze3A_969, %and3A_970 : i32
      %broadcast_in_dim3A_972 = vector.broadcast %and3A_971 : i32 to vector<16xi32>
      %broadcast_in_dim3A_973 = arith.constant 0 : i32
      %broadcast_in_dim3A_974 = vector.broadcast %broadcast_in_dim3A_973 : i32 to vector<16xi32>
      %add3A_975 = arith.constant 0 : i32
      %add3A_976 = arith.addi %add3A_967, %add3A_975 : i32
      %broadcast_in_dim3A_977 = vector.broadcast %add3A_976 : i32 to vector<16xi32>
      %add3A_978 = arith.constant 0 : i32
      %add3A_979 = vector.broadcast %add3A_978 : i32 to vector<16xi32>
      %add3A_980 = arith.addi %iota3A, %add3A_979 : vector<16xi32>
      %gather3A_981 = tpu.vector_load_idx %arg14[%broadcast_in_dim3A_974, %add3A_980, %broadcast_in_dim3A_972] : memref<1x64x128xf32, #tpu.memory_space<vmem>>[vector<16xi32>, vector<16xi32>, vector<16xi32>], vector<16xf32>,
      %gather3A_982 = tpu.vector_load_idx %arg7[%add3A_980, %broadcast_in_dim3A_977] : memref<64x256xf32, #tpu.memory_space<vmem>>[vector<16xi32>, vector<16xi32>], vector<16xf32>,
      %add3A_983 = arith.addf %gather3A_981, %gather3A_982 : vector<16xf32>
      tpu.vector_store_idx %arg8[%add3A_980, %broadcast_in_dim3A_977], %add3A_983 : memref<64x256xf32, #tpu.memory_space<vmem>>[vector<16xi32>, vector<16xi32>], vector<16xf32>,
      %add3A_984 = arith.constant 16 : i32
      %add3A_985 = vector.broadcast %add3A_984 : i32 to vector<16xi32>
      %add3A_986 = arith.addi %iota3A, %add3A_985 : vector<16xi32>
      %gather3A_987 = tpu.vector_load_idx %arg14[%broadcast_in_dim3A_974, %add3A_986, %broadcast_in_dim3A_972] : memref<1x64x128xf32, #tpu.memory_space<vmem>>[vector<16xi32>, vector<16xi32>, vector<16xi32>], vector<16xf32>,
      %gather3A_988 = tpu.vector_load_idx %arg7[%add3A_986, %broadcast_in_dim3A_977] : memref<64x256xf32, #tpu.memory_space<vmem>>[vector<16xi32>, vector<16xi32>], vector<16xf32>,
      %add3A_989 = arith.addf %gather3A_987, %gather3A_988 : vector<16xf32>
      tpu.vector_store_idx %arg8[%add3A_986, %broadcast_in_dim3A_977], %add3A_989 : memref<64x256xf32, #tpu.memory_space<vmem>>[vector<16xi32>, vector<16xi32>], vector<16xf32>,
      %add3A_990 = arith.constant 32 : i32
      %add3A_991 = vector.broadcast %add3A_990 : i32 to vector<16xi32>
      %add3A_992 = arith.addi %iota3A, %add3A_991 : vector<16xi32>
      %gather3A_993 = tpu.vector_load_idx %arg14[%broadcast_in_dim3A_974, %add3A_992, %broadcast_in_dim3A_972] : memref<1x64x128xf32, #tpu.memory_space<vmem>>[vector<16xi32>, vector<16xi32>, vector<16xi32>], vector<16xf32>,
      %gather3A_994 = tpu.vector_load_idx %arg7[%add3A_992, %broadcast_in_dim3A_977] : memref<64x256xf32, #tpu.memory_space<vmem>>[vector<16xi32>, vector<16xi32>], vector<16xf32>,
      %add3A_995 = arith.addf %gather3A_993, %gather3A_994 : vector<16xf32>
      tpu.vector_store_idx %arg8[%add3A_992, %broadcast_in_dim3A_977], %add3A_995 : memref<64x256xf32, #tpu.memory_space<vmem>>[vector<16xi32>, vector<16xi32>], vector<16xf32>,
      %add3A_996 = arith.constant 48 : i32
      %add3A_997 = vector.broadcast %add3A_996 : i32 to vector<16xi32>
      %add3A_998 = arith.addi %iota3A, %add3A_997 : vector<16xi32>
      %gather3A_999 = tpu.vector_load_idx %arg14[%broadcast_in_dim3A_974, %add3A_998, %broadcast_in_dim3A_972] : memref<1x64x128xf32, #tpu.memory_space<vmem>>[vector<16xi32>, vector<16xi32>, vector<16xi32>], vector<16xf32>,
      %gather3A_1000 = tpu.vector_load_idx %arg7[%add3A_998, %broadcast_in_dim3A_977] : memref<64x256xf32, #tpu.memory_space<vmem>>[vector<16xi32>, vector<16xi32>], vector<16xf32>,
      %add3A_1001 = arith.addf %gather3A_999, %gather3A_1000 : vector<16xf32>
      tpu.vector_store_idx %arg8[%add3A_998, %broadcast_in_dim3A_977], %add3A_1001 : memref<64x256xf32, #tpu.memory_space<vmem>>[vector<16xi32>, vector<16xi32>], vector<16xf32>,
      %slice3A_1002 = vector.extract_strided_slice %get3A_413 {offsets = [13], sizes = [1], strides = [1]} : vector<16xi32> to vector<1xi32>
      %squeeze3A_1003 = vector.extract %slice3A_1002[0] : i32 from vector<1xi32>
      %and3A_1004 = arith.constant -128 : i32
      %and3A_1005 = arith.andi %squeeze3A_1003, %and3A_1004 : i32
      %multiple_of3A_1006 = tpu.assume_multiple %and3A_1005, 128 : i32
      %dma_start3A_1007 = arith.constant 0 : i32
      %dma_start3A_1008 = arith.constant 0 : i32
      %dma_start3A_1009 = arith.constant 0 : i32
      %dma_start3A_1010 = tpu.memref_slice %arg14[%dma_start3A_1007, %dma_start3A_1008, %dma_start3A_1009] : memref<1x64x128xf32, #tpu.memory_space<vmem>> -> memref<1x64x128xf32, #tpu.memory_space<vmem>>
      %dma_start3A_1011 = tpu.memref_squeeze %dma_start3A_1010 : memref<1x64x128xf32, #tpu.memory_space<vmem>> -> memref<64x128xf32, #tpu.memory_space<vmem>>
      %dma_start3A_1012 = arith.constant 0 : i32
      %dma_start3A_1013 = tpu.memref_slice %arg3[%dma_start3A_1012, %multiple_of3A_1006] : memref<64x1000000xf32, #tpu.memory_space<hbm>> -> memref<64x128xf32, #tpu.memory_space<hbm>>
      %dma_start3A_1014 = arith.constant 0 : i32
      %dma_start3A_1015 = arith.constant 0 : i32
      %dma_start3A_1016 = tpu.memref_slice %arg14[%dma_start3A_1007, %dma_start3A_1014, %dma_start3A_1015] : memref<1x64x128xf32, #tpu.memory_space<vmem>> -> memref<1x64x128xf32, #tpu.memory_space<vmem>>
      %dma_start3A_1017 = tpu.memref_squeeze %dma_start3A_1016 : memref<1x64x128xf32, #tpu.memory_space<vmem>> -> memref<64x128xf32, #tpu.memory_space<vmem>>
      %dma_start3A_1018 = arith.constant 0 : i32
      %dma_start3A_1019 = tpu.memref_slice %arg3[%dma_start3A_1018, %multiple_of3A_1006] : memref<64x1000000xf32, #tpu.memory_space<hbm>> -> memref<64x128xf32, #tpu.memory_space<hbm>>
      tpu.enqueue_dma source(%dma_start3A_1019 : memref<64x128xf32, #tpu.memory_space<hbm>>) target(%dma_start3A_1017 : memref<64x128xf32, #tpu.memory_space<vmem>>) target_semaphore(%arg22 : memref<!tpu.dma_semaphore, #tpu.memory_space<semaphore_mem>>)
      %dma_wait3A_1020 = arith.constant 0 : i32
      %dma_wait3A_1021 = arith.constant 0 : i32
      %dma_wait3A_1022 = arith.constant 0 : i32
      %dma_wait3A_1023 = tpu.memref_slice %arg15[%dma_wait3A_1020, %dma_wait3A_1021, %dma_wait3A_1022] : memref<1x64x128xf32, #tpu.memory_space<vmem>> -> memref<1x64x128xf32, #tpu.memory_space<vmem>>
      %dma_wait3A_1024 = tpu.memref_squeeze %dma_wait3A_1023 : memref<1x64x128xf32, #tpu.memory_space<vmem>> -> memref<64x128xf32, #tpu.memory_space<vmem>>
      %dma_wait3A_1025 = arith.constant 0 : i32
      %dma_wait3A_1026 = arith.constant 0 : i32
      %dma_wait3A_1027 = tpu.memref_slice %arg3[%dma_wait3A_1025, %dma_wait3A_1026] : memref<64x1000000xf32, #tpu.memory_space<hbm>> -> memref<64x128xf32, #tpu.memory_space<hbm>>
      %dma_wait3A_1028 = arith.constant 0 : i32
      %dma_wait3A_1029 = arith.constant 0 : i32
      %dma_wait3A_1030 = tpu.memref_slice %arg15[%dma_wait3A_1020, %dma_wait3A_1028, %dma_wait3A_1029] : memref<1x64x128xf32, #tpu.memory_space<vmem>> -> memref<1x64x128xf32, #tpu.memory_space<vmem>>
      %dma_wait3A_1031 = tpu.memref_squeeze %dma_wait3A_1030 : memref<1x64x128xf32, #tpu.memory_space<vmem>> -> memref<64x128xf32, #tpu.memory_space<vmem>>
      %dma_wait3A_1032 = arith.constant 0 : i32
      %dma_wait3A_1033 = arith.constant 0 : i32
      %dma_wait3A_1034 = tpu.memref_slice %arg3[%dma_wait3A_1032, %dma_wait3A_1033] : memref<64x1000000xf32, #tpu.memory_space<hbm>> -> memref<64x128xf32, #tpu.memory_space<hbm>>
      tpu.wait_dma2 semaphore(%arg23 : memref<!tpu.dma_semaphore, #tpu.memory_space<semaphore_mem>>) src(%dma_wait3A_1034 : memref<64x128xf32, #tpu.memory_space<hbm>>) dst(%dma_wait3A_1031 : memref<64x128xf32, #tpu.memory_space<vmem>>)
      %mul3A_1035 = arith.constant 16 : i32
      %mul3A_1036 = arith.muli %scan3A_409, %mul3A_1035 : i32
      %add3A_1037 = arith.constant 6 : i32
      %add3A_1038 = arith.addi %mul3A_1036, %add3A_1037 : i32
      %slice3A_1039 = vector.extract_strided_slice %get3A_413 {offsets = [6], sizes = [1], strides = [1]} : vector<16xi32> to vector<1xi32>
      %squeeze3A_1040 = vector.extract %slice3A_1039[0] : i32 from vector<1xi32>
      %and3A_1041 = arith.constant 127 : i32
      %and3A_1042 = arith.andi %squeeze3A_1040, %and3A_1041 : i32
      %broadcast_in_dim3A_1043 = vector.broadcast %and3A_1042 : i32 to vector<16xi32>
      %broadcast_in_dim3A_1044 = arith.constant 0 : i32
      %broadcast_in_dim3A_1045 = vector.broadcast %broadcast_in_dim3A_1044 : i32 to vector<16xi32>
      %add3A_1046 = arith.constant 0 : i32
      %add3A_1047 = arith.addi %add3A_1038, %add3A_1046 : i32
      %broadcast_in_dim3A_1048 = vector.broadcast %add3A_1047 : i32 to vector<16xi32>
      %add3A_1049 = arith.constant 0 : i32
      %add3A_1050 = vector.broadcast %add3A_1049 : i32 to vector<16xi32>
      %add3A_1051 = arith.addi %iota3A, %add3A_1050 : vector<16xi32>
      %gather3A_1052 = tpu.vector_load_idx %arg15[%broadcast_in_dim3A_1045, %add3A_1051, %broadcast_in_dim3A_1043] : memref<1x64x128xf32, #tpu.memory_space<vmem>>[vector<16xi32>, vector<16xi32>, vector<16xi32>], vector<16xf32>,
      %gather3A_1053 = tpu.vector_load_idx %arg7[%add3A_1051, %broadcast_in_dim3A_1048] : memref<64x256xf32, #tpu.memory_space<vmem>>[vector<16xi32>, vector<16xi32>], vector<16xf32>,
      %add3A_1054 = arith.addf %gather3A_1052, %gather3A_1053 : vector<16xf32>
      tpu.vector_store_idx %arg8[%add3A_1051, %broadcast_in_dim3A_1048], %add3A_1054 : memref<64x256xf32, #tpu.memory_space<vmem>>[vector<16xi32>, vector<16xi32>], vector<16xf32>,
      %add3A_1055 = arith.constant 16 : i32
      %add3A_1056 = vector.broadcast %add3A_1055 : i32 to vector<16xi32>
      %add3A_1057 = arith.addi %iota3A, %add3A_1056 : vector<16xi32>
      %gather3A_1058 = tpu.vector_load_idx %arg15[%broadcast_in_dim3A_1045, %add3A_1057, %broadcast_in_dim3A_1043] : memref<1x64x128xf32, #tpu.memory_space<vmem>>[vector<16xi32>, vector<16xi32>, vector<16xi32>], vector<16xf32>,
      %gather3A_1059 = tpu.vector_load_idx %arg7[%add3A_1057, %broadcast_in_dim3A_1048] : memref<64x256xf32, #tpu.memory_space<vmem>>[vector<16xi32>, vector<16xi32>], vector<16xf32>,
      %add3A_1060 = arith.addf %gather3A_1058, %gather3A_1059 : vector<16xf32>
      tpu.vector_store_idx %arg8[%add3A_1057, %broadcast_in_dim3A_1048], %add3A_1060 : memref<64x256xf32, #tpu.memory_space<vmem>>[vector<16xi32>, vector<16xi32>], vector<16xf32>,
      %add3A_1061 = arith.constant 32 : i32
      %add3A_1062 = vector.broadcast %add3A_1061 : i32 to vector<16xi32>
      %add3A_1063 = arith.addi %iota3A, %add3A_1062 : vector<16xi32>
      %gather3A_1064 = tpu.vector_load_idx %arg15[%broadcast_in_dim3A_1045, %add3A_1063, %broadcast_in_dim3A_1043] : memref<1x64x128xf32, #tpu.memory_space<vmem>>[vector<16xi32>, vector<16xi32>, vector<16xi32>], vector<16xf32>,
      %gather3A_1065 = tpu.vector_load_idx %arg7[%add3A_1063, %broadcast_in_dim3A_1048] : memref<64x256xf32, #tpu.memory_space<vmem>>[vector<16xi32>, vector<16xi32>], vector<16xf32>,
      %add3A_1066 = arith.addf %gather3A_1064, %gather3A_1065 : vector<16xf32>
      tpu.vector_store_idx %arg8[%add3A_1063, %broadcast_in_dim3A_1048], %add3A_1066 : memref<64x256xf32, #tpu.memory_space<vmem>>[vector<16xi32>, vector<16xi32>], vector<16xf32>,
      %add3A_1067 = arith.constant 48 : i32
      %add3A_1068 = vector.broadcast %add3A_1067 : i32 to vector<16xi32>
      %add3A_1069 = arith.addi %iota3A, %add3A_1068 : vector<16xi32>
      %gather3A_1070 = tpu.vector_load_idx %arg15[%broadcast_in_dim3A_1045, %add3A_1069, %broadcast_in_dim3A_1043] : memref<1x64x128xf32, #tpu.memory_space<vmem>>[vector<16xi32>, vector<16xi32>, vector<16xi32>], vector<16xf32>,
      %gather3A_1071 = tpu.vector_load_idx %arg7[%add3A_1069, %broadcast_in_dim3A_1048] : memref<64x256xf32, #tpu.memory_space<vmem>>[vector<16xi32>, vector<16xi32>], vector<16xf32>,
      %add3A_1072 = arith.addf %gather3A_1070, %gather3A_1071 : vector<16xf32>
      tpu.vector_store_idx %arg8[%add3A_1069, %broadcast_in_dim3A_1048], %add3A_1072 : memref<64x256xf32, #tpu.memory_space<vmem>>[vector<16xi32>, vector<16xi32>], vector<16xf32>,
      %slice3A_1073 = vector.extract_strided_slice %get3A_413 {offsets = [14], sizes = [1], strides = [1]} : vector<16xi32> to vector<1xi32>
      %squeeze3A_1074 = vector.extract %slice3A_1073[0] : i32 from vector<1xi32>
      %and3A_1075 = arith.constant -128 : i32
      %and3A_1076 = arith.andi %squeeze3A_1074, %and3A_1075 : i32
      %multiple_of3A_1077 = tpu.assume_multiple %and3A_1076, 128 : i32
      %dma_start3A_1078 = arith.constant 0 : i32
      %dma_start3A_1079 = arith.constant 0 : i32
      %dma_start3A_1080 = arith.constant 0 : i32
      %dma_start3A_1081 = tpu.memref_slice %arg15[%dma_start3A_1078, %dma_start3A_1079, %dma_start3A_1080] : memref<1x64x128xf32, #tpu.memory_space<vmem>> -> memref<1x64x128xf32, #tpu.memory_space<vmem>>
      %dma_start3A_1082 = tpu.memref_squeeze %dma_start3A_1081 : memref<1x64x128xf32, #tpu.memory_space<vmem>> -> memref<64x128xf32, #tpu.memory_space<vmem>>
      %dma_start3A_1083 = arith.constant 0 : i32
      %dma_start3A_1084 = tpu.memref_slice %arg3[%dma_start3A_1083, %multiple_of3A_1077] : memref<64x1000000xf32, #tpu.memory_space<hbm>> -> memref<64x128xf32, #tpu.memory_space<hbm>>
      %dma_start3A_1085 = arith.constant 0 : i32
      %dma_start3A_1086 = arith.constant 0 : i32
      %dma_start3A_1087 = tpu.memref_slice %arg15[%dma_start3A_1078, %dma_start3A_1085, %dma_start3A_1086] : memref<1x64x128xf32, #tpu.memory_space<vmem>> -> memref<1x64x128xf32, #tpu.memory_space<vmem>>
      %dma_start3A_1088 = tpu.memref_squeeze %dma_start3A_1087 : memref<1x64x128xf32, #tpu.memory_space<vmem>> -> memref<64x128xf32, #tpu.memory_space<vmem>>
      %dma_start3A_1089 = arith.constant 0 : i32
      %dma_start3A_1090 = tpu.memref_slice %arg3[%dma_start3A_1089, %multiple_of3A_1077] : memref<64x1000000xf32, #tpu.memory_space<hbm>> -> memref<64x128xf32, #tpu.memory_space<hbm>>
      tpu.enqueue_dma source(%dma_start3A_1090 : memref<64x128xf32, #tpu.memory_space<hbm>>) target(%dma_start3A_1088 : memref<64x128xf32, #tpu.memory_space<vmem>>) target_semaphore(%arg23 : memref<!tpu.dma_semaphore, #tpu.memory_space<semaphore_mem>>)
      %dma_wait3A_1091 = arith.constant 0 : i32
      %dma_wait3A_1092 = arith.constant 0 : i32
      %dma_wait3A_1093 = arith.constant 0 : i32
      %dma_wait3A_1094 = tpu.memref_slice %arg16[%dma_wait3A_1091, %dma_wait3A_1092, %dma_wait3A_1093] : memref<1x64x128xf32, #tpu.memory_space<vmem>> -> memref<1x64x128xf32, #tpu.memory_space<vmem>>
      %dma_wait3A_1095 = tpu.memref_squeeze %dma_wait3A_1094 : memref<1x64x128xf32, #tpu.memory_space<vmem>> -> memref<64x128xf32, #tpu.memory_space<vmem>>
      %dma_wait3A_1096 = arith.constant 0 : i32
      %dma_wait3A_1097 = arith.constant 0 : i32
      %dma_wait3A_1098 = tpu.memref_slice %arg3[%dma_wait3A_1096, %dma_wait3A_1097] : memref<64x1000000xf32, #tpu.memory_space<hbm>> -> memref<64x128xf32, #tpu.memory_space<hbm>>
      %dma_wait3A_1099 = arith.constant 0 : i32
      %dma_wait3A_1100 = arith.constant 0 : i32
      %dma_wait3A_1101 = tpu.memref_slice %arg16[%dma_wait3A_1091, %dma_wait3A_1099, %dma_wait3A_1100] : memref<1x64x128xf32, #tpu.memory_space<vmem>> -> memref<1x64x128xf32, #tpu.memory_space<vmem>>
      %dma_wait3A_1102 = tpu.memref_squeeze %dma_wait3A_1101 : memref<1x64x128xf32, #tpu.memory_space<vmem>> -> memref<64x128xf32, #tpu.memory_space<vmem>>
      %dma_wait3A_1103 = arith.constant 0 : i32
      %dma_wait3A_1104 = arith.constant 0 : i32
      %dma_wait3A_1105 = tpu.memref_slice %arg3[%dma_wait3A_1103, %dma_wait3A_1104] : memref<64x1000000xf32, #tpu.memory_space<hbm>> -> memref<64x128xf32, #tpu.memory_space<hbm>>
      tpu.wait_dma2 semaphore(%arg24 : memref<!tpu.dma_semaphore, #tpu.memory_space<semaphore_mem>>) src(%dma_wait3A_1105 : memref<64x128xf32, #tpu.memory_space<hbm>>) dst(%dma_wait3A_1102 : memref<64x128xf32, #tpu.memory_space<vmem>>)
      %mul3A_1106 = arith.constant 16 : i32
      %mul3A_1107 = arith.muli %scan3A_409, %mul3A_1106 : i32
      %add3A_1108 = arith.constant 7 : i32
      %add3A_1109 = arith.addi %mul3A_1107, %add3A_1108 : i32
      %slice3A_1110 = vector.extract_strided_slice %get3A_413 {offsets = [7], sizes = [1], strides = [1]} : vector<16xi32> to vector<1xi32>
      %squeeze3A_1111 = vector.extract %slice3A_1110[0] : i32 from vector<1xi32>
      %and3A_1112 = arith.constant 127 : i32
      %and3A_1113 = arith.andi %squeeze3A_1111, %and3A_1112 : i32
      %broadcast_in_dim3A_1114 = vector.broadcast %and3A_1113 : i32 to vector<16xi32>
      %broadcast_in_dim3A_1115 = arith.constant 0 : i32
      %broadcast_in_dim3A_1116 = vector.broadcast %broadcast_in_dim3A_1115 : i32 to vector<16xi32>
      %add3A_1117 = arith.constant 0 : i32
      %add3A_1118 = arith.addi %add3A_1109, %add3A_1117 : i32
      %broadcast_in_dim3A_1119 = vector.broadcast %add3A_1118 : i32 to vector<16xi32>
      %add3A_1120 = arith.constant 0 : i32
      %add3A_1121 = vector.broadcast %add3A_1120 : i32 to vector<16xi32>
      %add3A_1122 = arith.addi %iota3A, %add3A_1121 : vector<16xi32>
      %gather3A_1123 = tpu.vector_load_idx %arg16[%broadcast_in_dim3A_1116, %add3A_1122, %broadcast_in_dim3A_1114] : memref<1x64x128xf32, #tpu.memory_space<vmem>>[vector<16xi32>, vector<16xi32>, vector<16xi32>], vector<16xf32>,
      %gather3A_1124 = tpu.vector_load_idx %arg7[%add3A_1122, %broadcast_in_dim3A_1119] : memref<64x256xf32, #tpu.memory_space<vmem>>[vector<16xi32>, vector<16xi32>], vector<16xf32>,
      %add3A_1125 = arith.addf %gather3A_1123, %gather3A_1124 : vector<16xf32>
      tpu.vector_store_idx %arg8[%add3A_1122, %broadcast_in_dim3A_1119], %add3A_1125 : memref<64x256xf32, #tpu.memory_space<vmem>>[vector<16xi32>, vector<16xi32>], vector<16xf32>,
      %add3A_1126 = arith.constant 16 : i32
      %add3A_1127 = vector.broadcast %add3A_1126 : i32 to vector<16xi32>
      %add3A_1128 = arith.addi %iota3A, %add3A_1127 : vector<16xi32>
      %gather3A_1129 = tpu.vector_load_idx %arg16[%broadcast_in_dim3A_1116, %add3A_1128, %broadcast_in_dim3A_1114] : memref<1x64x128xf32, #tpu.memory_space<vmem>>[vector<16xi32>, vector<16xi32>, vector<16xi32>], vector<16xf32>,
      %gather3A_1130 = tpu.vector_load_idx %arg7[%add3A_1128, %broadcast_in_dim3A_1119] : memref<64x256xf32, #tpu.memory_space<vmem>>[vector<16xi32>, vector<16xi32>], vector<16xf32>,
      %add3A_1131 = arith.addf %gather3A_1129, %gather3A_1130 : vector<16xf32>
      tpu.vector_store_idx %arg8[%add3A_1128, %broadcast_in_dim3A_1119], %add3A_1131 : memref<64x256xf32, #tpu.memory_space<vmem>>[vector<16xi32>, vector<16xi32>], vector<16xf32>,
      %add3A_1132 = arith.constant 32 : i32
      %add3A_1133 = vector.broadcast %add3A_1132 : i32 to vector<16xi32>
      %add3A_1134 = arith.addi %iota3A, %add3A_1133 : vector<16xi32>
      %gather3A_1135 = tpu.vector_load_idx %arg16[%broadcast_in_dim3A_1116, %add3A_1134, %broadcast_in_dim3A_1114] : memref<1x64x128xf32, #tpu.memory_space<vmem>>[vector<16xi32>, vector<16xi32>, vector<16xi32>], vector<16xf32>,
      %gather3A_1136 = tpu.vector_load_idx %arg7[%add3A_1134, %broadcast_in_dim3A_1119] : memref<64x256xf32, #tpu.memory_space<vmem>>[vector<16xi32>, vector<16xi32>], vector<16xf32>,
      %add3A_1137 = arith.addf %gather3A_1135, %gather3A_1136 : vector<16xf32>
      tpu.vector_store_idx %arg8[%add3A_1134, %broadcast_in_dim3A_1119], %add3A_1137 : memref<64x256xf32, #tpu.memory_space<vmem>>[vector<16xi32>, vector<16xi32>], vector<16xf32>,
      %add3A_1138 = arith.constant 48 : i32
      %add3A_1139 = vector.broadcast %add3A_1138 : i32 to vector<16xi32>
      %add3A_1140 = arith.addi %iota3A, %add3A_1139 : vector<16xi32>
      %gather3A_1141 = tpu.vector_load_idx %arg16[%broadcast_in_dim3A_1116, %add3A_1140, %broadcast_in_dim3A_1114] : memref<1x64x128xf32, #tpu.memory_space<vmem>>[vector<16xi32>, vector<16xi32>, vector<16xi32>], vector<16xf32>,
      %gather3A_1142 = tpu.vector_load_idx %arg7[%add3A_1140, %broadcast_in_dim3A_1119] : memref<64x256xf32, #tpu.memory_space<vmem>>[vector<16xi32>, vector<16xi32>], vector<16xf32>,
      %add3A_1143 = arith.addf %gather3A_1141, %gather3A_1142 : vector<16xf32>
      tpu.vector_store_idx %arg8[%add3A_1140, %broadcast_in_dim3A_1119], %add3A_1143 : memref<64x256xf32, #tpu.memory_space<vmem>>[vector<16xi32>, vector<16xi32>], vector<16xf32>,
      %slice3A_1144 = vector.extract_strided_slice %get3A_413 {offsets = [15], sizes = [1], strides = [1]} : vector<16xi32> to vector<1xi32>
      %squeeze3A_1145 = vector.extract %slice3A_1144[0] : i32 from vector<1xi32>
      %and3A_1146 = arith.constant -128 : i32
      %and3A_1147 = arith.andi %squeeze3A_1145, %and3A_1146 : i32
      %multiple_of3A_1148 = tpu.assume_multiple %and3A_1147, 128 : i32
      %dma_start3A_1149 = arith.constant 0 : i32
      %dma_start3A_1150 = arith.constant 0 : i32
      %dma_start3A_1151 = arith.constant 0 : i32
      %dma_start3A_1152 = tpu.memref_slice %arg16[%dma_start3A_1149, %dma_start3A_1150, %dma_start3A_1151] : memref<1x64x128xf32, #tpu.memory_space<vmem>> -> memref<1x64x128xf32, #tpu.memory_space<vmem>>
      %dma_start3A_1153 = tpu.memref_squeeze %dma_start3A_1152 : memref<1x64x128xf32, #tpu.memory_space<vmem>> -> memref<64x128xf32, #tpu.memory_space<vmem>>
      %dma_start3A_1154 = arith.constant 0 : i32
      %dma_start3A_1155 = tpu.memref_slice %arg3[%dma_start3A_1154, %multiple_of3A_1148] : memref<64x1000000xf32, #tpu.memory_space<hbm>> -> memref<64x128xf32, #tpu.memory_space<hbm>>
      %dma_start3A_1156 = arith.constant 0 : i32
      %dma_start3A_1157 = arith.constant 0 : i32
      %dma_start3A_1158 = tpu.memref_slice %arg16[%dma_start3A_1149, %dma_start3A_1156, %dma_start3A_1157] : memref<1x64x128xf32, #tpu.memory_space<vmem>> -> memref<1x64x128xf32, #tpu.memory_space<vmem>>
      %dma_start3A_1159 = tpu.memref_squeeze %dma_start3A_1158 : memref<1x64x128xf32, #tpu.memory_space<vmem>> -> memref<64x128xf32, #tpu.memory_space<vmem>>
      %dma_start3A_1160 = arith.constant 0 : i32
      %dma_start3A_1161 = tpu.memref_slice %arg3[%dma_start3A_1160, %multiple_of3A_1148] : memref<64x1000000xf32, #tpu.memory_space<hbm>> -> memref<64x128xf32, #tpu.memory_space<hbm>>
      tpu.enqueue_dma source(%dma_start3A_1161 : memref<64x128xf32, #tpu.memory_space<hbm>>) target(%dma_start3A_1159 : memref<64x128xf32, #tpu.memory_space<vmem>>) target_semaphore(%arg24 : memref<!tpu.dma_semaphore, #tpu.memory_space<semaphore_mem>>)
      scf.yield %get3A_413 : vector<16xi32>
    }
    %scan3A_28 = arith.constant 16 : i32
    %dma_wait3A = arith.constant 0 : i32
    %dma_wait3A_29 = arith.constant 0 : i32
    %dma_wait3A_30 = arith.constant 0 : i32
    %dma_wait3A_31 = tpu.memref_slice %arg9[%dma_wait3A, %dma_wait3A_29, %dma_wait3A_30] : memref<1x64x128xf32, #tpu.memory_space<vmem>> -> memref<1x64x128xf32, #tpu.memory_space<vmem>>
    %dma_wait3A_32 = tpu.memref_squeeze %dma_wait3A_31 : memref<1x64x128xf32, #tpu.memory_space<vmem>> -> memref<64x128xf32, #tpu.memory_space<vmem>>
    %dma_wait3A_33 = arith.constant 0 : i32
    %dma_wait3A_34 = arith.constant 0 : i32
    %dma_wait3A_35 = tpu.memref_slice %arg3[%dma_wait3A_33, %dma_wait3A_34] : memref<64x1000000xf32, #tpu.memory_space<hbm>> -> memref<64x128xf32, #tpu.memory_space<hbm>>
    %dma_wait3A_36 = arith.constant 0 : i32
    %dma_wait3A_37 = arith.constant 0 : i32
    %dma_wait3A_38 = tpu.memref_slice %arg9[%dma_wait3A, %dma_wait3A_36, %dma_wait3A_37] : memref<1x64x128xf32, #tpu.memory_space<vmem>> -> memref<1x64x128xf32, #tpu.memory_space<vmem>>
    %dma_wait3A_39 = tpu.memref_squeeze %dma_wait3A_38 : memref<1x64x128xf32, #tpu.memory_space<vmem>> -> memref<64x128xf32, #tpu.memory_space<vmem>>
    %dma_wait3A_40 = arith.constant 0 : i32
    %dma_wait3A_41 = arith.constant 0 : i32
    %dma_wait3A_42 = tpu.memref_slice %arg3[%dma_wait3A_40, %dma_wait3A_41] : memref<64x1000000xf32, #tpu.memory_space<hbm>> -> memref<64x128xf32, #tpu.memory_space<hbm>>
    tpu.wait_dma2 semaphore(%arg17 : memref<!tpu.dma_semaphore, #tpu.memory_space<semaphore_mem>>) src(%dma_wait3A_42 : memref<64x128xf32, #tpu.memory_space<hbm>>) dst(%dma_wait3A_39 : memref<64x128xf32, #tpu.memory_space<vmem>>)
    %slice3A = vector.extract_strided_slice %scan3A_27 {offsets = [8], sizes = [1], strides = [1]} : vector<16xi32> to vector<1xi32>
    %squeeze3A = vector.extract %slice3A[0] : i32 from vector<1xi32>
    %and3A_43 = arith.constant 127 : i32
    %and3A_44 = arith.andi %squeeze3A, %and3A_43 : i32
    %broadcast_in_dim3A_45 = vector.broadcast %and3A_44 : i32 to vector<16xi32>
    %broadcast_in_dim3A_46 = arith.constant 0 : i32
    %broadcast_in_dim3A_47 = vector.broadcast %broadcast_in_dim3A_46 : i32 to vector<16xi32>
    %broadcast_in_dim3A_48 = arith.constant 248 : i32
    %broadcast_in_dim3A_49 = vector.broadcast %broadcast_in_dim3A_48 : i32 to vector<16xi32>
    %add3A_50 = arith.constant 0 : i32
    %add3A_51 = vector.broadcast %add3A_50 : i32 to vector<16xi32>
    %add3A_52 = arith.addi %iota3A, %add3A_51 : vector<16xi32>
    %gather3A = tpu.vector_load_idx %arg9[%broadcast_in_dim3A_47, %add3A_52, %broadcast_in_dim3A_45] : memref<1x64x128xf32, #tpu.memory_space<vmem>>[vector<16xi32>, vector<16xi32>, vector<16xi32>], vector<16xf32>,
    %gather3A_53 = tpu.vector_load_idx %arg7[%add3A_52, %broadcast_in_dim3A_49] : memref<64x256xf32, #tpu.memory_space<vmem>>[vector<16xi32>, vector<16xi32>], vector<16xf32>,
    %add3A_54 = arith.addf %gather3A, %gather3A_53 : vector<16xf32>
    tpu.vector_store_idx %arg8[%add3A_52, %broadcast_in_dim3A_49], %add3A_54 : memref<64x256xf32, #tpu.memory_space<vmem>>[vector<16xi32>, vector<16xi32>], vector<16xf32>,
    %add3A_55 = arith.constant 16 : i32
    %add3A_56 = vector.broadcast %add3A_55 : i32 to vector<16xi32>
    %add3A_57 = arith.addi %iota3A, %add3A_56 : vector<16xi32>
    %gather3A_58 = tpu.vector_load_idx %arg9[%broadcast_in_dim3A_47, %add3A_57, %broadcast_in_dim3A_45] : memref<1x64x128xf32, #tpu.memory_space<vmem>>[vector<16xi32>, vector<16xi32>, vector<16xi32>], vector<16xf32>,
    %gather3A_59 = tpu.vector_load_idx %arg7[%add3A_57, %broadcast_in_dim3A_49] : memref<64x256xf32, #tpu.memory_space<vmem>>[vector<16xi32>, vector<16xi32>], vector<16xf32>,
    %add3A_60 = arith.addf %gather3A_58, %gather3A_59 : vector<16xf32>
    tpu.vector_store_idx %arg8[%add3A_57, %broadcast_in_dim3A_49], %add3A_60 : memref<64x256xf32, #tpu.memory_space<vmem>>[vector<16xi32>, vector<16xi32>], vector<16xf32>,
    %add3A_61 = arith.constant 32 : i32
    %add3A_62 = vector.broadcast %add3A_61 : i32 to vector<16xi32>
    %add3A_63 = arith.addi %iota3A, %add3A_62 : vector<16xi32>
    %gather3A_64 = tpu.vector_load_idx %arg9[%broadcast_in_dim3A_47, %add3A_63, %broadcast_in_dim3A_45] : memref<1x64x128xf32, #tpu.memory_space<vmem>>[vector<16xi32>, vector<16xi32>, vector<16xi32>], vector<16xf32>,
    %gather3A_65 = tpu.vector_load_idx %arg7[%add3A_63, %broadcast_in_dim3A_49] : memref<64x256xf32, #tpu.memory_space<vmem>>[vector<16xi32>, vector<16xi32>], vector<16xf32>,
    %add3A_66 = arith.addf %gather3A_64, %gather3A_65 : vector<16xf32>
    tpu.vector_store_idx %arg8[%add3A_63, %broadcast_in_dim3A_49], %add3A_66 : memref<64x256xf32, #tpu.memory_space<vmem>>[vector<16xi32>, vector<16xi32>], vector<16xf32>,
    %add3A_67 = arith.constant 48 : i32
    %add3A_68 = vector.broadcast %add3A_67 : i32 to vector<16xi32>
    %add3A_69 = arith.addi %iota3A, %add3A_68 : vector<16xi32>
    %gather3A_70 = tpu.vector_load_idx %arg9[%broadcast_in_dim3A_47, %add3A_69, %broadcast_in_dim3A_45] : memref<1x64x128xf32, #tpu.memory_space<vmem>>[vector<16xi32>, vector<16xi32>, vector<16xi32>], vector<16xf32>,
    %gather3A_71 = tpu.vector_load_idx %arg7[%add3A_69, %broadcast_in_dim3A_49] : memref<64x256xf32, #tpu.memory_space<vmem>>[vector<16xi32>, vector<16xi32>], vector<16xf32>,
    %add3A_72 = arith.addf %gather3A_70, %gather3A_71 : vector<16xf32>
    tpu.vector_store_idx %arg8[%add3A_69, %broadcast_in_dim3A_49], %add3A_72 : memref<64x256xf32, #tpu.memory_space<vmem>>[vector<16xi32>, vector<16xi32>], vector<16xf32>,
    %dma_wait3A_73 = arith.constant 0 : i32
    %dma_wait3A_74 = arith.constant 0 : i32
    %dma_wait3A_75 = arith.constant 0 : i32
    %dma_wait3A_76 = tpu.memref_slice %arg10[%dma_wait3A_73, %dma_wait3A_74, %dma_wait3A_75] : memref<1x64x128xf32, #tpu.memory_space<vmem>> -> memref<1x64x128xf32, #tpu.memory_space<vmem>>
    %dma_wait3A_77 = tpu.memref_squeeze %dma_wait3A_76 : memref<1x64x128xf32, #tpu.memory_space<vmem>> -> memref<64x128xf32, #tpu.memory_space<vmem>>
    %dma_wait3A_78 = arith.constant 0 : i32
    %dma_wait3A_79 = arith.constant 0 : i32
    %dma_wait3A_80 = tpu.memref_slice %arg3[%dma_wait3A_78, %dma_wait3A_79] : memref<64x1000000xf32, #tpu.memory_space<hbm>> -> memref<64x128xf32, #tpu.memory_space<hbm>>
    %dma_wait3A_81 = arith.constant 0 : i32
    %dma_wait3A_82 = arith.constant 0 : i32
    %dma_wait3A_83 = tpu.memref_slice %arg10[%dma_wait3A_73, %dma_wait3A_81, %dma_wait3A_82] : memref<1x64x128xf32, #tpu.memory_space<vmem>> -> memref<1x64x128xf32, #tpu.memory_space<vmem>>
    %dma_wait3A_84 = tpu.memref_squeeze %dma_wait3A_83 : memref<1x64x128xf32, #tpu.memory_space<vmem>> -> memref<64x128xf32, #tpu.memory_space<vmem>>
    %dma_wait3A_85 = arith.constant 0 : i32
    %dma_wait3A_86 = arith.constant 0 : i32
    %dma_wait3A_87 = tpu.memref_slice %arg3[%dma_wait3A_85, %dma_wait3A_86] : memref<64x1000000xf32, #tpu.memory_space<hbm>> -> memref<64x128xf32, #tpu.memory_space<hbm>>
    tpu.wait_dma2 semaphore(%arg18 : memref<!tpu.dma_semaphore, #tpu.memory_space<semaphore_mem>>) src(%dma_wait3A_87 : memref<64x128xf32, #tpu.memory_space<hbm>>) dst(%dma_wait3A_84 : memref<64x128xf32, #tpu.memory_space<vmem>>)
    %slice3A_88 = vector.extract_strided_slice %scan3A_27 {offsets = [9], sizes = [1], strides = [1]} : vector<16xi32> to vector<1xi32>
    %squeeze3A_89 = vector.extract %slice3A_88[0] : i32 from vector<1xi32>
    %and3A_90 = arith.constant 127 : i32
    %and3A_91 = arith.andi %squeeze3A_89, %and3A_90 : i32
    %broadcast_in_dim3A_92 = vector.broadcast %and3A_91 : i32 to vector<16xi32>
    %broadcast_in_dim3A_93 = arith.constant 0 : i32
    %broadcast_in_dim3A_94 = vector.broadcast %broadcast_in_dim3A_93 : i32 to vector<16xi32>
    %broadcast_in_dim3A_95 = arith.constant 249 : i32
    %broadcast_in_dim3A_96 = vector.broadcast %broadcast_in_dim3A_95 : i32 to vector<16xi32>
    %add3A_97 = arith.constant 0 : i32
    %add3A_98 = vector.broadcast %add3A_97 : i32 to vector<16xi32>
    %add3A_99 = arith.addi %iota3A, %add3A_98 : vector<16xi32>
    %gather3A_100 = tpu.vector_load_idx %arg10[%broadcast_in_dim3A_94, %add3A_99, %broadcast_in_dim3A_92] : memref<1x64x128xf32, #tpu.memory_space<vmem>>[vector<16xi32>, vector<16xi32>, vector<16xi32>], vector<16xf32>,
    %gather3A_101 = tpu.vector_load_idx %arg7[%add3A_99, %broadcast_in_dim3A_96] : memref<64x256xf32, #tpu.memory_space<vmem>>[vector<16xi32>, vector<16xi32>], vector<16xf32>,
    %add3A_102 = arith.addf %gather3A_100, %gather3A_101 : vector<16xf32>
    tpu.vector_store_idx %arg8[%add3A_99, %broadcast_in_dim3A_96], %add3A_102 : memref<64x256xf32, #tpu.memory_space<vmem>>[vector<16xi32>, vector<16xi32>], vector<16xf32>,
    %add3A_103 = arith.constant 16 : i32
    %add3A_104 = vector.broadcast %add3A_103 : i32 to vector<16xi32>
    %add3A_105 = arith.addi %iota3A, %add3A_104 : vector<16xi32>
    %gather3A_106 = tpu.vector_load_idx %arg10[%broadcast_in_dim3A_94, %add3A_105, %broadcast_in_dim3A_92] : memref<1x64x128xf32, #tpu.memory_space<vmem>>[vector<16xi32>, vector<16xi32>, vector<16xi32>], vector<16xf32>,
    %gather3A_107 = tpu.vector_load_idx %arg7[%add3A_105, %broadcast_in_dim3A_96] : memref<64x256xf32, #tpu.memory_space<vmem>>[vector<16xi32>, vector<16xi32>], vector<16xf32>,
    %add3A_108 = arith.addf %gather3A_106, %gather3A_107 : vector<16xf32>
    tpu.vector_store_idx %arg8[%add3A_105, %broadcast_in_dim3A_96], %add3A_108 : memref<64x256xf32, #tpu.memory_space<vmem>>[vector<16xi32>, vector<16xi32>], vector<16xf32>,
    %add3A_109 = arith.constant 32 : i32
    %add3A_110 = vector.broadcast %add3A_109 : i32 to vector<16xi32>
    %add3A_111 = arith.addi %iota3A, %add3A_110 : vector<16xi32>
    %gather3A_112 = tpu.vector_load_idx %arg10[%broadcast_in_dim3A_94, %add3A_111, %broadcast_in_dim3A_92] : memref<1x64x128xf32, #tpu.memory_space<vmem>>[vector<16xi32>, vector<16xi32>, vector<16xi32>], vector<16xf32>,
    %gather3A_113 = tpu.vector_load_idx %arg7[%add3A_111, %broadcast_in_dim3A_96] : memref<64x256xf32, #tpu.memory_space<vmem>>[vector<16xi32>, vector<16xi32>], vector<16xf32>,
    %add3A_114 = arith.addf %gather3A_112, %gather3A_113 : vector<16xf32>
    tpu.vector_store_idx %arg8[%add3A_111, %broadcast_in_dim3A_96], %add3A_114 : memref<64x256xf32, #tpu.memory_space<vmem>>[vector<16xi32>, vector<16xi32>], vector<16xf32>,
    %add3A_115 = arith.constant 48 : i32
    %add3A_116 = vector.broadcast %add3A_115 : i32 to vector<16xi32>
    %add3A_117 = arith.addi %iota3A, %add3A_116 : vector<16xi32>
    %gather3A_118 = tpu.vector_load_idx %arg10[%broadcast_in_dim3A_94, %add3A_117, %broadcast_in_dim3A_92] : memref<1x64x128xf32, #tpu.memory_space<vmem>>[vector<16xi32>, vector<16xi32>, vector<16xi32>], vector<16xf32>,
    %gather3A_119 = tpu.vector_load_idx %arg7[%add3A_117, %broadcast_in_dim3A_96] : memref<64x256xf32, #tpu.memory_space<vmem>>[vector<16xi32>, vector<16xi32>], vector<16xf32>,
    %add3A_120 = arith.addf %gather3A_118, %gather3A_119 : vector<16xf32>
    tpu.vector_store_idx %arg8[%add3A_117, %broadcast_in_dim3A_96], %add3A_120 : memref<64x256xf32, #tpu.memory_space<vmem>>[vector<16xi32>, vector<16xi32>], vector<16xf32>,
    %dma_wait3A_121 = arith.constant 0 : i32
    %dma_wait3A_122 = arith.constant 0 : i32
    %dma_wait3A_123 = arith.constant 0 : i32
    %dma_wait3A_124 = tpu.memref_slice %arg11[%dma_wait3A_121, %dma_wait3A_122, %dma_wait3A_123] : memref<1x64x128xf32, #tpu.memory_space<vmem>> -> memref<1x64x128xf32, #tpu.memory_space<vmem>>
    %dma_wait3A_125 = tpu.memref_squeeze %dma_wait3A_124 : memref<1x64x128xf32, #tpu.memory_space<vmem>> -> memref<64x128xf32, #tpu.memory_space<vmem>>
    %dma_wait3A_126 = arith.constant 0 : i32
    %dma_wait3A_127 = arith.constant 0 : i32
    %dma_wait3A_128 = tpu.memref_slice %arg3[%dma_wait3A_126, %dma_wait3A_127] : memref<64x1000000xf32, #tpu.memory_space<hbm>> -> memref<64x128xf32, #tpu.memory_space<hbm>>
    %dma_wait3A_129 = arith.constant 0 : i32
    %dma_wait3A_130 = arith.constant 0 : i32
    %dma_wait3A_131 = tpu.memref_slice %arg11[%dma_wait3A_121, %dma_wait3A_129, %dma_wait3A_130] : memref<1x64x128xf32, #tpu.memory_space<vmem>> -> memref<1x64x128xf32, #tpu.memory_space<vmem>>
    %dma_wait3A_132 = tpu.memref_squeeze %dma_wait3A_131 : memref<1x64x128xf32, #tpu.memory_space<vmem>> -> memref<64x128xf32, #tpu.memory_space<vmem>>
    %dma_wait3A_133 = arith.constant 0 : i32
    %dma_wait3A_134 = arith.constant 0 : i32
    %dma_wait3A_135 = tpu.memref_slice %arg3[%dma_wait3A_133, %dma_wait3A_134] : memref<64x1000000xf32, #tpu.memory_space<hbm>> -> memref<64x128xf32, #tpu.memory_space<hbm>>
    tpu.wait_dma2 semaphore(%arg19 : memref<!tpu.dma_semaphore, #tpu.memory_space<semaphore_mem>>) src(%dma_wait3A_135 : memref<64x128xf32, #tpu.memory_space<hbm>>) dst(%dma_wait3A_132 : memref<64x128xf32, #tpu.memory_space<vmem>>)
    %slice3A_136 = vector.extract_strided_slice %scan3A_27 {offsets = [10], sizes = [1], strides = [1]} : vector<16xi32> to vector<1xi32>
    %squeeze3A_137 = vector.extract %slice3A_136[0] : i32 from vector<1xi32>
    %and3A_138 = arith.constant 127 : i32
    %and3A_139 = arith.andi %squeeze3A_137, %and3A_138 : i32
    %broadcast_in_dim3A_140 = vector.broadcast %and3A_139 : i32 to vector<16xi32>
    %broadcast_in_dim3A_141 = arith.constant 0 : i32
    %broadcast_in_dim3A_142 = vector.broadcast %broadcast_in_dim3A_141 : i32 to vector<16xi32>
    %broadcast_in_dim3A_143 = arith.constant 250 : i32
    %broadcast_in_dim3A_144 = vector.broadcast %broadcast_in_dim3A_143 : i32 to vector<16xi32>
    %add3A_145 = arith.constant 0 : i32
    %add3A_146 = vector.broadcast %add3A_145 : i32 to vector<16xi32>
    %add3A_147 = arith.addi %iota3A, %add3A_146 : vector<16xi32>
    %gather3A_148 = tpu.vector_load_idx %arg11[%broadcast_in_dim3A_142, %add3A_147, %broadcast_in_dim3A_140] : memref<1x64x128xf32, #tpu.memory_space<vmem>>[vector<16xi32>, vector<16xi32>, vector<16xi32>], vector<16xf32>,
    %gather3A_149 = tpu.vector_load_idx %arg7[%add3A_147, %broadcast_in_dim3A_144] : memref<64x256xf32, #tpu.memory_space<vmem>>[vector<16xi32>, vector<16xi32>], vector<16xf32>,
    %add3A_150 = arith.addf %gather3A_148, %gather3A_149 : vector<16xf32>
    tpu.vector_store_idx %arg8[%add3A_147, %broadcast_in_dim3A_144], %add3A_150 : memref<64x256xf32, #tpu.memory_space<vmem>>[vector<16xi32>, vector<16xi32>], vector<16xf32>,
    %add3A_151 = arith.constant 16 : i32
    %add3A_152 = vector.broadcast %add3A_151 : i32 to vector<16xi32>
    %add3A_153 = arith.addi %iota3A, %add3A_152 : vector<16xi32>
    %gather3A_154 = tpu.vector_load_idx %arg11[%broadcast_in_dim3A_142, %add3A_153, %broadcast_in_dim3A_140] : memref<1x64x128xf32, #tpu.memory_space<vmem>>[vector<16xi32>, vector<16xi32>, vector<16xi32>], vector<16xf32>,
    %gather3A_155 = tpu.vector_load_idx %arg7[%add3A_153, %broadcast_in_dim3A_144] : memref<64x256xf32, #tpu.memory_space<vmem>>[vector<16xi32>, vector<16xi32>], vector<16xf32>,
    %add3A_156 = arith.addf %gather3A_154, %gather3A_155 : vector<16xf32>
    tpu.vector_store_idx %arg8[%add3A_153, %broadcast_in_dim3A_144], %add3A_156 : memref<64x256xf32, #tpu.memory_space<vmem>>[vector<16xi32>, vector<16xi32>], vector<16xf32>,
    %add3A_157 = arith.constant 32 : i32
    %add3A_158 = vector.broadcast %add3A_157 : i32 to vector<16xi32>
    %add3A_159 = arith.addi %iota3A, %add3A_158 : vector<16xi32>
    %gather3A_160 = tpu.vector_load_idx %arg11[%broadcast_in_dim3A_142, %add3A_159, %broadcast_in_dim3A_140] : memref<1x64x128xf32, #tpu.memory_space<vmem>>[vector<16xi32>, vector<16xi32>, vector<16xi32>], vector<16xf32>,
    %gather3A_161 = tpu.vector_load_idx %arg7[%add3A_159, %broadcast_in_dim3A_144] : memref<64x256xf32, #tpu.memory_space<vmem>>[vector<16xi32>, vector<16xi32>], vector<16xf32>,
    %add3A_162 = arith.addf %gather3A_160, %gather3A_161 : vector<16xf32>
    tpu.vector_store_idx %arg8[%add3A_159, %broadcast_in_dim3A_144], %add3A_162 : memref<64x256xf32, #tpu.memory_space<vmem>>[vector<16xi32>, vector<16xi32>], vector<16xf32>,
    %add3A_163 = arith.constant 48 : i32
    %add3A_164 = vector.broadcast %add3A_163 : i32 to vector<16xi32>
    %add3A_165 = arith.addi %iota3A, %add3A_164 : vector<16xi32>
    %gather3A_166 = tpu.vector_load_idx %arg11[%broadcast_in_dim3A_142, %add3A_165, %broadcast_in_dim3A_140] : memref<1x64x128xf32, #tpu.memory_space<vmem>>[vector<16xi32>, vector<16xi32>, vector<16xi32>], vector<16xf32>,
    %gather3A_167 = tpu.vector_load_idx %arg7[%add3A_165, %broadcast_in_dim3A_144] : memref<64x256xf32, #tpu.memory_space<vmem>>[vector<16xi32>, vector<16xi32>], vector<16xf32>,
    %add3A_168 = arith.addf %gather3A_166, %gather3A_167 : vector<16xf32>
    tpu.vector_store_idx %arg8[%add3A_165, %broadcast_in_dim3A_144], %add3A_168 : memref<64x256xf32, #tpu.memory_space<vmem>>[vector<16xi32>, vector<16xi32>], vector<16xf32>,
    %dma_wait3A_169 = arith.constant 0 : i32
    %dma_wait3A_170 = arith.constant 0 : i32
    %dma_wait3A_171 = arith.constant 0 : i32
    %dma_wait3A_172 = tpu.memref_slice %arg12[%dma_wait3A_169, %dma_wait3A_170, %dma_wait3A_171] : memref<1x64x128xf32, #tpu.memory_space<vmem>> -> memref<1x64x128xf32, #tpu.memory_space<vmem>>
    %dma_wait3A_173 = tpu.memref_squeeze %dma_wait3A_172 : memref<1x64x128xf32, #tpu.memory_space<vmem>> -> memref<64x128xf32, #tpu.memory_space<vmem>>
    %dma_wait3A_174 = arith.constant 0 : i32
    %dma_wait3A_175 = arith.constant 0 : i32
    %dma_wait3A_176 = tpu.memref_slice %arg3[%dma_wait3A_174, %dma_wait3A_175] : memref<64x1000000xf32, #tpu.memory_space<hbm>> -> memref<64x128xf32, #tpu.memory_space<hbm>>
    %dma_wait3A_177 = arith.constant 0 : i32
    %dma_wait3A_178 = arith.constant 0 : i32
    %dma_wait3A_179 = tpu.memref_slice %arg12[%dma_wait3A_169, %dma_wait3A_177, %dma_wait3A_178] : memref<1x64x128xf32, #tpu.memory_space<vmem>> -> memref<1x64x128xf32, #tpu.memory_space<vmem>>
    %dma_wait3A_180 = tpu.memref_squeeze %dma_wait3A_179 : memref<1x64x128xf32, #tpu.memory_space<vmem>> -> memref<64x128xf32, #tpu.memory_space<vmem>>
    %dma_wait3A_181 = arith.constant 0 : i32
    %dma_wait3A_182 = arith.constant 0 : i32
    %dma_wait3A_183 = tpu.memref_slice %arg3[%dma_wait3A_181, %dma_wait3A_182] : memref<64x1000000xf32, #tpu.memory_space<hbm>> -> memref<64x128xf32, #tpu.memory_space<hbm>>
    tpu.wait_dma2 semaphore(%arg20 : memref<!tpu.dma_semaphore, #tpu.memory_space<semaphore_mem>>) src(%dma_wait3A_183 : memref<64x128xf32, #tpu.memory_space<hbm>>) dst(%dma_wait3A_180 : memref<64x128xf32, #tpu.memory_space<vmem>>)
    %slice3A_184 = vector.extract_strided_slice %scan3A_27 {offsets = [11], sizes = [1], strides = [1]} : vector<16xi32> to vector<1xi32>
    %squeeze3A_185 = vector.extract %slice3A_184[0] : i32 from vector<1xi32>
    %and3A_186 = arith.constant 127 : i32
    %and3A_187 = arith.andi %squeeze3A_185, %and3A_186 : i32
    %broadcast_in_dim3A_188 = vector.broadcast %and3A_187 : i32 to vector<16xi32>
    %broadcast_in_dim3A_189 = arith.constant 0 : i32
    %broadcast_in_dim3A_190 = vector.broadcast %broadcast_in_dim3A_189 : i32 to vector<16xi32>
    %broadcast_in_dim3A_191 = arith.constant 251 : i32
    %broadcast_in_dim3A_192 = vector.broadcast %broadcast_in_dim3A_191 : i32 to vector<16xi32>
    %add3A_193 = arith.constant 0 : i32
    %add3A_194 = vector.broadcast %add3A_193 : i32 to vector<16xi32>
    %add3A_195 = arith.addi %iota3A, %add3A_194 : vector<16xi32>
    %gather3A_196 = tpu.vector_load_idx %arg12[%broadcast_in_dim3A_190, %add3A_195, %broadcast_in_dim3A_188] : memref<1x64x128xf32, #tpu.memory_space<vmem>>[vector<16xi32>, vector<16xi32>, vector<16xi32>], vector<16xf32>,
    %gather3A_197 = tpu.vector_load_idx %arg7[%add3A_195, %broadcast_in_dim3A_192] : memref<64x256xf32, #tpu.memory_space<vmem>>[vector<16xi32>, vector<16xi32>], vector<16xf32>,
    %add3A_198 = arith.addf %gather3A_196, %gather3A_197 : vector<16xf32>
    tpu.vector_store_idx %arg8[%add3A_195, %broadcast_in_dim3A_192], %add3A_198 : memref<64x256xf32, #tpu.memory_space<vmem>>[vector<16xi32>, vector<16xi32>], vector<16xf32>,
    %add3A_199 = arith.constant 16 : i32
    %add3A_200 = vector.broadcast %add3A_199 : i32 to vector<16xi32>
    %add3A_201 = arith.addi %iota3A, %add3A_200 : vector<16xi32>
    %gather3A_202 = tpu.vector_load_idx %arg12[%broadcast_in_dim3A_190, %add3A_201, %broadcast_in_dim3A_188] : memref<1x64x128xf32, #tpu.memory_space<vmem>>[vector<16xi32>, vector<16xi32>, vector<16xi32>], vector<16xf32>,
    %gather3A_203 = tpu.vector_load_idx %arg7[%add3A_201, %broadcast_in_dim3A_192] : memref<64x256xf32, #tpu.memory_space<vmem>>[vector<16xi32>, vector<16xi32>], vector<16xf32>,
    %add3A_204 = arith.addf %gather3A_202, %gather3A_203 : vector<16xf32>
    tpu.vector_store_idx %arg8[%add3A_201, %broadcast_in_dim3A_192], %add3A_204 : memref<64x256xf32, #tpu.memory_space<vmem>>[vector<16xi32>, vector<16xi32>], vector<16xf32>,
    %add3A_205 = arith.constant 32 : i32
    %add3A_206 = vector.broadcast %add3A_205 : i32 to vector<16xi32>
    %add3A_207 = arith.addi %iota3A, %add3A_206 : vector<16xi32>
    %gather3A_208 = tpu.vector_load_idx %arg12[%broadcast_in_dim3A_190, %add3A_207, %broadcast_in_dim3A_188] : memref<1x64x128xf32, #tpu.memory_space<vmem>>[vector<16xi32>, vector<16xi32>, vector<16xi32>], vector<16xf32>,
    %gather3A_209 = tpu.vector_load_idx %arg7[%add3A_207, %broadcast_in_dim3A_192] : memref<64x256xf32, #tpu.memory_space<vmem>>[vector<16xi32>, vector<16xi32>], vector<16xf32>,
    %add3A_210 = arith.addf %gather3A_208, %gather3A_209 : vector<16xf32>
    tpu.vector_store_idx %arg8[%add3A_207, %broadcast_in_dim3A_192], %add3A_210 : memref<64x256xf32, #tpu.memory_space<vmem>>[vector<16xi32>, vector<16xi32>], vector<16xf32>,
    %add3A_211 = arith.constant 48 : i32
    %add3A_212 = vector.broadcast %add3A_211 : i32 to vector<16xi32>
    %add3A_213 = arith.addi %iota3A, %add3A_212 : vector<16xi32>
    %gather3A_214 = tpu.vector_load_idx %arg12[%broadcast_in_dim3A_190, %add3A_213, %broadcast_in_dim3A_188] : memref<1x64x128xf32, #tpu.memory_space<vmem>>[vector<16xi32>, vector<16xi32>, vector<16xi32>], vector<16xf32>,
    %gather3A_215 = tpu.vector_load_idx %arg7[%add3A_213, %broadcast_in_dim3A_192] : memref<64x256xf32, #tpu.memory_space<vmem>>[vector<16xi32>, vector<16xi32>], vector<16xf32>,
    %add3A_216 = arith.addf %gather3A_214, %gather3A_215 : vector<16xf32>
    tpu.vector_store_idx %arg8[%add3A_213, %broadcast_in_dim3A_192], %add3A_216 : memref<64x256xf32, #tpu.memory_space<vmem>>[vector<16xi32>, vector<16xi32>], vector<16xf32>,
    %dma_wait3A_217 = arith.constant 0 : i32
    %dma_wait3A_218 = arith.constant 0 : i32
    %dma_wait3A_219 = arith.constant 0 : i32
    %dma_wait3A_220 = tpu.memref_slice %arg13[%dma_wait3A_217, %dma_wait3A_218, %dma_wait3A_219] : memref<1x64x128xf32, #tpu.memory_space<vmem>> -> memref<1x64x128xf32, #tpu.memory_space<vmem>>
    %dma_wait3A_221 = tpu.memref_squeeze %dma_wait3A_220 : memref<1x64x128xf32, #tpu.memory_space<vmem>> -> memref<64x128xf32, #tpu.memory_space<vmem>>
    %dma_wait3A_222 = arith.constant 0 : i32
    %dma_wait3A_223 = arith.constant 0 : i32
    %dma_wait3A_224 = tpu.memref_slice %arg3[%dma_wait3A_222, %dma_wait3A_223] : memref<64x1000000xf32, #tpu.memory_space<hbm>> -> memref<64x128xf32, #tpu.memory_space<hbm>>
    %dma_wait3A_225 = arith.constant 0 : i32
    %dma_wait3A_226 = arith.constant 0 : i32
    %dma_wait3A_227 = tpu.memref_slice %arg13[%dma_wait3A_217, %dma_wait3A_225, %dma_wait3A_226] : memref<1x64x128xf32, #tpu.memory_space<vmem>> -> memref<1x64x128xf32, #tpu.memory_space<vmem>>
    %dma_wait3A_228 = tpu.memref_squeeze %dma_wait3A_227 : memref<1x64x128xf32, #tpu.memory_space<vmem>> -> memref<64x128xf32, #tpu.memory_space<vmem>>
    %dma_wait3A_229 = arith.constant 0 : i32
    %dma_wait3A_230 = arith.constant 0 : i32
    %dma_wait3A_231 = tpu.memref_slice %arg3[%dma_wait3A_229, %dma_wait3A_230] : memref<64x1000000xf32, #tpu.memory_space<hbm>> -> memref<64x128xf32, #tpu.memory_space<hbm>>
    tpu.wait_dma2 semaphore(%arg21 : memref<!tpu.dma_semaphore, #tpu.memory_space<semaphore_mem>>) src(%dma_wait3A_231 : memref<64x128xf32, #tpu.memory_space<hbm>>) dst(%dma_wait3A_228 : memref<64x128xf32, #tpu.memory_space<vmem>>)
    %slice3A_232 = vector.extract_strided_slice %scan3A_27 {offsets = [12], sizes = [1], strides = [1]} : vector<16xi32> to vector<1xi32>
    %squeeze3A_233 = vector.extract %slice3A_232[0] : i32 from vector<1xi32>
    %and3A_234 = arith.constant 127 : i32
    %and3A_235 = arith.andi %squeeze3A_233, %and3A_234 : i32
    %broadcast_in_dim3A_236 = vector.broadcast %and3A_235 : i32 to vector<16xi32>
    %broadcast_in_dim3A_237 = arith.constant 0 : i32
    %broadcast_in_dim3A_238 = vector.broadcast %broadcast_in_dim3A_237 : i32 to vector<16xi32>
    %broadcast_in_dim3A_239 = arith.constant 252 : i32
    %broadcast_in_dim3A_240 = vector.broadcast %broadcast_in_dim3A_239 : i32 to vector<16xi32>
    %add3A_241 = arith.constant 0 : i32
    %add3A_242 = vector.broadcast %add3A_241 : i32 to vector<16xi32>
    %add3A_243 = arith.addi %iota3A, %add3A_242 : vector<16xi32>
    %gather3A_244 = tpu.vector_load_idx %arg13[%broadcast_in_dim3A_238, %add3A_243, %broadcast_in_dim3A_236] : memref<1x64x128xf32, #tpu.memory_space<vmem>>[vector<16xi32>, vector<16xi32>, vector<16xi32>], vector<16xf32>,
    %gather3A_245 = tpu.vector_load_idx %arg7[%add3A_243, %broadcast_in_dim3A_240] : memref<64x256xf32, #tpu.memory_space<vmem>>[vector<16xi32>, vector<16xi32>], vector<16xf32>,
    %add3A_246 = arith.addf %gather3A_244, %gather3A_245 : vector<16xf32>
    tpu.vector_store_idx %arg8[%add3A_243, %broadcast_in_dim3A_240], %add3A_246 : memref<64x256xf32, #tpu.memory_space<vmem>>[vector<16xi32>, vector<16xi32>], vector<16xf32>,
    %add3A_247 = arith.constant 16 : i32
    %add3A_248 = vector.broadcast %add3A_247 : i32 to vector<16xi32>
    %add3A_249 = arith.addi %iota3A, %add3A_248 : vector<16xi32>
    %gather3A_250 = tpu.vector_load_idx %arg13[%broadcast_in_dim3A_238, %add3A_249, %broadcast_in_dim3A_236] : memref<1x64x128xf32, #tpu.memory_space<vmem>>[vector<16xi32>, vector<16xi32>, vector<16xi32>], vector<16xf32>,
    %gather3A_251 = tpu.vector_load_idx %arg7[%add3A_249, %broadcast_in_dim3A_240] : memref<64x256xf32, #tpu.memory_space<vmem>>[vector<16xi32>, vector<16xi32>], vector<16xf32>,
    %add3A_252 = arith.addf %gather3A_250, %gather3A_251 : vector<16xf32>
    tpu.vector_store_idx %arg8[%add3A_249, %broadcast_in_dim3A_240], %add3A_252 : memref<64x256xf32, #tpu.memory_space<vmem>>[vector<16xi32>, vector<16xi32>], vector<16xf32>,
    %add3A_253 = arith.constant 32 : i32
    %add3A_254 = vector.broadcast %add3A_253 : i32 to vector<16xi32>
    %add3A_255 = arith.addi %iota3A, %add3A_254 : vector<16xi32>
    %gather3A_256 = tpu.vector_load_idx %arg13[%broadcast_in_dim3A_238, %add3A_255, %broadcast_in_dim3A_236] : memref<1x64x128xf32, #tpu.memory_space<vmem>>[vector<16xi32>, vector<16xi32>, vector<16xi32>], vector<16xf32>,
    %gather3A_257 = tpu.vector_load_idx %arg7[%add3A_255, %broadcast_in_dim3A_240] : memref<64x256xf32, #tpu.memory_space<vmem>>[vector<16xi32>, vector<16xi32>], vector<16xf32>,
    %add3A_258 = arith.addf %gather3A_256, %gather3A_257 : vector<16xf32>
    tpu.vector_store_idx %arg8[%add3A_255, %broadcast_in_dim3A_240], %add3A_258 : memref<64x256xf32, #tpu.memory_space<vmem>>[vector<16xi32>, vector<16xi32>], vector<16xf32>,
    %add3A_259 = arith.constant 48 : i32
    %add3A_260 = vector.broadcast %add3A_259 : i32 to vector<16xi32>
    %add3A_261 = arith.addi %iota3A, %add3A_260 : vector<16xi32>
    %gather3A_262 = tpu.vector_load_idx %arg13[%broadcast_in_dim3A_238, %add3A_261, %broadcast_in_dim3A_236] : memref<1x64x128xf32, #tpu.memory_space<vmem>>[vector<16xi32>, vector<16xi32>, vector<16xi32>], vector<16xf32>,
    %gather3A_263 = tpu.vector_load_idx %arg7[%add3A_261, %broadcast_in_dim3A_240] : memref<64x256xf32, #tpu.memory_space<vmem>>[vector<16xi32>, vector<16xi32>], vector<16xf32>,
    %add3A_264 = arith.addf %gather3A_262, %gather3A_263 : vector<16xf32>
    tpu.vector_store_idx %arg8[%add3A_261, %broadcast_in_dim3A_240], %add3A_264 : memref<64x256xf32, #tpu.memory_space<vmem>>[vector<16xi32>, vector<16xi32>], vector<16xf32>,
    %dma_wait3A_265 = arith.constant 0 : i32
    %dma_wait3A_266 = arith.constant 0 : i32
    %dma_wait3A_267 = arith.constant 0 : i32
    %dma_wait3A_268 = tpu.memref_slice %arg14[%dma_wait3A_265, %dma_wait3A_266, %dma_wait3A_267] : memref<1x64x128xf32, #tpu.memory_space<vmem>> -> memref<1x64x128xf32, #tpu.memory_space<vmem>>
    %dma_wait3A_269 = tpu.memref_squeeze %dma_wait3A_268 : memref<1x64x128xf32, #tpu.memory_space<vmem>> -> memref<64x128xf32, #tpu.memory_space<vmem>>
    %dma_wait3A_270 = arith.constant 0 : i32
    %dma_wait3A_271 = arith.constant 0 : i32
    %dma_wait3A_272 = tpu.memref_slice %arg3[%dma_wait3A_270, %dma_wait3A_271] : memref<64x1000000xf32, #tpu.memory_space<hbm>> -> memref<64x128xf32, #tpu.memory_space<hbm>>
    %dma_wait3A_273 = arith.constant 0 : i32
    %dma_wait3A_274 = arith.constant 0 : i32
    %dma_wait3A_275 = tpu.memref_slice %arg14[%dma_wait3A_265, %dma_wait3A_273, %dma_wait3A_274] : memref<1x64x128xf32, #tpu.memory_space<vmem>> -> memref<1x64x128xf32, #tpu.memory_space<vmem>>
    %dma_wait3A_276 = tpu.memref_squeeze %dma_wait3A_275 : memref<1x64x128xf32, #tpu.memory_space<vmem>> -> memref<64x128xf32, #tpu.memory_space<vmem>>
    %dma_wait3A_277 = arith.constant 0 : i32
    %dma_wait3A_278 = arith.constant 0 : i32
    %dma_wait3A_279 = tpu.memref_slice %arg3[%dma_wait3A_277, %dma_wait3A_278] : memref<64x1000000xf32, #tpu.memory_space<hbm>> -> memref<64x128xf32, #tpu.memory_space<hbm>>
    tpu.wait_dma2 semaphore(%arg22 : memref<!tpu.dma_semaphore, #tpu.memory_space<semaphore_mem>>) src(%dma_wait3A_279 : memref<64x128xf32, #tpu.memory_space<hbm>>) dst(%dma_wait3A_276 : memref<64x128xf32, #tpu.memory_space<vmem>>)
    %slice3A_280 = vector.extract_strided_slice %scan3A_27 {offsets = [13], sizes = [1], strides = [1]} : vector<16xi32> to vector<1xi32>
    %squeeze3A_281 = vector.extract %slice3A_280[0] : i32 from vector<1xi32>
    %and3A_282 = arith.constant 127 : i32
    %and3A_283 = arith.andi %squeeze3A_281, %and3A_282 : i32
    %broadcast_in_dim3A_284 = vector.broadcast %and3A_283 : i32 to vector<16xi32>
    %broadcast_in_dim3A_285 = arith.constant 0 : i32
    %broadcast_in_dim3A_286 = vector.broadcast %broadcast_in_dim3A_285 : i32 to vector<16xi32>
    %broadcast_in_dim3A_287 = arith.constant 253 : i32
    %broadcast_in_dim3A_288 = vector.broadcast %broadcast_in_dim3A_287 : i32 to vector<16xi32>
    %add3A_289 = arith.constant 0 : i32
    %add3A_290 = vector.broadcast %add3A_289 : i32 to vector<16xi32>
    %add3A_291 = arith.addi %iota3A, %add3A_290 : vector<16xi32>
    %gather3A_292 = tpu.vector_load_idx %arg14[%broadcast_in_dim3A_286, %add3A_291, %broadcast_in_dim3A_284] : memref<1x64x128xf32, #tpu.memory_space<vmem>>[vector<16xi32>, vector<16xi32>, vector<16xi32>], vector<16xf32>,
    %gather3A_293 = tpu.vector_load_idx %arg7[%add3A_291, %broadcast_in_dim3A_288] : memref<64x256xf32, #tpu.memory_space<vmem>>[vector<16xi32>, vector<16xi32>], vector<16xf32>,
    %add3A_294 = arith.addf %gather3A_292, %gather3A_293 : vector<16xf32>
    tpu.vector_store_idx %arg8[%add3A_291, %broadcast_in_dim3A_288], %add3A_294 : memref<64x256xf32, #tpu.memory_space<vmem>>[vector<16xi32>, vector<16xi32>], vector<16xf32>,
    %add3A_295 = arith.constant 16 : i32
    %add3A_296 = vector.broadcast %add3A_295 : i32 to vector<16xi32>
    %add3A_297 = arith.addi %iota3A, %add3A_296 : vector<16xi32>
    %gather3A_298 = tpu.vector_load_idx %arg14[%broadcast_in_dim3A_286, %add3A_297, %broadcast_in_dim3A_284] : memref<1x64x128xf32, #tpu.memory_space<vmem>>[vector<16xi32>, vector<16xi32>, vector<16xi32>], vector<16xf32>,
    %gather3A_299 = tpu.vector_load_idx %arg7[%add3A_297, %broadcast_in_dim3A_288] : memref<64x256xf32, #tpu.memory_space<vmem>>[vector<16xi32>, vector<16xi32>], vector<16xf32>,
    %add3A_300 = arith.addf %gather3A_298, %gather3A_299 : vector<16xf32>
    tpu.vector_store_idx %arg8[%add3A_297, %broadcast_in_dim3A_288], %add3A_300 : memref<64x256xf32, #tpu.memory_space<vmem>>[vector<16xi32>, vector<16xi32>], vector<16xf32>,
    %add3A_301 = arith.constant 32 : i32
    %add3A_302 = vector.broadcast %add3A_301 : i32 to vector<16xi32>
    %add3A_303 = arith.addi %iota3A, %add3A_302 : vector<16xi32>
    %gather3A_304 = tpu.vector_load_idx %arg14[%broadcast_in_dim3A_286, %add3A_303, %broadcast_in_dim3A_284] : memref<1x64x128xf32, #tpu.memory_space<vmem>>[vector<16xi32>, vector<16xi32>, vector<16xi32>], vector<16xf32>,
    %gather3A_305 = tpu.vector_load_idx %arg7[%add3A_303, %broadcast_in_dim3A_288] : memref<64x256xf32, #tpu.memory_space<vmem>>[vector<16xi32>, vector<16xi32>], vector<16xf32>,
    %add3A_306 = arith.addf %gather3A_304, %gather3A_305 : vector<16xf32>
    tpu.vector_store_idx %arg8[%add3A_303, %broadcast_in_dim3A_288], %add3A_306 : memref<64x256xf32, #tpu.memory_space<vmem>>[vector<16xi32>, vector<16xi32>], vector<16xf32>,
    %add3A_307 = arith.constant 48 : i32
    %add3A_308 = vector.broadcast %add3A_307 : i32 to vector<16xi32>
    %add3A_309 = arith.addi %iota3A, %add3A_308 : vector<16xi32>
    %gather3A_310 = tpu.vector_load_idx %arg14[%broadcast_in_dim3A_286, %add3A_309, %broadcast_in_dim3A_284] : memref<1x64x128xf32, #tpu.memory_space<vmem>>[vector<16xi32>, vector<16xi32>, vector<16xi32>], vector<16xf32>,
    %gather3A_311 = tpu.vector_load_idx %arg7[%add3A_309, %broadcast_in_dim3A_288] : memref<64x256xf32, #tpu.memory_space<vmem>>[vector<16xi32>, vector<16xi32>], vector<16xf32>,
    %add3A_312 = arith.addf %gather3A_310, %gather3A_311 : vector<16xf32>
    tpu.vector_store_idx %arg8[%add3A_309, %broadcast_in_dim3A_288], %add3A_312 : memref<64x256xf32, #tpu.memory_space<vmem>>[vector<16xi32>, vector<16xi32>], vector<16xf32>,
    %dma_wait3A_313 = arith.constant 0 : i32
    %dma_wait3A_314 = arith.constant 0 : i32
    %dma_wait3A_315 = arith.constant 0 : i32
    %dma_wait3A_316 = tpu.memref_slice %arg15[%dma_wait3A_313, %dma_wait3A_314, %dma_wait3A_315] : memref<1x64x128xf32, #tpu.memory_space<vmem>> -> memref<1x64x128xf32, #tpu.memory_space<vmem>>
    %dma_wait3A_317 = tpu.memref_squeeze %dma_wait3A_316 : memref<1x64x128xf32, #tpu.memory_space<vmem>> -> memref<64x128xf32, #tpu.memory_space<vmem>>
    %dma_wait3A_318 = arith.constant 0 : i32
    %dma_wait3A_319 = arith.constant 0 : i32
    %dma_wait3A_320 = tpu.memref_slice %arg3[%dma_wait3A_318, %dma_wait3A_319] : memref<64x1000000xf32, #tpu.memory_space<hbm>> -> memref<64x128xf32, #tpu.memory_space<hbm>>
    %dma_wait3A_321 = arith.constant 0 : i32
    %dma_wait3A_322 = arith.constant 0 : i32
    %dma_wait3A_323 = tpu.memref_slice %arg15[%dma_wait3A_313, %dma_wait3A_321, %dma_wait3A_322] : memref<1x64x128xf32, #tpu.memory_space<vmem>> -> memref<1x64x128xf32, #tpu.memory_space<vmem>>
    %dma_wait3A_324 = tpu.memref_squeeze %dma_wait3A_323 : memref<1x64x128xf32, #tpu.memory_space<vmem>> -> memref<64x128xf32, #tpu.memory_space<vmem>>
    %dma_wait3A_325 = arith.constant 0 : i32
    %dma_wait3A_326 = arith.constant 0 : i32
    %dma_wait3A_327 = tpu.memref_slice %arg3[%dma_wait3A_325, %dma_wait3A_326] : memref<64x1000000xf32, #tpu.memory_space<hbm>> -> memref<64x128xf32, #tpu.memory_space<hbm>>
    tpu.wait_dma2 semaphore(%arg23 : memref<!tpu.dma_semaphore, #tpu.memory_space<semaphore_mem>>) src(%dma_wait3A_327 : memref<64x128xf32, #tpu.memory_space<hbm>>) dst(%dma_wait3A_324 : memref<64x128xf32, #tpu.memory_space<vmem>>)
    %slice3A_328 = vector.extract_strided_slice %scan3A_27 {offsets = [14], sizes = [1], strides = [1]} : vector<16xi32> to vector<1xi32>
    %squeeze3A_329 = vector.extract %slice3A_328[0] : i32 from vector<1xi32>
    %and3A_330 = arith.constant 127 : i32
    %and3A_331 = arith.andi %squeeze3A_329, %and3A_330 : i32
    %broadcast_in_dim3A_332 = vector.broadcast %and3A_331 : i32 to vector<16xi32>
    %broadcast_in_dim3A_333 = arith.constant 0 : i32
    %broadcast_in_dim3A_334 = vector.broadcast %broadcast_in_dim3A_333 : i32 to vector<16xi32>
    %broadcast_in_dim3A_335 = arith.constant 254 : i32
    %broadcast_in_dim3A_336 = vector.broadcast %broadcast_in_dim3A_335 : i32 to vector<16xi32>
    %add3A_337 = arith.constant 0 : i32
    %add3A_338 = vector.broadcast %add3A_337 : i32 to vector<16xi32>
    %add3A_339 = arith.addi %iota3A, %add3A_338 : vector<16xi32>
    %gather3A_340 = tpu.vector_load_idx %arg15[%broadcast_in_dim3A_334, %add3A_339, %broadcast_in_dim3A_332] : memref<1x64x128xf32, #tpu.memory_space<vmem>>[vector<16xi32>, vector<16xi32>, vector<16xi32>], vector<16xf32>,
    %gather3A_341 = tpu.vector_load_idx %arg7[%add3A_339, %broadcast_in_dim3A_336] : memref<64x256xf32, #tpu.memory_space<vmem>>[vector<16xi32>, vector<16xi32>], vector<16xf32>,
    %add3A_342 = arith.addf %gather3A_340, %gather3A_341 : vector<16xf32>
    tpu.vector_store_idx %arg8[%add3A_339, %broadcast_in_dim3A_336], %add3A_342 : memref<64x256xf32, #tpu.memory_space<vmem>>[vector<16xi32>, vector<16xi32>], vector<16xf32>,
    %add3A_343 = arith.constant 16 : i32
    %add3A_344 = vector.broadcast %add3A_343 : i32 to vector<16xi32>
    %add3A_345 = arith.addi %iota3A, %add3A_344 : vector<16xi32>
    %gather3A_346 = tpu.vector_load_idx %arg15[%broadcast_in_dim3A_334, %add3A_345, %broadcast_in_dim3A_332] : memref<1x64x128xf32, #tpu.memory_space<vmem>>[vector<16xi32>, vector<16xi32>, vector<16xi32>], vector<16xf32>,
    %gather3A_347 = tpu.vector_load_idx %arg7[%add3A_345, %broadcast_in_dim3A_336] : memref<64x256xf32, #tpu.memory_space<vmem>>[vector<16xi32>, vector<16xi32>], vector<16xf32>,
    %add3A_348 = arith.addf %gather3A_346, %gather3A_347 : vector<16xf32>
    tpu.vector_store_idx %arg8[%add3A_345, %broadcast_in_dim3A_336], %add3A_348 : memref<64x256xf32, #tpu.memory_space<vmem>>[vector<16xi32>, vector<16xi32>], vector<16xf32>,
    %add3A_349 = arith.constant 32 : i32
    %add3A_350 = vector.broadcast %add3A_349 : i32 to vector<16xi32>
    %add3A_351 = arith.addi %iota3A, %add3A_350 : vector<16xi32>
    %gather3A_352 = tpu.vector_load_idx %arg15[%broadcast_in_dim3A_334, %add3A_351, %broadcast_in_dim3A_332] : memref<1x64x128xf32, #tpu.memory_space<vmem>>[vector<16xi32>, vector<16xi32>, vector<16xi32>], vector<16xf32>,
    %gather3A_353 = tpu.vector_load_idx %arg7[%add3A_351, %broadcast_in_dim3A_336] : memref<64x256xf32, #tpu.memory_space<vmem>>[vector<16xi32>, vector<16xi32>], vector<16xf32>,
    %add3A_354 = arith.addf %gather3A_352, %gather3A_353 : vector<16xf32>
    tpu.vector_store_idx %arg8[%add3A_351, %broadcast_in_dim3A_336], %add3A_354 : memref<64x256xf32, #tpu.memory_space<vmem>>[vector<16xi32>, vector<16xi32>], vector<16xf32>,
    %add3A_355 = arith.constant 48 : i32
    %add3A_356 = vector.broadcast %add3A_355 : i32 to vector<16xi32>
    %add3A_357 = arith.addi %iota3A, %add3A_356 : vector<16xi32>
    %gather3A_358 = tpu.vector_load_idx %arg15[%broadcast_in_dim3A_334, %add3A_357, %broadcast_in_dim3A_332] : memref<1x64x128xf32, #tpu.memory_space<vmem>>[vector<16xi32>, vector<16xi32>, vector<16xi32>], vector<16xf32>,
    %gather3A_359 = tpu.vector_load_idx %arg7[%add3A_357, %broadcast_in_dim3A_336] : memref<64x256xf32, #tpu.memory_space<vmem>>[vector<16xi32>, vector<16xi32>], vector<16xf32>,
    %add3A_360 = arith.addf %gather3A_358, %gather3A_359 : vector<16xf32>
    tpu.vector_store_idx %arg8[%add3A_357, %broadcast_in_dim3A_336], %add3A_360 : memref<64x256xf32, #tpu.memory_space<vmem>>[vector<16xi32>, vector<16xi32>], vector<16xf32>,
    %dma_wait3A_361 = arith.constant 0 : i32
    %dma_wait3A_362 = arith.constant 0 : i32
    %dma_wait3A_363 = arith.constant 0 : i32
    %dma_wait3A_364 = tpu.memref_slice %arg16[%dma_wait3A_361, %dma_wait3A_362, %dma_wait3A_363] : memref<1x64x128xf32, #tpu.memory_space<vmem>> -> memref<1x64x128xf32, #tpu.memory_space<vmem>>
    %dma_wait3A_365 = tpu.memref_squeeze %dma_wait3A_364 : memref<1x64x128xf32, #tpu.memory_space<vmem>> -> memref<64x128xf32, #tpu.memory_space<vmem>>
    %dma_wait3A_366 = arith.constant 0 : i32
    %dma_wait3A_367 = arith.constant 0 : i32
    %dma_wait3A_368 = tpu.memref_slice %arg3[%dma_wait3A_366, %dma_wait3A_367] : memref<64x1000000xf32, #tpu.memory_space<hbm>> -> memref<64x128xf32, #tpu.memory_space<hbm>>
    %dma_wait3A_369 = arith.constant 0 : i32
    %dma_wait3A_370 = arith.constant 0 : i32
    %dma_wait3A_371 = tpu.memref_slice %arg16[%dma_wait3A_361, %dma_wait3A_369, %dma_wait3A_370] : memref<1x64x128xf32, #tpu.memory_space<vmem>> -> memref<1x64x128xf32, #tpu.memory_space<vmem>>
    %dma_wait3A_372 = tpu.memref_squeeze %dma_wait3A_371 : memref<1x64x128xf32, #tpu.memory_space<vmem>> -> memref<64x128xf32, #tpu.memory_space<vmem>>
    %dma_wait3A_373 = arith.constant 0 : i32
    %dma_wait3A_374 = arith.constant 0 : i32
    %dma_wait3A_375 = tpu.memref_slice %arg3[%dma_wait3A_373, %dma_wait3A_374] : memref<64x1000000xf32, #tpu.memory_space<hbm>> -> memref<64x128xf32, #tpu.memory_space<hbm>>
    tpu.wait_dma2 semaphore(%arg24 : memref<!tpu.dma_semaphore, #tpu.memory_space<semaphore_mem>>) src(%dma_wait3A_375 : memref<64x128xf32, #tpu.memory_space<hbm>>) dst(%dma_wait3A_372 : memref<64x128xf32, #tpu.memory_space<vmem>>)
    %slice3A_376 = vector.extract_strided_slice %scan3A_27 {offsets = [15], sizes = [1], strides = [1]} : vector<16xi32> to vector<1xi32>
    %squeeze3A_377 = vector.extract %slice3A_376[0] : i32 from vector<1xi32>
    %and3A_378 = arith.constant 127 : i32
    %and3A_379 = arith.andi %squeeze3A_377, %and3A_378 : i32
    %broadcast_in_dim3A_380 = vector.broadcast %and3A_379 : i32 to vector<16xi32>
    %broadcast_in_dim3A_381 = arith.constant 0 : i32
    %broadcast_in_dim3A_382 = vector.broadcast %broadcast_in_dim3A_381 : i32 to vector<16xi32>
    %broadcast_in_dim3A_383 = arith.constant 255 : i32
    %broadcast_in_dim3A_384 = vector.broadcast %broadcast_in_dim3A_383 : i32 to vector<16xi32>
    %add3A_385 = arith.constant 0 : i32
    %add3A_386 = vector.broadcast %add3A_385 : i32 to vector<16xi32>
    %add3A_387 = arith.addi %iota3A, %add3A_386 : vector<16xi32>
    %gather3A_388 = tpu.vector_load_idx %arg16[%broadcast_in_dim3A_382, %add3A_387, %broadcast_in_dim3A_380] : memref<1x64x128xf32, #tpu.memory_space<vmem>>[vector<16xi32>, vector<16xi32>, vector<16xi32>], vector<16xf32>,
    %gather3A_389 = tpu.vector_load_idx %arg7[%add3A_387, %broadcast_in_dim3A_384] : memref<64x256xf32, #tpu.memory_space<vmem>>[vector<16xi32>, vector<16xi32>], vector<16xf32>,
    %add3A_390 = arith.addf %gather3A_388, %gather3A_389 : vector<16xf32>
    tpu.vector_store_idx %arg8[%add3A_387, %broadcast_in_dim3A_384], %add3A_390 : memref<64x256xf32, #tpu.memory_space<vmem>>[vector<16xi32>, vector<16xi32>], vector<16xf32>,
    %add3A_391 = arith.constant 16 : i32
    %add3A_392 = vector.broadcast %add3A_391 : i32 to vector<16xi32>
    %add3A_393 = arith.addi %iota3A, %add3A_392 : vector<16xi32>
    %gather3A_394 = tpu.vector_load_idx %arg16[%broadcast_in_dim3A_382, %add3A_393, %broadcast_in_dim3A_380] : memref<1x64x128xf32, #tpu.memory_space<vmem>>[vector<16xi32>, vector<16xi32>, vector<16xi32>], vector<16xf32>,
    %gather3A_395 = tpu.vector_load_idx %arg7[%add3A_393, %broadcast_in_dim3A_384] : memref<64x256xf32, #tpu.memory_space<vmem>>[vector<16xi32>, vector<16xi32>], vector<16xf32>,
    %add3A_396 = arith.addf %gather3A_394, %gather3A_395 : vector<16xf32>
    tpu.vector_store_idx %arg8[%add3A_393, %broadcast_in_dim3A_384], %add3A_396 : memref<64x256xf32, #tpu.memory_space<vmem>>[vector<16xi32>, vector<16xi32>], vector<16xf32>,
    %add3A_397 = arith.constant 32 : i32
    %add3A_398 = vector.broadcast %add3A_397 : i32 to vector<16xi32>
    %add3A_399 = arith.addi %iota3A, %add3A_398 : vector<16xi32>
    %gather3A_400 = tpu.vector_load_idx %arg16[%broadcast_in_dim3A_382, %add3A_399, %broadcast_in_dim3A_380] : memref<1x64x128xf32, #tpu.memory_space<vmem>>[vector<16xi32>, vector<16xi32>, vector<16xi32>], vector<16xf32>,
    %gather3A_401 = tpu.vector_load_idx %arg7[%add3A_399, %broadcast_in_dim3A_384] : memref<64x256xf32, #tpu.memory_space<vmem>>[vector<16xi32>, vector<16xi32>], vector<16xf32>,
    %add3A_402 = arith.addf %gather3A_400, %gather3A_401 : vector<16xf32>
    tpu.vector_store_idx %arg8[%add3A_399, %broadcast_in_dim3A_384], %add3A_402 : memref<64x256xf32, #tpu.memory_space<vmem>>[vector<16xi32>, vector<16xi32>], vector<16xf32>,
    %add3A_403 = arith.constant 48 : i32
    %add3A_404 = vector.broadcast %add3A_403 : i32 to vector<16xi32>
    %add3A_405 = arith.addi %iota3A, %add3A_404 : vector<16xi32>
    %gather3A_406 = tpu.vector_load_idx %arg16[%broadcast_in_dim3A_382, %add3A_405, %broadcast_in_dim3A_380] : memref<1x64x128xf32, #tpu.memory_space<vmem>>[vector<16xi32>, vector<16xi32>, vector<16xi32>], vector<16xf32>,
    %gather3A_407 = tpu.vector_load_idx %arg7[%add3A_405, %broadcast_in_dim3A_384] : memref<64x256xf32, #tpu.memory_space<vmem>>[vector<16xi32>, vector<16xi32>], vector<16xf32>,
    %add3A_408 = arith.addf %gather3A_406, %gather3A_407 : vector<16xf32>
    tpu.vector_store_idx %arg8[%add3A_405, %broadcast_in_dim3A_384], %add3A_408 : memref<64x256xf32, #tpu.memory_space<vmem>>[vector<16xi32>, vector<16xi32>], vector<16xf32>,
    "tpu.region"() ({
      %run_scoped3A = tpu.sem_alloc : memref<!tpu.dma_semaphore, #tpu.memory_space<semaphore_mem>>
      %dma_start3A = arith.constant 0 : i32
      %dma_start3A_409 = tpu.memref_slice %arg5[%select_n3A, %dma_start3A, %multiple_of3A] : memref<4x64x2048xf32, #tpu.memory_space<hbm>> -> memref<1x64x256xf32, #tpu.memory_space<hbm>>
      %dma_start3A_410 = tpu.memref_squeeze %dma_start3A_409 : memref<1x64x256xf32, #tpu.memory_space<hbm>> -> memref<64x256xf32, #tpu.memory_space<hbm>>
      %dma_start3A_411 = arith.constant 0 : i32
      %dma_start3A_412 = tpu.memref_slice %arg5[%select_n3A, %dma_start3A_411, %multiple_of3A] : memref<4x64x2048xf32, #tpu.memory_space<hbm>> -> memref<1x64x256xf32, #tpu.memory_space<hbm>>
      %dma_start3A_413 = tpu.memref_squeeze %dma_start3A_412 : memref<1x64x256xf32, #tpu.memory_space<hbm>> -> memref<64x256xf32, #tpu.memory_space<hbm>>
      tpu.enqueue_dma source(%arg8 : memref<64x256xf32, #tpu.memory_space<vmem>>) target(%dma_start3A_413 : memref<64x256xf32, #tpu.memory_space<hbm>>) target_semaphore(%run_scoped3A : memref<!tpu.dma_semaphore, #tpu.memory_space<semaphore_mem>>)
      %dma_wait3A_414 = arith.constant 0 : i32
      %dma_wait3A_415 = tpu.memref_slice %arg5[%select_n3A, %dma_wait3A_414, %multiple_of3A] : memref<4x64x2048xf32, #tpu.memory_space<hbm>> -> memref<1x64x256xf32, #tpu.memory_space<hbm>>
      %dma_wait3A_416 = tpu.memref_squeeze %dma_wait3A_415 : memref<1x64x256xf32, #tpu.memory_space<hbm>> -> memref<64x256xf32, #tpu.memory_space<hbm>>
      %dma_wait3A_417 = arith.constant 0 : i32
      %dma_wait3A_418 = tpu.memref_slice %arg5[%select_n3A, %dma_wait3A_417, %multiple_of3A] : memref<4x64x2048xf32, #tpu.memory_space<hbm>> -> memref<1x64x256xf32, #tpu.memory_space<hbm>>
      %dma_wait3A_419 = tpu.memref_squeeze %dma_wait3A_418 : memref<1x64x256xf32, #tpu.memory_space<hbm>> -> memref<64x256xf32, #tpu.memory_space<hbm>>
      tpu.wait_dma2 semaphore(%run_scoped3A : memref<!tpu.dma_semaphore, #tpu.memory_space<semaphore_mem>>) src(%arg8 : memref<64x256xf32, #tpu.memory_space<vmem>>) dst(%dma_wait3A_419 : memref<64x256xf32, #tpu.memory_space<hbm>>)
      tpu.yield
    }) : () -> ()
    return
  }
}

</mosaic_0001>

<sc_bundles>
// kernel: kernel.3.cloned.1.call-start
scs
__scs_entry_jumppad:
0x0: {  	(pc) =	sbr.rel $0x88, $3  }
0x1: {  	(tag) =	ssettag $0x0;
	lr =	simm.s32 $0x1  }
0x2: {  	[smem:$0x3F9E] =	sst lr;
	_ =	strace $0xD0000000  }
0x3: {  	_ = 	snop  }
0x4: {  	_ = 	snop  }
0x5: {  	_ = 	snop  }
0x6: {  	_ = 	snop  }
0x7: {  	_ = 	snop  }
__scs_overlays_trampoline_lowered:
0x8: {  	[smem:$0x3FAD] =	sst s0  }
0x9: {  	[smem:$0x3FAE] =	sst s1  }
0xa: {  	[smem:$0x3FAF] =	sst s2  }
0xb: {  	[smem:$0x3FB0] =	sst s3  }
0xc: {  	[smem:$0x3FB1] =	sst s4  }
0xd: {  	[smem:$0x3FB2] =	sst s5  }
0xe: {  	[smem:$0x3FB3] =	sst s6  }
0xf: {  	[smem:$0x3FB4] =	sst s7  }
0x10: {  	[smem:$0x3FB5] =	sst s8  }
0x11: {  	[smem:$0x3FB6] =	sst s9;
	s0 =	simm.s32 @!p0 $0x0  }
0x12: {  	s1 =	sld [smem:$0x3F9C];
	s0 =	simm.s32 @p0 $0x1  }
0x13: {  	[smem:$0x3FB7] =	sst s0;
	s0 =	simm.s32 @!p1 $0x0  }
0x14: {  	s2 =	sld [smem:$0x3F9B];
	s0 =	simm.s32 @p1 $0x1  }
0x15: {  	[smem:$0x3FB8] =	sst s0;
	s0 =	simm.s32 @!p2 $0x0  }
0x16: {  	s3 =	sld [smem:$0x3FDB];
	s0 =	simm.s32 @p2 $0x1  }
0x17: {  	s4 =	simm.s32 $0x1BF5;
	[smem:$0x3FBA] =	sst s0  }
0x18: {  	s0 =	sld [smem:$0x3F9D];
	_ =	swait.ge [sflag:s4], $0x0  }
0x19: {  	s7 =	sld [smem:$0x3F9E]  }
0x1a: {  	s8 =	sadd.s32 $0xFFFFE003, lr  }
0x1b: {  	s9 =	sadd.s32 $0xFFFFFEF7, lr;
	s5 =	simm.s32 $0xFFFFFFFF;
	p2 =	slt.u32 s8, $0xFFFFF086  }
0x1c: {  	p1 =	slt.u32 s9, $0xF7A;
	s5 =	simm.s32 @!p2 $0x0  }
0x1d: {  	s5 =	simm.s32 @p1 $0x1;
	p0 =	seq.s32 s7, s2  }
0x1e: {  	s7 =	smul.u32 @!p0 $0xF7A, s2;
	p2 =	seq.s32 @!p0 s5, $0x0  }
0x1f: {  	s9 =	smul.u32 $0xF7A, s1;
	s8 =	simm.s32 @!p0 $0x1BF5;
	p2 =	por !p2, p0  }
0x20: {  	[sflag:s8] =	ssyncset.s32 @!p0 $0xFFFFF086;
	s6 =	sadd.s32 @!p0 s3, s7;
	s7 =	simm.s32 @!p0 $0x108  }
0x21: {  	s3 =	sadd.s32 s3, s9;
	s6 =	sadd.s32 @!p0 $0x88, s6;
	s7 =	simm.s32 @p2 $0x1082  }
0x22: {  	[simem:s7], [sflag:s8] =	dma.local @!p0 [hbm:s6], $0xF7A  }
0x23: {  	s9 =	sor.u32 $0xD0000000, s2;
	s6 =	simm.s32 $0x108;
	_ =	swait.ge @!p0 [sflag:s8], $0x0  }
0x24: {  	s3 =	sadd.s32 $0x88, s3;
	s6 =	simm.s32 @!p1 $0x1082;
	[sflag:s4] =	ssyncset.s32 $0xFFFFF086  }
0x25: {  	[simem:s6], [sflag:s4] =	dma.local [hbm:s3], $0xF7A  }
0x26: {  	[smem:$0x3F9E] =	sst s1;
	(tag) =	ssettag s2;
	_ =	strace s9  }
0x27: {  	s1 =	sld [smem:$0x3FAE]  }
0x28: {  	s2 =	sld [smem:$0x3FAF]  }
0x29: {  	s4 =	sld [smem:$0x3FB1]  }
0x2a: {  	p0 =	seq.s32 s5, $0x0;
	s5 =	sld [smem:$0x3FB2]  }
0x2b: {  	s6 =	sld [smem:$0x3FB3]  }
0x2c: {  	s7 =	sld [smem:$0x3FB4]  }
0x2d: {  	s3 =	simm.s32 $0x108;
	s8 =	sld [smem:$0x3FB5]  }
0x2e: {  	s3 =	simm.s32 @!p0 $0x1082;
	s9 =	sld [smem:$0x3FB6]  }
0x2f: {  	lr =	sadd.s32 s0, s3;
	s0 =	sld [smem:$0x3FAD]  }
0x30: {  	s3 =	sld [smem:$0x3FB0]  }
0x31: {  	[smem:$0x3FB9] =	sst s10  }
0x32: {  	s10 =	sld [smem:$0x3FB7];
	_ =	sdelay $0x3  }
0x33: {  	p0 =	seq.s32 s10, $0x1;
	s10 =	sld [smem:$0x3FB9];
	_ =	sdelay $0x3  }
0x34: {  	[smem:$0x3FB9] =	sst s10  }
0x35: {  	s10 =	sld [smem:$0x3FB8];
	_ =	sdelay $0x3  }
0x36: {  	p1 =	seq.s32 s10, $0x1;
	s10 =	sld [smem:$0x3FB9];
	_ =	sdelay $0x3  }
0x37: {  	[smem:$0x3FB9] =	sst s10  }
0x38: {  	s10 =	sld [smem:$0x3FBA]  }
0x39: {  	_ = 	snop;
	(pc) =	sbr.ind lr, $3  }
0x3a: {  	_ = 	snop  }
0x3b: {  	_ = 	snop  }
0x3c: {  	p2 =	seq.s32 s10, $0x1;
	s10 =	sld [smem:$0x3FB9]  }
0x3d: {  	_ =	shalt  }
0x3e: {  	_ =	shalt  }
0x3f: {  	_ =	shalt  }
0x40: {  	_ =	shalt  }
0x41: {  	_ =	shalt  }
0x42: {  	_ =	shalt  }
0x43: {  	_ =	shalt  }
0x44: {  	_ =	shalt  }
0x45: {  	_ =	shalt  }
0x46: {  	_ =	shalt  }
0x47: {  	_ =	shalt  }
0x48: {  	_ =	shalt  }
0x49: {  	_ =	shalt  }
0x4a: {  	_ =	shalt  }
0x4b: {  	_ =	shalt  }
0x4c: {  	_ =	shalt  }
0x4d: {  	_ =	shalt  }
0x4e: {  	_ =	shalt  }
0x4f: {  	_ =	shalt  }
0x50: {  	_ =	shalt  }
0x51: {  	_ =	shalt  }
0x52: {  	_ =	shalt  }
0x53: {  	_ =	shalt  }
0x54: {  	_ =	shalt  }
0x55: {  	_ =	shalt  }
0x56: {  	_ =	shalt  }
0x57: {  	_ =	shalt  }
0x58: {  	_ =	shalt  }
0x59: {  	_ =	shalt  }
0x5a: {  	_ =	shalt  }
0x5b: {  	_ =	shalt  }
0x5c: {  	_ =	shalt  }
0x5d: {  	_ =	shalt  }
0x5e: {  	_ =	shalt  }
0x5f: {  	_ =	shalt  }
0x60: {  	_ =	shalt  }
0x61: {  	_ =	shalt  }
0x62: {  	_ =	shalt  }
0x63: {  	_ =	shalt  }
0x64: {  	_ =	shalt  }
0x65: {  	_ =	shalt  }
0x66: {  	_ =	shalt  }
0x67: {  	_ =	shalt  }
0x68: {  	_ =	shalt  }
0x69: {  	_ =	shalt  }
0x6a: {  	_ =	shalt  }
0x6b: {  	_ =	shalt  }
0x6c: {  	_ =	shalt  }
0x6d: {  	_ =	shalt  }
0x6e: {  	_ =	shalt  }
0x6f: {  	_ =	shalt  }
0x70: {  	_ =	shalt  }
0x71: {  	_ =	shalt  }
0x72: {  	_ =	shalt  }
0x73: {  	_ =	shalt  }
0x74: {  	_ =	shalt  }
0x75: {  	_ =	shalt  }
0x76: {  	_ =	shalt  }
0x77: {  	_ =	shalt  }
0x78: {  	_ =	shalt  }
0x79: {  	_ =	shalt  }
0x7a: {  	_ =	shalt  }
0x7b: {  	_ =	shalt  }
0x7c: {  	_ =	shalt  }
0x7d: {  	_ =	shalt  }
0x7e: {  	_ =	shalt  }
0x7f: {  	_ =	shalt  }
0x80: {  	_ =	shalt  }
0x81: {  	_ =	shalt  }
0x82: {  	_ =	shalt  }
0x83: {  	_ =	shalt  }
0x84: {  	_ =	shalt  }
0x85: {  	_ =	shalt  }
0x86: {  	_ =	shalt  }
0x87: {  	_ =	shalt  }
.Lfunc_end0:
.L_simem_size_0:
called_computation_lowered:
.L_overlay_start_0:
0x88: {  	s2 =	sld [smem:$0x3FD9]  }
0x89: {  	s3 =	sld [smem:$0x3FFE];
	_ =	sdelay $0x1  }
0x8a: {  	s1 =	srdreg.scid  }
0x8b: {  	s0 =	sand.u32 $0x1, s1  }
0x8c: {  	s17 =	sshll.u32 s0, $0xA;
	s2 =	sadd.s32 s3, s2  }
0x8d: {  	s2 =	sadd.s32 s2, s17  }
0x8e: {  	[smem:$0x3FC5] =	sst s2  }
0x8f: {  	_ = 	snop  }
0x90: {  	s2 =	sld [smem:$0x3FC8]  }
0x91: {  	s18 =	sld [smem:$0x3FC7]  }
0x92: {  	s4 =	sld [smem:$0x3FD0];
	(tm) =	ssettm $0x1  }
0x93: {  	s5 =	sld [smem:$0x3FFB];
	_ =	sdelay $0x3  }
0x94: {  	_ =	strace s5  }
0x95: {  	s5 =	sld [smem:$0x3FFC];
	_ =	sdelay $0x3  }
0x96: {  	_ =	strace s5  }
0x97: {  	s5 =	sld [smem:$0x3FFD];
	_ =	sdelay $0x3  }
0x98: {  	_ =	strace s5  }
0x99: {  	_ =	strace $0x8FFFFFFF  }
0x9a: {  	s19 =	sld [smem:$0x3FDB];
	_ =	sdelay $0x1  }
0x9b: {  	s6 =	simm.s32 $_scs_section_size  }
0x9c: {  	s7 =	simm.s32 $_size__tile_overlayer_lowered;
	s8 =	simm.s32 $_tile_overlayer_lowered  }
0x9d: {  	s22 =	simm.s32 $0x1BFF;
	s21 =	sshll.u32 s8, $0x1;
	s5 =	sadd.s32 s6, s19  }
0x9e: {  	s9 =	simm.s32 $0x0;
	s20 =	sshll.u32 s7, $0x1;
	s7 =	sadd.s32 s21, s5  }
0x9f: {  	[timem:s9], [sflag:s22] =	dma.local [hbm:s7], s20  }
0xa0: {  	_ =	swait.ge [sflag:s22], s20  }
0xa1: {  	s6 =	ssub.s32 $0x0, s20;
	[sflag:s22] =	ssyncset.done $0x0  }
0xa2: {  	[sflag:s22] =	ssyncadd.s32 s6;
	_ =	sdelay $0x1  }
0xa3: {  	s23 =	simm.s32 $0x1B8B  }
0xa4: {  	_ =	swait.ge [sflag:s23], $0x1  }
0xa5: {  	[sflag:s23] =	ssyncset.done $0x0  }
0xa6: {  	s25 =	simm.s32 $0x1B8E;
	s24 =	sld [smem:$0x3FFE];
	[sflag:s23] =	ssyncadd.s32 $0xFFFFFFFF  }
0xa7: {  	s26 =	simm.s32 $execute0_lowered;
	[smem:$0x3FD2] =	sst s25  }
0xa8: {  	s7 =	sshll.u32 s26, $0x1;
	_ =	strace $0x80000046;
	[dreg:$0x1] =	wrdreg $0xFFFFFFFF  }
0xa9: {  	s28 =	simm.s32 $_size_execute0_lowered;
	s5 =	sadd.s32 s5, s7;
	[dreg:$0x0] =	wrdreg $0x0  }
0xaa: {  	s7 =	sshll.u32 s28, $0x1;
	[dreg:$0x2] =	wrdreg s5  }
0xab: {  	[dreg:$0x3] =	wrdreg s7  }
0xac: {  	[dreg:$0x4] =	wrdreg $0xC0  }
0xad: {  	_ =	task [dreg:s9], $0x5FFFF  }
0xae: {  	[dreg:$0x1] =	wrdreg $0xFFFFFFFF  }
0xaf: {  	[dreg:$0x0] =	wrdreg $0x60  }
0xb0: {  	[dreg:$0x2] =	wrdreg s24  }
0xb1: {  	[dreg:$0x3] =	wrdreg s2  }
0xb2: {  	[dreg:$0x4] =	wrdreg s18  }
0xb3: {  	[dreg:$0x5] =	wrdreg s4  }
0xb4: {  	[dreg:$0x6] =	wrdreg $0x9  }
0xb5: {  	_ =	task.clear_ibuf [dreg:s9], $0x7FFFF;
	_ =	strace $0x90000046  }
0xb6: {  	s29 =	simm.s32 $0x9;
	_ =	strace $0x80000048  }
0xb7: {  	_ =	swait.ge [sflag:s29], $0x1  }
0xb8: {  	[sflag:s29] =	ssyncadd.s32 $0xFFFFFFFF  }
0xb9: {  	_ =	strace $0x90000048  }
0xba: {  	_ =	sfence  }
0xbb: {  	s30 =	sld [smem:$0x0];
	_ =	sdelay $0x2  }
0xbc: {  	s31 =	sshll.u32 s1, $0xD;
	s1 =	sshrl.u32 s1, $0x2  }
0xbd: {  	s3 =	sand.u32 $0x4000, s31;
	s1 =	sadd.s32 s1, s30  }
0xbe: {  	s0 =	sor.u32 s3, s0;
	s1 =	sshll.u32 s1, $0x11  }
0xbf: {  	s0 =	sor.u32 s1, s0  }
0xc0: {  	s0 =	sadd.s32 $0x8F2B, s0  }
0xc1: {  	[sflag:s0] =	ssyncadd.remote.s32 $0x1  }
0xc2: {  	_ =	sfence.sel $0xFFFF  }
0xc3: {  	[dreg:$0x0] =	wrdreg $0xFFFFFFFF;
	(pc) =	sbr.abs _section_cstart, $3  }
0xc4: {  	[dreg:$0x1] =	wrdreg $0xFFFFFFFF  }
0xc5: {  	_ =	task.clear_ibuf [dreg:s9], $0x2FFFF;
	_ =	strace $0x9FFFFFFF  }
0xc6: {  	(tm) =	ssettm $0x7FFFFFFF  }
0xc7: {  	_ =	shalt  }
tec
execute0_lowered:
.L_overlay_start_1:
0x0: {  	(tag) =	ssettag $0x1  }
0x1: {  	v0 =	vimm.s32 $0xB80;
	vm14 =	vcmask $0x300  }
0x2: {  	vm13 =	vcmask $0x704;
	vm12 =	vcmask $0xB08;
	vm11 =	vcmask $0xF0C  }
0x3: {  	vm10 =	vcmask $0x1310;
	vm9 =	vcmask $0x1714;
	vm8 =	vcmask $0x1B18  }
0x4: {  	v1 =	vlaneseq.u32;
	vm5 =	vcmask $0x1F1C;
	vm0 =	vcmask $0x2320  }
0x5: {  	v3 =	vimm.s32 $0x2B80;
	vm1 =	vcmask $0x2724;
	vm2 =	vcmask $0x2B28  }
0x6: {  	vm3 =	vcmask $0x2F2C;
	vm4 =	vcmask $0x3330;
	vm6 =	vcmask $0x3734  }
0x7: {  	vm7 =	vcmask $0x3B38;
	v7 =	vimm.s32 $0x3B80;
	v8 =	vimm.s32 $0xFF8  }
0x8: {  	v9 =	vimm.s32 $0x1FF8;
	v10 =	vimm.s32 $0x2FF8;
	v11 =	vimm.s32 $0x3FF8  }
0x9: {  	v12 =	vimm.s32 $0xFF9;
	v13 =	vimm.s32 $0x1FF9;
	v14 =	vimm.s32 $0x2FF9  }
0xa: {  	v15 =	vimm.s32 $0x3FF9;
	v16 =	vimm.s32 $0xFFA;
	v17 =	vimm.s32 $0x1FFA  }
0xb: {  	v18 =	vimm.s32 $0x2FFA;
	v19 =	vimm.s32 $0x3FFA;
	v20 =	vimm.s32 $0xFFB  }
0xc: {  	v21 =	vimm.s32 $0x1FFB;
	v22 =	vimm.s32 $0x2FFB;
	v23 =	vimm.s32 $0x3FFB  }
0xd: {  	v24 =	vimm.s32 $0xFFC;
	v25 =	vimm.s32 $0x1FFC;
	v26 =	vimm.s32 $0x2FFC  }
0xe: {  	v27 =	vimm.s32 $0x3FFC;
	v28 =	vimm.s32 $0xFFD;
	v29 =	vimm.s32 $0x1FFD  }
0xf: {  	v30 =	vimm.s32 $0x2FFD;
	v31 =	vimm.s32 $0x3FFD;
	v32 =	vimm.s32 $0xFFE  }
0x10: {  	v33 =	vimm.s32 $0x1FFE;
	v34 =	vimm.s32 $0x2FFE;
	v35 =	vimm.s32 $0x3FFE  }
0x11: {  	v36 =	vimm.s32 $0xFFF;
	v37 =	vimm.s32 $0x1FFF;
	v38 =	vimm.s32 $0x2FFF  }
0x12: {  	v39 =	vimm.s32 $0x3FFF;
	v0 =	vsel vm14, $0x0, v0;
	v3 =	vsel vm14, $0x2000, v3  }
0x13: {  	v7 =	vsel vm14, $0x3000, v7;
	v8 =	vsel vm14, $0x478, v8;
	v9 =	vsel vm14, $0x1478, v9  }
0x14: {  	v10 =	vsel vm14, $0x2478, v10;
	v11 =	vsel vm14, $0x3478, v11;
	v12 =	vsel vm14, $0x479, v12  }
0x15: {  	v13 =	vsel vm14, $0x1479, v13;
	v14 =	vsel vm14, $0x2479, v14;
	v15 =	vsel vm14, $0x3479, v15  }
0x16: {  	v16 =	vsel vm14, $0x47A, v16;
	v17 =	vsel vm14, $0x147A, v17;
	v18 =	vsel vm14, $0x247A, v18  }
0x17: {  	v19 =	vsel vm14, $0x347A, v19;
	v20 =	vsel vm14, $0x47B, v20;
	v21 =	vsel vm14, $0x147B, v21  }
0x18: {  	v22 =	vsel vm14, $0x247B, v22;
	v23 =	vsel vm14, $0x347B, v23;
	v24 =	vsel vm14, $0x47C, v24  }
0x19: {  	v25 =	vsel vm14, $0x147C, v25;
	v26 =	vsel vm14, $0x247C, v26;
	v27 =	vsel vm14, $0x347C, v27  }
0x1a: {  	v28 =	vsel vm14, $0x47D, v28;
	v29 =	vsel vm14, $0x147D, v29;
	v30 =	vsel vm14, $0x247D, v30  }
0x1b: {  	v31 =	vsel vm14, $0x347D, v31;
	v32 =	vsel vm14, $0x47E, v32;
	v33 =	vsel vm14, $0x147E, v33  }
0x1c: {  	v34 =	vsel vm14, $0x247E, v34;
	v35 =	vsel vm14, $0x347E, v35;
	v36 =	vsel vm14, $0x47F, v36  }
0x1d: {  	v37 =	vsel vm14, $0x147F, v37;
	v38 =	vsel vm14, $0x247F, v38;
	v39 =	vsel vm14, $0x347F, v39  }
0x1e: {  	v0 =	vsel vm13, $0x80, v0;
	v3 =	vsel vm13, $0x2080, v3;
	v7 =	vsel vm13, $0x3080, v7  }
0x1f: {  	v8 =	vsel vm13, $0x4F8, v8;
	v9 =	vsel vm13, $0x14F8, v9;
	v10 =	vsel vm13, $0x24F8, v10  }
0x20: {  	v11 =	vsel vm13, $0x34F8, v11;
	v12 =	vsel vm13, $0x4F9, v12;
	v13 =	vsel vm13, $0x14F9, v13  }
0x21: {  	v14 =	vsel vm13, $0x24F9, v14;
	v15 =	vsel vm13, $0x34F9, v15;
	v16 =	vsel vm13, $0x4FA, v16  }
0x22: {  	v17 =	vsel vm13, $0x14FA, v17;
	v18 =	vsel vm13, $0x24FA, v18;
	v19 =	vsel vm13, $0x34FA, v19  }
0x23: {  	v20 =	vsel vm13, $0x4FB, v20;
	v21 =	vsel vm13, $0x14FB, v21;
	v22 =	vsel vm13, $0x24FB, v22  }
0x24: {  	v23 =	vsel vm13, $0x34FB, v23;
	v24 =	vsel vm13, $0x4FC, v24;
	v25 =	vsel vm13, $0x14FC, v25  }
0x25: {  	v26 =	vsel vm13, $0x24FC, v26;
	v27 =	vsel vm13, $0x34FC, v27;
	v28 =	vsel vm13, $0x4FD, v28  }
0x26: {  	v29 =	vsel vm13, $0x14FD, v29;
	v30 =	vsel vm13, $0x24FD, v30;
	v31 =	vsel vm13, $0x34FD, v31  }
0x27: {  	v32 =	vsel vm13, $0x4FE, v32;
	v33 =	vsel vm13, $0x14FE, v33;
	v34 =	vsel vm13, $0x24FE, v34  }
0x28: {  	v35 =	vsel vm13, $0x34FE, v35;
	v36 =	vsel vm13, $0x4FF, v36;
	v37 =	vsel vm13, $0x14FF, v37  }
0x29: {  	v38 =	vsel vm13, $0x24FF, v38;
	v39 =	vsel vm13, $0x34FF, v39;
	v0 =	vsel vm12, $0x100, v0  }
0x2a: {  	v3 =	vsel vm12, $0x2100, v3;
	v7 =	vsel vm12, $0x3100, v7;
	v8 =	vsel vm12, $0x578, v8  }
0x2b: {  	v9 =	vsel vm12, $0x1578, v9;
	v10 =	vsel vm12, $0x2578, v10;
	v11 =	vsel vm12, $0x3578, v11  }
0x2c: {  	v12 =	vsel vm12, $0x579, v12;
	v13 =	vsel vm12, $0x1579, v13;
	v14 =	vsel vm12, $0x2579, v14  }
0x2d: {  	v15 =	vsel vm12, $0x3579, v15;
	v16 =	vsel vm12, $0x57A, v16;
	v17 =	vsel vm12, $0x157A, v17  }
0x2e: {  	v18 =	vsel vm12, $0x257A, v18;
	v19 =	vsel vm12, $0x357A, v19;
	v20 =	vsel vm12, $0x57B, v20  }
0x2f: {  	v21 =	vsel vm12, $0x157B, v21;
	v22 =	vsel vm12, $0x257B, v22;
	v23 =	vsel vm12, $0x357B, v23  }
0x30: {  	v24 =	vsel vm12, $0x57C, v24;
	v25 =	vsel vm12, $0x157C, v25;
	v26 =	vsel vm12, $0x257C, v26  }
0x31: {  	v27 =	vsel vm12, $0x357C, v27;
	v28 =	vsel vm12, $0x57D, v28;
	v29 =	vsel vm12, $0x157D, v29  }
0x32: {  	v30 =	vsel vm12, $0x257D, v30;
	v31 =	vsel vm12, $0x357D, v31;
	v32 =	vsel vm12, $0x57E, v32  }
0x33: {  	v33 =	vsel vm12, $0x157E, v33;
	v34 =	vsel vm12, $0x257E, v34;
	v35 =	vsel vm12, $0x357E, v35  }
0x34: {  	v36 =	vsel vm12, $0x57F, v36;
	v37 =	vsel vm12, $0x157F, v37;
	v38 =	vsel vm12, $0x257F, v38  }
0x35: {  	v39 =	vsel vm12, $0x357F, v39;
	v0 =	vsel vm11, $0x180, v0;
	v3 =	vsel vm11, $0x2180, v3  }
0x36: {  	v7 =	vsel vm11, $0x3180, v7;
	v8 =	vsel vm11, $0x5F8, v8;
	v9 =	vsel vm11, $0x15F8, v9  }
0x37: {  	v10 =	vsel vm11, $0x25F8, v10;
	v11 =	vsel vm11, $0x35F8, v11;
	v12 =	vsel vm11, $0x5F9, v12  }
0x38: {  	v13 =	vsel vm11, $0x15F9, v13;
	v14 =	vsel vm11, $0x25F9, v14;
	v15 =	vsel vm11, $0x35F9, v15  }
0x39: {  	v16 =	vsel vm11, $0x5FA, v16;
	v17 =	vsel vm11, $0x15FA, v17;
	v18 =	vsel vm11, $0x25FA, v18  }
0x3a: {  	v19 =	vsel vm11, $0x35FA, v19;
	v20 =	vsel vm11, $0x5FB, v20;
	v21 =	vsel vm11, $0x15FB, v21  }
0x3b: {  	v22 =	vsel vm11, $0x25FB, v22;
	v23 =	vsel vm11, $0x35FB, v23;
	v24 =	vsel vm11, $0x5FC, v24  }
0x3c: {  	v25 =	vsel vm11, $0x15FC, v25;
	v26 =	vsel vm11, $0x25FC, v26;
	v27 =	vsel vm11, $0x35FC, v27  }
0x3d: {  	v28 =	vsel vm11, $0x5FD, v28;
	v29 =	vsel vm11, $0x15FD, v29;
	v30 =	vsel vm11, $0x25FD, v30  }
0x3e: {  	v31 =	vsel vm11, $0x35FD, v31;
	v32 =	vsel vm11, $0x5FE, v32;
	v33 =	vsel vm11, $0x15FE, v33  }
0x3f: {  	v34 =	vsel vm11, $0x25FE, v34;
	v35 =	vsel vm11, $0x35FE, v35;
	v36 =	vsel vm11, $0x5FF, v36  }
0x40: {  	v37 =	vsel vm11, $0x15FF, v37;
	v38 =	vsel vm11, $0x25FF, v38;
	v39 =	vsel vm11, $0x35FF, v39  }
0x41: {  	v0 =	vsel vm10, $0x200, v0;
	v3 =	vsel vm10, $0x2200, v3;
	v7 =	vsel vm10, $0x3200, v7  }
0x42: {  	v8 =	vsel vm10, $0x678, v8;
	v9 =	vsel vm10, $0x1678, v9;
	v10 =	vsel vm10, $0x2678, v10  }
0x43: {  	v11 =	vsel vm10, $0x3678, v11;
	v12 =	vsel vm10, $0x679, v12;
	v13 =	vsel vm10, $0x1679, v13  }
0x44: {  	v14 =	vsel vm10, $0x2679, v14;
	v15 =	vsel vm10, $0x3679, v15;
	v16 =	vsel vm10, $0x67A, v16  }
0x45: {  	v17 =	vsel vm10, $0x167A, v17;
	v18 =	vsel vm10, $0x267A, v18;
	v19 =	vsel vm10, $0x367A, v19  }
0x46: {  	v20 =	vsel vm10, $0x67B, v20;
	v21 =	vsel vm10, $0x167B, v21;
	v22 =	vsel vm10, $0x267B, v22  }
0x47: {  	v23 =	vsel vm10, $0x367B, v23;
	v24 =	vsel vm10, $0x67C, v24;
	v25 =	vsel vm10, $0x167C, v25  }
0x48: {  	v26 =	vsel vm10, $0x267C, v26;
	v27 =	vsel vm10, $0x367C, v27;
	v28 =	vsel vm10, $0x67D, v28  }
0x49: {  	v29 =	vsel vm10, $0x167D, v29;
	v30 =	vsel vm10, $0x267D, v30;
	v31 =	vsel vm10, $0x367D, v31  }
0x4a: {  	v32 =	vsel vm10, $0x67E, v32;
	v33 =	vsel vm10, $0x167E, v33;
	v34 =	vsel vm10, $0x267E, v34  }
0x4b: {  	v35 =	vsel vm10, $0x367E, v35;
	v36 =	vsel vm10, $0x67F, v36;
	v37 =	vsel vm10, $0x167F, v37  }
0x4c: {  	v38 =	vsel vm10, $0x267F, v38;
	v39 =	vsel vm10, $0x367F, v39;
	v0 =	vsel vm9, $0x280, v0  }
0x4d: {  	v3 =	vsel vm9, $0x2280, v3;
	v7 =	vsel vm9, $0x3280, v7;
	v8 =	vsel vm9, $0x6F8, v8  }
0x4e: {  	v9 =	vsel vm9, $0x16F8, v9;
	v10 =	vsel vm9, $0x26F8, v10;
	v11 =	vsel vm9, $0x36F8, v11  }
0x4f: {  	v12 =	vsel vm9, $0x6F9, v12;
	v13 =	vsel vm9, $0x16F9, v13;
	v14 =	vsel vm9, $0x26F9, v14  }
0x50: {  	v15 =	vsel vm9, $0x36F9, v15;
	v16 =	vsel vm9, $0x6FA, v16;
	v17 =	vsel vm9, $0x16FA, v17  }
0x51: {  	v18 =	vsel vm9, $0x26FA, v18;
	v19 =	vsel vm9, $0x36FA, v19;
	v20 =	vsel vm9, $0x6FB, v20  }
0x52: {  	v21 =	vsel vm9, $0x16FB, v21;
	v22 =	vsel vm9, $0x26FB, v22;
	v23 =	vsel vm9, $0x36FB, v23  }
0x53: {  	v24 =	vsel vm9, $0x6FC, v24;
	v25 =	vsel vm9, $0x16FC, v25;
	v26 =	vsel vm9, $0x26FC, v26  }
0x54: {  	v27 =	vsel vm9, $0x36FC, v27;
	v28 =	vsel vm9, $0x6FD, v28;
	v29 =	vsel vm9, $0x16FD, v29  }
0x55: {  	v30 =	vsel vm9, $0x26FD, v30;
	v31 =	vsel vm9, $0x36FD, v31;
	v32 =	vsel vm9, $0x6FE, v32  }
0x56: {  	v33 =	vsel vm9, $0x16FE, v33;
	v34 =	vsel vm9, $0x26FE, v34;
	v35 =	vsel vm9, $0x36FE, v35  }
0x57: {  	v36 =	vsel vm9, $0x6FF, v36;
	v37 =	vsel vm9, $0x16FF, v37;
	v38 =	vsel vm9, $0x26FF, v38  }
0x58: {  	v39 =	vsel vm9, $0x36FF, v39;
	v2 =	vsel vm8, $0x300, v0;
	v0 =	vmul.u32 $0x80, v1  }
0x59: {  	v3 =	vsel vm8, $0x2300, v3;
	v7 =	vsel vm8, $0x3300, v7;
	v8 =	vsel vm8, $0x778, v8  }
0x5a: {  	v9 =	vsel vm8, $0x1778, v9;
	v10 =	vsel vm8, $0x2778, v10;
	v11 =	vsel vm8, $0x3778, v11  }
0x5b: {  	v12 =	vsel vm8, $0x779, v12;
	v13 =	vsel vm8, $0x1779, v13;
	v14 =	vsel vm8, $0x2779, v14  }
0x5c: {  	v15 =	vsel vm8, $0x3779, v15;
	v16 =	vsel vm8, $0x77A, v16;
	v17 =	vsel vm8, $0x177A, v17  }
0x5d: {  	v18 =	vsel vm8, $0x277A, v18;
	v19 =	vsel vm8, $0x377A, v19;
	v20 =	vsel vm8, $0x77B, v20  }
0x5e: {  	v21 =	vsel vm8, $0x177B, v21;
	v22 =	vsel vm8, $0x277B, v22;
	v23 =	vsel vm8, $0x377B, v23  }
0x5f: {  	v24 =	vsel vm8, $0x77C, v24;
	v25 =	vsel vm8, $0x177C, v25;
	v26 =	vsel vm8, $0x277C, v26  }
0x60: {  	v27 =	vsel vm8, $0x377C, v27;
	v28 =	vsel vm8, $0x77D, v28;
	v29 =	vsel vm8, $0x177D, v29  }
0x61: {  	v30 =	vsel vm8, $0x277D, v30;
	v31 =	vsel vm8, $0x377D, v31;
	v32 =	vsel vm8, $0x77E, v32  }
0x62: {  	v33 =	vsel vm8, $0x177E, v33;
	v34 =	vsel vm8, $0x277E, v34;
	v35 =	vsel vm8, $0x377E, v35  }
0x63: {  	v36 =	vsel vm8, $0x77F, v36;
	v37 =	vsel vm8, $0x177F, v37;
	v38 =	vsel vm8, $0x277F, v38  }
0x64: {  	v39 =	vsel vm8, $0x377F, v39;
	v1 =	vsel vm5, $0x380, v2;
	v2 =	vimm.s32 $0x1B80  }
0x65: {  	v3 =	vsel vm5, $0x2380, v3;
	v7 =	vsel vm5, $0x3380, v7;
	v8 =	vsel vm5, $0x7F8, v8  }
0x66: {  	v9 =	vsel vm5, $0x17F8, v9;
	v10 =	vsel vm5, $0x27F8, v10;
	v11 =	vsel vm5, $0x37F8, v11  }
0x67: {  	v12 =	vsel vm5, $0x7F9, v12;
	v13 =	vsel vm5, $0x17F9, v13;
	v14 =	vsel vm5, $0x27F9, v14  }
0x68: {  	v15 =	vsel vm5, $0x37F9, v15;
	v16 =	vsel vm5, $0x7FA, v16;
	v17 =	vsel vm5, $0x17FA, v17  }
0x69: {  	v18 =	vsel vm5, $0x27FA, v18;
	v19 =	vsel vm5, $0x37FA, v19;
	v20 =	vsel vm5, $0x7FB, v20  }
0x6a: {  	v21 =	vsel vm5, $0x17FB, v21;
	v22 =	vsel vm5, $0x27FB, v22;
	v23 =	vsel vm5, $0x37FB, v23  }
0x6b: {  	v24 =	vsel vm5, $0x7FC, v24;
	v25 =	vsel vm5, $0x17FC, v25;
	v26 =	vsel vm5, $0x27FC, v26  }
0x6c: {  	v27 =	vsel vm5, $0x37FC, v27;
	v28 =	vsel vm5, $0x7FD, v28;
	v29 =	vsel vm5, $0x17FD, v29  }
0x6d: {  	v30 =	vsel vm5, $0x27FD, v30;
	v31 =	vsel vm5, $0x37FD, v31;
	v32 =	vsel vm5, $0x7FE, v32  }
0x6e: {  	v33 =	vsel vm5, $0x17FE, v33;
	v34 =	vsel vm5, $0x27FE, v34;
	v35 =	vsel vm5, $0x37FE, v35  }
0x6f: {  	v36 =	vsel vm5, $0x7FF, v36;
	v37 =	vsel vm5, $0x17FF, v37;
	v38 =	vsel vm5, $0x27FF, v38  }
0x70: {  	v39 =	vsel vm5, $0x37FF, v39;
	v2 =	vsel vm14, $0x1000, v2;
	v1 =	vsel vm0, $0x800, v1  }
0x71: {  	v3 =	vsel vm0, $0x2800, v3;
	v6 =	vor.u32 $0x1800, v0;
	v7 =	vsel vm0, $0x3800, v7  }
0x72: {  	v8 =	vsel vm0, $0xC78, v8;
	v9 =	vsel vm0, $0x1C78, v9;
	v10 =	vsel vm0, $0x2C78, v10  }
0x73: {  	v11 =	vsel vm0, $0x3C78, v11;
	v12 =	vsel vm0, $0xC79, v12;
	v13 =	vsel vm0, $0x1C79, v13  }
0x74: {  	v14 =	vsel vm0, $0x2C79, v14;
	v15 =	vsel vm0, $0x3C79, v15;
	v16 =	vsel vm0, $0xC7A, v16  }
0x75: {  	v17 =	vsel vm0, $0x1C7A, v17;
	v18 =	vsel vm0, $0x2C7A, v18;
	v19 =	vsel vm0, $0x3C7A, v19  }
0x76: {  	v20 =	vsel vm0, $0xC7B, v20;
	v21 =	vsel vm0, $0x1C7B, v21;
	v22 =	vsel vm0, $0x2C7B, v22  }
0x77: {  	v23 =	vsel vm0, $0x3C7B, v23;
	v24 =	vsel vm0, $0xC7C, v24;
	v25 =	vsel vm0, $0x1C7C, v25  }
0x78: {  	v26 =	vsel vm0, $0x2C7C, v26;
	v27 =	vsel vm0, $0x3C7C, v27;
	v28 =	vsel vm0, $0xC7D, v28  }
0x79: {  	v29 =	vsel vm0, $0x1C7D, v29;
	v30 =	vsel vm0, $0x2C7D, v30;
	v31 =	vsel vm0, $0x3C7D, v31  }
0x7a: {  	v32 =	vsel vm0, $0xC7E, v32;
	v33 =	vsel vm0, $0x1C7E, v33;
	v34 =	vsel vm0, $0x2C7E, v34  }
0x7b: {  	v35 =	vsel vm0, $0x3C7E, v35;
	v36 =	vsel vm0, $0xC7F, v36;
	v37 =	vsel vm0, $0x1C7F, v37  }
0x7c: {  	v38 =	vsel vm0, $0x2C7F, v38;
	v39 =	vsel vm0, $0x3C7F, v39;
	v2 =	vsel vm13, $0x1080, v2  }
0x7d: {  	v1 =	vsel vm1, $0x880, v1;
	v3 =	vsel vm1, $0x2880, v3;
	v7 =	vsel vm1, $0x3880, v7  }
0x7e: {  	v8 =	vsel vm1, $0xCF8, v8;
	v9 =	vsel vm1, $0x1CF8, v9;
	v10 =	vsel vm1, $0x2CF8, v10  }
0x7f: {  	v11 =	vsel vm1, $0x3CF8, v11;
	v12 =	vsel vm1, $0xCF9, v12;
	v13 =	vsel vm1, $0x1CF9, v13  }
0x80: {  	v14 =	vsel vm1, $0x2CF9, v14;
	v15 =	vsel vm1, $0x3CF9, v15;
	v16 =	vsel vm1, $0xCFA, v16  }
0x81: {  	v17 =	vsel vm1, $0x1CFA, v17;
	v18 =	vsel vm1, $0x2CFA, v18;
	v19 =	vsel vm1, $0x3CFA, v19  }
0x82: {  	v20 =	vsel vm1, $0xCFB, v20;
	v21 =	vsel vm1, $0x1CFB, v21;
	v22 =	vsel vm1, $0x2CFB, v22  }
0x83: {  	v23 =	vsel vm1, $0x3CFB, v23;
	v24 =	vsel vm1, $0xCFC, v24;
	v25 =	vsel vm1, $0x1CFC, v25  }
0x84: {  	v26 =	vsel vm1, $0x2CFC, v26;
	v27 =	vsel vm1, $0x3CFC, v27;
	v28 =	vsel vm1, $0xCFD, v28  }
0x85: {  	v29 =	vsel vm1, $0x1CFD, v29;
	v30 =	vsel vm1, $0x2CFD, v30;
	v31 =	vsel vm1, $0x3CFD, v31  }
0x86: {  	v32 =	vsel vm1, $0xCFE, v32;
	v33 =	vsel vm1, $0x1CFE, v33;
	v34 =	vsel vm1, $0x2CFE, v34  }
0x87: {  	v35 =	vsel vm1, $0x3CFE, v35;
	v36 =	vsel vm1, $0xCFF, v36;
	v37 =	vsel vm1, $0x1CFF, v37  }
0x88: {  	v38 =	vsel vm1, $0x2CFF, v38;
	v39 =	vsel vm1, $0x3CFF, v39;
	v2 =	vsel vm12, $0x1100, v2  }
0x89: {  	v1 =	vsel vm2, $0x900, v1;
	v3 =	vsel vm2, $0x2900, v3;
	v7 =	vsel vm2, $0x3900, v7  }
0x8a: {  	v8 =	vsel vm2, $0xD78, v8;
	v9 =	vsel vm2, $0x1D78, v9;
	v10 =	vsel vm2, $0x2D78, v10  }
0x8b: {  	v11 =	vsel vm2, $0x3D78, v11;
	v12 =	vsel vm2, $0xD79, v12;
	v13 =	vsel vm2, $0x1D79, v13  }
0x8c: {  	v14 =	vsel vm2, $0x2D79, v14;
	v15 =	vsel vm2, $0x3D79, v15;
	v16 =	vsel vm2, $0xD7A, v16  }
0x8d: {  	v17 =	vsel vm2, $0x1D7A, v17;
	v18 =	vsel vm2, $0x2D7A, v18;
	v19 =	vsel vm2, $0x3D7A, v19  }
0x8e: {  	v20 =	vsel vm2, $0xD7B, v20;
	v21 =	vsel vm2, $0x1D7B, v21;
	v22 =	vsel vm2, $0x2D7B, v22  }
0x8f: {  	v23 =	vsel vm2, $0x3D7B, v23;
	v24 =	vsel vm2, $0xD7C, v24;
	v25 =	vsel vm2, $0x1D7C, v25  }
0x90: {  	v26 =	vsel vm2, $0x2D7C, v26;
	v27 =	vsel vm2, $0x3D7C, v27;
	v28 =	vsel vm2, $0xD7D, v28  }
0x91: {  	v29 =	vsel vm2, $0x1D7D, v29;
	v30 =	vsel vm2, $0x2D7D, v30;
	v31 =	vsel vm2, $0x3D7D, v31  }
0x92: {  	v32 =	vsel vm2, $0xD7E, v32;
	v33 =	vsel vm2, $0x1D7E, v33;
	v34 =	vsel vm2, $0x2D7E, v34  }
0x93: {  	v35 =	vsel vm2, $0x3D7E, v35;
	v36 =	vsel vm2, $0xD7F, v36;
	v37 =	vsel vm2, $0x1D7F, v37  }
0x94: {  	v38 =	vsel vm2, $0x2D7F, v38;
	v39 =	vsel vm2, $0x3D7F, v39;
	v2 =	vsel vm11, $0x1180, v2  }
0x95: {  	v1 =	vsel vm3, $0x980, v1;
	v3 =	vsel vm3, $0x2980, v3;
	v7 =	vsel vm3, $0x3980, v7  }
0x96: {  	v8 =	vsel vm3, $0xDF8, v8;
	v9 =	vsel vm3, $0x1DF8, v9;
	v10 =	vsel vm3, $0x2DF8, v10  }
0x97: {  	v11 =	vsel vm3, $0x3DF8, v11;
	v12 =	vsel vm3, $0xDF9, v12;
	v13 =	vsel vm3, $0x1DF9, v13  }
0x98: {  	v14 =	vsel vm3, $0x2DF9, v14;
	v15 =	vsel vm3, $0x3DF9, v15;
	v16 =	vsel vm3, $0xDFA, v16  }
0x99: {  	v17 =	vsel vm3, $0x1DFA, v17;
	v18 =	vsel vm3, $0x2DFA, v18;
	v19 =	vsel vm3, $0x3DFA, v19  }
0x9a: {  	v20 =	vsel vm3, $0xDFB, v20;
	v21 =	vsel vm3, $0x1DFB, v21;
	v22 =	vsel vm3, $0x2DFB, v22  }
0x9b: {  	v23 =	vsel vm3, $0x3DFB, v23;
	v24 =	vsel vm3, $0xDFC, v24;
	v25 =	vsel vm3, $0x1DFC, v25  }
0x9c: {  	v26 =	vsel vm3, $0x2DFC, v26;
	v27 =	vsel vm3, $0x3DFC, v27;
	v28 =	vsel vm3, $0xDFD, v28  }
0x9d: {  	v29 =	vsel vm3, $0x1DFD, v29;
	v30 =	vsel vm3, $0x2DFD, v30;
	v31 =	vsel vm3, $0x3DFD, v31  }
0x9e: {  	v32 =	vsel vm3, $0xDFE, v32;
	v33 =	vsel vm3, $0x1DFE, v33;
	v34 =	vsel vm3, $0x2DFE, v34  }
0x9f: {  	v35 =	vsel vm3, $0x3DFE, v35;
	v36 =	vsel vm3, $0xDFF, v36;
	v37 =	vsel vm3, $0x1DFF, v37  }
0xa0: {  	v38 =	vsel vm3, $0x2DFF, v38;
	v39 =	vsel vm3, $0x3DFF, v39;
	v2 =	vsel vm10, $0x1200, v2  }
0xa1: {  	v1 =	vsel vm4, $0xA00, v1;
	v5 =	vsel vm4, $0x2A00, v3;
	v7 =	vsel vm4, $0x3A00, v7  }
0xa2: {  	v8 =	vsel vm4, $0xE78, v8;
	v9 =	vsel vm4, $0x1E78, v9;
	v10 =	vsel vm4, $0x2E78, v10  }
0xa3: {  	v11 =	vsel vm4, $0x3E78, v11;
	v12 =	vsel vm4, $0xE79, v12;
	v13 =	vsel vm4, $0x1E79, v13  }
0xa4: {  	v14 =	vsel vm4, $0x2E79, v14;
	v15 =	vsel vm4, $0x3E79, v15;
	v16 =	vsel vm4, $0xE7A, v16  }
0xa5: {  	v17 =	vsel vm4, $0x1E7A, v17;
	v18 =	vsel vm4, $0x2E7A, v18;
	v19 =	vsel vm4, $0x3E7A, v19  }
0xa6: {  	v20 =	vsel vm4, $0xE7B, v20;
	v21 =	vsel vm4, $0x1E7B, v21;
	v22 =	vsel vm4, $0x2E7B, v22  }
0xa7: {  	v23 =	vsel vm4, $0x3E7B, v23;
	v24 =	vsel vm4, $0xE7C, v24;
	v25 =	vsel vm4, $0x1E7C, v25  }
0xa8: {  	v26 =	vsel vm4, $0x2E7C, v26;
	v27 =	vsel vm4, $0x3E7C, v27;
	v28 =	vsel vm4, $0xE7D, v28  }
0xa9: {  	v29 =	vsel vm4, $0x1E7D, v29;
	v30 =	vsel vm4, $0x2E7D, v30;
	v31 =	vsel vm4, $0x3E7D, v31  }
0xaa: {  	v32 =	vsel vm4, $0xE7E, v32;
	v33 =	vsel vm4, $0x1E7E, v33;
	v34 =	vsel vm4, $0x2E7E, v34  }
0xab: {  	v35 =	vsel vm4, $0x3E7E, v35;
	v36 =	vsel vm4, $0xE7F, v36;
	v37 =	vsel vm4, $0x1E7F, v37  }
0xac: {  	v38 =	vsel vm4, $0x2E7F, v38;
	v39 =	vsel vm4, $0x3E7F, v39;
	v2 =	vsel vm9, $0x1280, v2  }
0xad: {  	v1 =	vsel vm6, $0xA80, v1;
	v5 =	vsel vm6, $0x2A80, v5;
	v7 =	vsel vm6, $0x3A80, v7  }
0xae: {  	v8 =	vsel vm6, $0xEF8, v8;
	v9 =	vsel vm6, $0x1EF8, v9;
	v10 =	vsel vm6, $0x2EF8, v10  }
0xaf: {  	v11 =	vsel vm6, $0x3EF8, v11;
	v12 =	vsel vm6, $0xEF9, v12;
	v13 =	vsel vm6, $0x1EF9, v13  }
0xb0: {  	v14 =	vsel vm6, $0x2EF9, v14;
	v15 =	vsel vm6, $0x3EF9, v15;
	v16 =	vsel vm6, $0xEFA, v16  }
0xb1: {  	v17 =	vsel vm6, $0x1EFA, v17;
	v18 =	vsel vm6, $0x2EFA, v18;
	v19 =	vsel vm6, $0x3EFA, v19  }
0xb2: {  	v20 =	vsel vm6, $0xEFB, v20;
	v21 =	vsel vm6, $0x1EFB, v21;
	v22 =	vsel vm6, $0x2EFB, v22  }
0xb3: {  	v23 =	vsel vm6, $0x3EFB, v23;
	v24 =	vsel vm6, $0xEFC, v24;
	v25 =	vsel vm6, $0x1EFC, v25  }
0xb4: {  	s1 =	rddreg [dreg:$0x0];
	v26 =	vsel vm6, $0x2EFC, v26;
	v27 =	vsel vm6, $0x3EFC, v27;
	v28 =	vsel vm6, $0xEFD, v28  }
0xb5: {  	s0 =	rddreg [dreg:$0x1];
	v29 =	vsel vm6, $0x1EFD, v29;
	v30 =	vsel vm6, $0x2EFD, v30;
	v31 =	vsel vm6, $0x3EFD, v31  }
0xb6: {  	s2 =	rddreg [dreg:$0x2];
	v32 =	vsel vm6, $0xEFE, v32;
	v33 =	vsel vm6, $0x1EFE, v33;
	v34 =	vsel vm6, $0x2EFE, v34  }
0xb7: {  	s3 =	rddreg [dreg:$0x3];
	s4 =	srdreg.scid;
	v35 =	vsel vm6, $0x3EFE, v35;
	v36 =	vsel vm6, $0xEFF, v36;
	v37 =	vsel vm6, $0x1EFF, v37  }
0xb8: {  	s7 =	stileid.u32;
	s6 =	simm.s32 $0x0;
	s12 =	simm.s32 $0x400;
	v38 =	vsel vm6, $0x2EFF, v38;
	v39 =	vsel vm6, $0x3EFF, v39;
	v2 =	vsel vm8, $0x1300, v2  }
0xb9: {  	s11 =	simm.s32 $0x100;
	s13 =	simm.s32 $0x7A1400;
	s14 =	simm.s32 $0x8100;
	v1 =	vsel vm7, $0xB00, v1;
	v5 =	vsel vm7, $0x2B00, v5;
	v7 =	vsel vm7, $0x3B00, v7  }
0xba: {  	s15 =	simm.s32 $0xA100;
	s16 =	simm.s32 $0xC100;
	s17 =	simm.s32 $0xE100;
	v8 =	vsel vm7, $0xF78, v8;
	v9 =	vsel vm7, $0x1F78, v9;
	v10 =	vsel vm7, $0x2F78, v10  }
0xbb: {  	s18 =	simm.s32 $0x10100;
	s19 =	simm.s32 $0x12100;
	s20 =	simm.s32 $0x14100;
	v11 =	vsel vm7, $0x3F78, v11;
	v12 =	vsel vm7, $0xF79, v12;
	v13 =	vsel vm7, $0x1F79, v13  }
0xbc: {  	s21 =	simm.s32 $0x16100;
	s28 =	simm.s32 $0x5;
	s29 =	simm.s32 $0x6;
	v14 =	vsel vm7, $0x2F79, v14;
	v15 =	vsel vm7, $0x3F79, v15;
	v16 =	vsel vm7, $0xF7A, v16  }
0xbd: {  	s30 =	simm.s32 $0x7;
	s31 =	simm.s32 $0x8;
	s4 =	sand.u32 $0x1, s4;
	v17 =	vsel vm7, $0x1F7A, v17;
	v18 =	vsel vm7, $0x2F7A, v18;
	v19 =	vsel vm7, $0x3F7A, v19  }
0xbe: {  	s5 =	sshll.u32 s7, $0x1;
	[smem:$0x7FF] =	sst s6;
	s7 =	sshll.u32 s7, $0xC;
	v20 =	vsel vm7, $0xF7B, v20;
	v21 =	vsel vm7, $0x1F7B, v21;
	v22 =	vsel vm7, $0x2F7B, v22  }
0xbf: {  	s5 =	sor.u32 s4, s5;
	_ =	strace $0x80000047;
	s4 =	ssub.s32 $0x2, s4;
	v23 =	vsel vm7, $0x3F7B, v23;
	v24 =	vsel vm7, $0xF7C, v24;
	v25 =	vsel vm7, $0x1F7C, v25  }
0xc0: {  	s24 =	sand.u32 $0xC000, s7;
	s22 =	sshll.u32 s5, $0x5;
	s23 =	sshrl.u32 s4, $0x1;
	v26 =	vsel vm7, $0x2F7C, v26;
	v27 =	vsel vm7, $0x3F7C, v27;
	v2 =	vsel vm5, $0x1380, v2  }
0xc1: {  	s5 =	sshll.u32 s5, $0x8;
	s3 =	sadd.s32 s3, s24;
	s24 =	simm.s32 $0x2;
	v28 =	vsel vm7, $0xF7D, v28;
	v29 =	vsel vm7, $0x1F7D, v29;
	v2 =	vsel vm0, $0x1800, v2  }
0xc2: {  	s1 =	sadd.s32 s22, s1;
	s4 =	ssub.s32 s4, s23;
	s25 =	sand.u32 $0x700, s5;
	v30 =	vsel vm7, $0x2F7D, v30;
	v31 =	vsel vm7, $0x3F7D, v31;
	v2 =	vsel vm1, $0x1880, v2  }
0xc3: {  	s5 =	simm.s32 $0x4000;
	s23 =	simm.s32 $0x4100;
	s1 =	sadd.s32 $0x400, s1;
	v32 =	vsel vm7, $0xF7E, v32;
	v33 =	vsel vm7, $0x1F7E, v33;
	v2 =	vsel vm2, $0x1900, v2  }
0xc4: {  	s2 =	sadd.s32 s2, s25;
	s26 =	smax.u32 s4, $0x1;
	[dreg:$0x5] =	wrdreg s1;
	v34 =	vsel vm7, $0x2F7E, v34;
	v35 =	vsel vm7, $0x3F7E, v35;
	v2 =	vsel vm3, $0x1980, v2  }
0xc5: {  	s4 =	simm.s32 $0x800;
	[dreg:$0x6] =	wrdreg s2;
	s1 =	sadd.s32 s25, s3;
	v36 =	vsel vm7, $0xF7F, v36;
	v37 =	vsel vm7, $0x1F7F, v37;
	v2 =	vsel vm4, $0x1A00, v2  }
0xc6: {  	[dreg:$0x8] =	wrdreg s26;
	s3 =	simm.s32 $0x9;
	s25 =	simm.s32 $0x3;
	v38 =	vsel vm7, $0x2F7F, v38;
	v39 =	vsel vm7, $0x3F7F, v39;
	v4 =	vsel vm6, $0x1A80, v2  }
0xc7: {  	s26 =	simm.s32 $0x4;
	s2 =	simm.s32 $0x0;
	[dreg:$0x7] =	wrdreg s1;
	v2 =	vor.u32 $0x800, v0;
	v3 =	vsel vm7, $0x1B00, v4;
	v4 =	vor.u32 $0x1000, v0  }
.LBB2_1:
0xc8: {  	[dreg:$0x9] =	wrdreg s2  }
0xc9: {  	s1 =	simm.s32 $0x0;
	s10 =	rddreg [dreg:$0x5]  }
0xca: {  	[tilespmem:s1], [sflag:$0x9] =	stream.linear.gather [hbm4b:s10+s1], $0x100, $0x38;
	[tilespmem:$0x18100] =	vst v63  }
0xcb: {  	_ =	swait.ge [sflag:s3], $0x100  }
0xcc: {  	[sflag:s3] =	ssyncset.done $0x0  }
0xcd: {  	s22 =	rddreg [dreg:$0x6];
	[sflag:s3] =	ssyncadd.s32 $0xFFFFFF00  }
0xce: {  	[tilespmem:s11], [sflag:$0x9] =	stream.strided.gather [hbm4b:s22+s4], $0x4000, s5, s4, $0x38;
	[tilespmem:$0x18100] =	vst v63  }
0xcf: {  	_ =	swait.ge [sflag:s3], $0x4000  }
0xd0: {  	[sflag:s3] =	ssyncset.done $0x0  }
0xd1: {  	v41 =	vimm.s32 $0x0;
	s2 =	simm.s32 $0xFFFFFFF8;
	[sflag:s3] =	ssyncadd.s32 $0xFFFFC000;
	s3 =	simm.s32 $0x0  }
.LBB2_2:
0xd2: {  	p0 =	seq.s32 s2, $0xFFFFFFF8  }
0xd3: {  	s4 =	simm.s32 @!p0 $0x1  }
0xd4: {  	v40 =	vld [tilespmem:s3+$0x0];
	_ =	swait.ge @!p0 [sflag:s4], $0x2000  }
0xd5: {  	(v2sf) =	vpush @!p0 v41, $0x8;
	_ =	sdelay $0xb  }
0xd6: {  	v42 =	vmov @!p0 s2  }
0xd7: {  	v43 =	vshll.u32 @!p0 v42, $0x3  }
0xd8: {  	v42 =	vand.u32 @!p0 $0x78, v42;
	v43 =	vand.u32 @!p0 $0xFFFFFC00, v43  }
0xd9: {  	v42 =	vor.u32 @!p0 v42, v43;
	s1 =	spop @!p0 (v2sf)  }
0xda: {  	v43 =	vadd.s32 @!p0 v1, v42;
	s1 =	sand.u32 @!p0 $0x7F, s1  }
0xdb: {  	v44 =	vor.u32 @!p0 s1, v0;
	_ =	sdelay $0x1  }
0xdc: {  	[sflag:s4] =	ssyncset.done @!p0 $0x0  }
0xdd: {  	[sflag:s4] =	ssyncadd.s32 @!p0 $0xFFFFE000  }
0xde: {  	v45 =	vld.idx.msk @!p0 [tilespmem:v43+s11+$0x0], $0xffff  }
0xdf: {  	v44 =	vld.idx.msk @!p0 [tilespmem:v44+s14+$0x0], $0xffff;
	_ =	sdelay $0x2  }
0xe0: {  	v46 =	vor.u32 @!p0 s1, v2  }
0xe1: {  	v47 =	vadd.s32 @!p0 v3, v42  }
0xe2: {  	v44 =	vadd.f32 @!p0 v45, v44;
	_ =	sdelay $0x1  }
0xe3: {  	[tilespmem:v43+s23+$0x0] =	vst.idx.msk @!p0 $0xffff, v44  }
0xe4: {  	v43 =	vld.idx.msk @!p0 [tilespmem:v46+s14+$0x0], $0xffff  }
0xe5: {  	v44 =	vld.idx.msk @!p0 [tilespmem:v47+s11+$0x0], $0xffff;
	_ =	sdelay $0x2  }
0xe6: {  	v45 =	vor.u32 @!p0 s1, v4  }
0xe7: {  	v46 =	vadd.s32 @!p0 v5, v42  }
0xe8: {  	v43 =	vadd.f32 @!p0 v44, v43;
	_ =	sdelay $0x1  }
0xe9: {  	[tilespmem:v47+s23+$0x0] =	vst.idx.msk @!p0 $0xffff, v43  }
0xea: {  	(v2sf) =	vpush v40, $0x0;
	v43 =	vld.idx.msk @!p0 [tilespmem:v45+s14+$0x0], $0xffff  }
0xeb: {  	v44 =	vld.idx.msk @!p0 [tilespmem:v46+s11+$0x0], $0xffff;
	_ =	sdelay $0x2  }
0xec: {  	v45 =	vor.u32 @!p0 s1, v6  }
0xed: {  	v42 =	vadd.s32 @!p0 v7, v42  }
0xee: {  	v43 =	vadd.f32 @!p0 v44, v43;
	_ =	sdelay $0x1  }
0xef: {  	[tilespmem:v46+s23+$0x0] =	vst.idx.msk @!p0 $0xffff, v43  }
0xf0: {  	v43 =	vld.idx.msk @!p0 [tilespmem:v45+s14+$0x0], $0xffff  }
0xf1: {  	v44 =	vld.idx.msk @!p0 [tilespmem:v42+s11+$0x0], $0xffff;
	_ =	sdelay $0x4  }
0xf2: {  	s9 =	spop (v2sf);
	v43 =	vadd.f32 @!p0 v44, v43  }
0xf3: {  	s22 =	sand.u32 $0xFFFFF80, s9  }
0xf4: {  	s1 =	sadd.s32 s0, s22;
	[tilespmem:v42+s23+$0x0] =	vst.idx.msk @!p0 $0xffff, v43  }
0xf5: {  	[tilespmem:s14], [sflag:$0x1] =	stream.strided.gather [hbm4b:s1+s12], $0x2000, s13, s12, $0x38;
	[tilespmem:$0x18100] =	vst v63  }
0xf6: {  	_ =	swait.ge @!p0 [sflag:s24], $0x2000  }
0xf7: {  	(v2sf) =	vpush @!p0 v41, $0x9;
	_ =	sdelay $0xa  }
0xf8: {  	s1 =	sadd.s32 @!p0 $0x1, s2  }
0xf9: {  	v42 =	vmov @!p0 s1  }
0xfa: {  	v43 =	vshll.u32 @!p0 v42, $0x3  }
0xfb: {  	v42 =	vand.u32 @!p0 $0x79, v42;
	v43 =	vand.u32 @!p0 $0xFFFFFC00, v43  }
0xfc: {  	v42 =	vor.u32 @!p0 v42, v43;
	s1 =	spop @!p0 (v2sf)  }
0xfd: {  	v43 =	vadd.s32 @!p0 v1, v42;
	s1 =	sand.u32 @!p0 $0x7F, s1  }
0xfe: {  	v44 =	vor.u32 @!p0 s1, v0;
	_ =	sdelay $0x1  }
0xff: {  	[sflag:s24] =	ssyncset.done @!p0 $0x0  }
0x100: {  	[sflag:s24] =	ssyncadd.s32 @!p0 $0xFFFFE000  }
0x101: {  	v45 =	vld.idx.msk @!p0 [tilespmem:v43+s11+$0x0], $0xffff  }
0x102: {  	v44 =	vld.idx.msk @!p0 [tilespmem:v44+s15+$0x0], $0xffff;
	_ =	sdelay $0x2  }
0x103: {  	v46 =	vor.u32 @!p0 s1, v2  }
0x104: {  	v47 =	vadd.s32 @!p0 v3, v42  }
0x105: {  	v44 =	vadd.f32 @!p0 v45, v44;
	_ =	sdelay $0x1  }
0x106: {  	[tilespmem:v43+s23+$0x0] =	vst.idx.msk @!p0 $0xffff, v44  }
0x107: {  	v43 =	vld.idx.msk @!p0 [tilespmem:v46+s15+$0x0], $0xffff  }
0x108: {  	v44 =	vld.idx.msk @!p0 [tilespmem:v47+s11+$0x0], $0xffff;
	_ =	sdelay $0x2  }
0x109: {  	v45 =	vor.u32 @!p0 s1, v4  }
0x10a: {  	v46 =	vadd.s32 @!p0 v5, v42  }
0x10b: {  	v43 =	vadd.f32 @!p0 v44, v43;
	_ =	sdelay $0x1  }
0x10c: {  	[tilespmem:v47+s23+$0x0] =	vst.idx.msk @!p0 $0xffff, v43  }
0x10d: {  	(v2sf) =	vpush v40, $0x1;
	v43 =	vld.idx.msk @!p0 [tilespmem:v45+s15+$0x0], $0xffff  }
0x10e: {  	v44 =	vld.idx.msk @!p0 [tilespmem:v46+s11+$0x0], $0xffff;
	_ =	sdelay $0x2  }
0x10f: {  	v45 =	vor.u32 @!p0 s1, v6  }
0x110: {  	v42 =	vadd.s32 @!p0 v7, v42  }
0x111: {  	v43 =	vadd.f32 @!p0 v44, v43;
	_ =	sdelay $0x1  }
0x112: {  	[tilespmem:v46+s23+$0x0] =	vst.idx.msk @!p0 $0xffff, v43  }
0x113: {  	v43 =	vld.idx.msk @!p0 [tilespmem:v45+s15+$0x0], $0xffff  }
0x114: {  	v44 =	vld.idx.msk @!p0 [tilespmem:v42+s11+$0x0], $0xffff;
	_ =	sdelay $0x4  }
0x115: {  	s10 =	spop (v2sf);
	v43 =	vadd.f32 @!p0 v44, v43  }
0x116: {  	s4 =	sand.u32 $0xFFFFF80, s10  }
0x117: {  	s1 =	sadd.s32 s0, s4;
	[tilespmem:v42+s23+$0x0] =	vst.idx.msk @!p0 $0xffff, v43  }
0x118: {  	[tilespmem:s15], [sflag:$0x2] =	stream.strided.gather [hbm4b:s1+s12], $0x2000, s13, s12, $0x38;
	[tilespmem:$0x18100] =	vst v63  }
0x119: {  	_ =	swait.ge @!p0 [sflag:s25], $0x2000  }
0x11a: {  	(v2sf) =	vpush @!p0 v41, $0xA;
	_ =	sdelay $0xa  }
0x11b: {  	s1 =	sadd.s32 @!p0 $0x2, s2  }
0x11c: {  	v42 =	vmov @!p0 s1  }
0x11d: {  	v43 =	vshll.u32 @!p0 v42, $0x3  }
0x11e: {  	v42 =	vand.u32 @!p0 $0x7A, v42;
	v43 =	vand.u32 @!p0 $0xFFFFFC00, v43  }
0x11f: {  	v42 =	vor.u32 @!p0 v42, v43;
	s1 =	spop @!p0 (v2sf)  }
0x120: {  	v43 =	vadd.s32 @!p0 v1, v42;
	s1 =	sand.u32 @!p0 $0x7F, s1  }
0x121: {  	v44 =	vor.u32 @!p0 s1, v0;
	_ =	sdelay $0x1  }
0x122: {  	[sflag:s25] =	ssyncset.done @!p0 $0x0  }
0x123: {  	[sflag:s25] =	ssyncadd.s32 @!p0 $0xFFFFE000  }
0x124: {  	v45 =	vld.idx.msk @!p0 [tilespmem:v43+s11+$0x0], $0xffff  }
0x125: {  	v44 =	vld.idx.msk @!p0 [tilespmem:v44+s16+$0x0], $0xffff;
	_ =	sdelay $0x2  }
0x126: {  	v46 =	vor.u32 @!p0 s1, v2  }
0x127: {  	v47 =	vadd.s32 @!p0 v3, v42  }
0x128: {  	v44 =	vadd.f32 @!p0 v45, v44;
	_ =	sdelay $0x1  }
0x129: {  	[tilespmem:v43+s23+$0x0] =	vst.idx.msk @!p0 $0xffff, v44  }
0x12a: {  	v43 =	vld.idx.msk @!p0 [tilespmem:v46+s16+$0x0], $0xffff  }
0x12b: {  	v44 =	vld.idx.msk @!p0 [tilespmem:v47+s11+$0x0], $0xffff;
	_ =	sdelay $0x2  }
0x12c: {  	v45 =	vor.u32 @!p0 s1, v4  }
0x12d: {  	v46 =	vadd.s32 @!p0 v5, v42  }
0x12e: {  	v43 =	vadd.f32 @!p0 v44, v43;
	_ =	sdelay $0x1  }
0x12f: {  	[tilespmem:v47+s23+$0x0] =	vst.idx.msk @!p0 $0xffff, v43  }
0x130: {  	(v2sf) =	vpush v40, $0x2;
	v43 =	vld.idx.msk @!p0 [tilespmem:v45+s16+$0x0], $0xffff  }
0x131: {  	v44 =	vld.idx.msk @!p0 [tilespmem:v46+s11+$0x0], $0xffff;
	_ =	sdelay $0x2  }
0x132: {  	v45 =	vor.u32 @!p0 s1, v6  }
0x133: {  	v42 =	vadd.s32 @!p0 v7, v42  }
0x134: {  	v43 =	vadd.f32 @!p0 v44, v43;
	_ =	sdelay $0x1  }
0x135: {  	[tilespmem:v46+s23+$0x0] =	vst.idx.msk @!p0 $0xffff, v43  }
0x136: {  	v43 =	vld.idx.msk @!p0 [tilespmem:v45+s16+$0x0], $0xffff  }
0x137: {  	v44 =	vld.idx.msk @!p0 [tilespmem:v42+s11+$0x0], $0xffff;
	_ =	sdelay $0x4  }
0x138: {  	s4 =	spop (v2sf);
	v43 =	vadd.f32 @!p0 v44, v43  }
0x139: {  	s5 =	sand.u32 $0xFFFFF80, s4  }
0x13a: {  	s1 =	sadd.s32 s0, s5;
	[tilespmem:v42+s23+$0x0] =	vst.idx.msk @!p0 $0xffff, v43  }
0x13b: {  	[tilespmem:s16], [sflag:$0x3] =	stream.strided.gather [hbm4b:s1+s12], $0x2000, s13, s12, $0x38;
	[tilespmem:$0x18100] =	vst v63  }
0x13c: {  	_ =	swait.ge @!p0 [sflag:s26], $0x2000  }
0x13d: {  	(v2sf) =	vpush @!p0 v41, $0xB;
	_ =	sdelay $0xa  }
0x13e: {  	s1 =	sadd.s32 @!p0 $0x3, s2  }
0x13f: {  	v42 =	vmov @!p0 s1  }
0x140: {  	v43 =	vshll.u32 @!p0 v42, $0x3  }
0x141: {  	v42 =	vand.u32 @!p0 $0x7B, v42;
	v43 =	vand.u32 @!p0 $0xFFFFFC00, v43  }
0x142: {  	v42 =	vor.u32 @!p0 v42, v43;
	s1 =	spop @!p0 (v2sf)  }
0x143: {  	v43 =	vadd.s32 @!p0 v1, v42;
	s1 =	sand.u32 @!p0 $0x7F, s1  }
0x144: {  	v44 =	vor.u32 @!p0 s1, v0;
	_ =	sdelay $0x1  }
0x145: {  	[sflag:s26] =	ssyncset.done @!p0 $0x0  }
0x146: {  	[sflag:s26] =	ssyncadd.s32 @!p0 $0xFFFFE000  }
0x147: {  	v45 =	vld.idx.msk @!p0 [tilespmem:v43+s11+$0x0], $0xffff  }
0x148: {  	v44 =	vld.idx.msk @!p0 [tilespmem:v44+s17+$0x0], $0xffff;
	_ =	sdelay $0x2  }
0x149: {  	v46 =	vor.u32 @!p0 s1, v2  }
0x14a: {  	v47 =	vadd.s32 @!p0 v3, v42  }
0x14b: {  	v44 =	vadd.f32 @!p0 v45, v44;
	_ =	sdelay $0x1  }
0x14c: {  	[tilespmem:v43+s23+$0x0] =	vst.idx.msk @!p0 $0xffff, v44  }
0x14d: {  	v43 =	vld.idx.msk @!p0 [tilespmem:v46+s17+$0x0], $0xffff  }
0x14e: {  	v44 =	vld.idx.msk @!p0 [tilespmem:v47+s11+$0x0], $0xffff;
	_ =	sdelay $0x2  }
0x14f: {  	v45 =	vor.u32 @!p0 s1, v4  }
0x150: {  	v46 =	vadd.s32 @!p0 v5, v42  }
0x151: {  	v43 =	vadd.f32 @!p0 v44, v43;
	_ =	sdelay $0x1  }
0x152: {  	[tilespmem:v47+s23+$0x0] =	vst.idx.msk @!p0 $0xffff, v43  }
0x153: {  	(v2sf) =	vpush v40, $0x3;
	v43 =	vld.idx.msk @!p0 [tilespmem:v45+s17+$0x0], $0xffff  }
0x154: {  	v44 =	vld.idx.msk @!p0 [tilespmem:v46+s11+$0x0], $0xffff;
	_ =	sdelay $0x2  }
0x155: {  	v45 =	vor.u32 @!p0 s1, v6  }
0x156: {  	v42 =	vadd.s32 @!p0 v7, v42  }
0x157: {  	v43 =	vadd.f32 @!p0 v44, v43;
	_ =	sdelay $0x1  }
0x158: {  	[tilespmem:v46+s23+$0x0] =	vst.idx.msk @!p0 $0xffff, v43  }
0x159: {  	v43 =	vld.idx.msk @!p0 [tilespmem:v45+s17+$0x0], $0xffff  }
0x15a: {  	v44 =	vld.idx.msk @!p0 [tilespmem:v42+s11+$0x0], $0xffff;
	_ =	sdelay $0x4  }
0x15b: {  	s5 =	spop (v2sf);
	v43 =	vadd.f32 @!p0 v44, v43  }
0x15c: {  	s6 =	sand.u32 $0xFFFFF80, s5  }
0x15d: {  	s1 =	sadd.s32 s0, s6;
	[tilespmem:v42+s23+$0x0] =	vst.idx.msk @!p0 $0xffff, v43  }
0x15e: {  	[tilespmem:s17], [sflag:$0x4] =	stream.strided.gather [hbm4b:s1+s12], $0x2000, s13, s12, $0x38;
	[tilespmem:$0x18100] =	vst v63  }
0x15f: {  	_ =	swait.ge @!p0 [sflag:s28], $0x2000  }
0x160: {  	(v2sf) =	vpush @!p0 v41, $0xC;
	_ =	sdelay $0xa  }
0x161: {  	s1 =	sadd.s32 @!p0 $0x4, s2  }
0x162: {  	v42 =	vmov @!p0 s1  }
0x163: {  	v43 =	vshll.u32 @!p0 v42, $0x3  }
0x164: {  	v42 =	vand.u32 @!p0 $0x7C, v42;
	v43 =	vand.u32 @!p0 $0xFFFFFC00, v43  }
0x165: {  	v42 =	vor.u32 @!p0 v42, v43;
	s1 =	spop @!p0 (v2sf)  }
0x166: {  	v43 =	vadd.s32 @!p0 v1, v42;
	s1 =	sand.u32 @!p0 $0x7F, s1  }
0x167: {  	v44 =	vor.u32 @!p0 s1, v0;
	_ =	sdelay $0x1  }
0x168: {  	[sflag:s28] =	ssyncset.done @!p0 $0x0  }
0x169: {  	[sflag:s28] =	ssyncadd.s32 @!p0 $0xFFFFE000  }
0x16a: {  	v45 =	vld.idx.msk @!p0 [tilespmem:v43+s11+$0x0], $0xffff  }
0x16b: {  	v44 =	vld.idx.msk @!p0 [tilespmem:v44+s18+$0x0], $0xffff;
	_ =	sdelay $0x2  }
0x16c: {  	v46 =	vor.u32 @!p0 s1, v2  }
0x16d: {  	v47 =	vadd.s32 @!p0 v3, v42  }
0x16e: {  	v44 =	vadd.f32 @!p0 v45, v44;
	_ =	sdelay $0x1  }
0x16f: {  	[tilespmem:v43+s23+$0x0] =	vst.idx.msk @!p0 $0xffff, v44  }
0x170: {  	v43 =	vld.idx.msk @!p0 [tilespmem:v46+s18+$0x0], $0xffff  }
0x171: {  	v44 =	vld.idx.msk @!p0 [tilespmem:v47+s11+$0x0], $0xffff;
	_ =	sdelay $0x2  }
0x172: {  	v45 =	vor.u32 @!p0 s1, v4  }
0x173: {  	v46 =	vadd.s32 @!p0 v5, v42  }
0x174: {  	v43 =	vadd.f32 @!p0 v44, v43;
	_ =	sdelay $0x1  }
0x175: {  	[tilespmem:v47+s23+$0x0] =	vst.idx.msk @!p0 $0xffff, v43  }
0x176: {  	(v2sf) =	vpush v40, $0x4;
	v43 =	vld.idx.msk @!p0 [tilespmem:v45+s18+$0x0], $0xffff  }
0x177: {  	v44 =	vld.idx.msk @!p0 [tilespmem:v46+s11+$0x0], $0xffff;
	_ =	sdelay $0x2  }
0x178: {  	v45 =	vor.u32 @!p0 s1, v6  }
0x179: {  	v42 =	vadd.s32 @!p0 v7, v42  }
0x17a: {  	v43 =	vadd.f32 @!p0 v44, v43;
	_ =	sdelay $0x1  }
0x17b: {  	[tilespmem:v46+s23+$0x0] =	vst.idx.msk @!p0 $0xffff, v43  }
0x17c: {  	v43 =	vld.idx.msk @!p0 [tilespmem:v45+s18+$0x0], $0xffff  }
0x17d: {  	v44 =	vld.idx.msk @!p0 [tilespmem:v42+s11+$0x0], $0xffff;
	_ =	sdelay $0x4  }
0x17e: {  	s6 =	spop (v2sf);
	v43 =	vadd.f32 @!p0 v44, v43  }
0x17f: {  	s7 =	sand.u32 $0xFFFFF80, s6  }
0x180: {  	s1 =	sadd.s32 s0, s7;
	[tilespmem:v42+s23+$0x0] =	vst.idx.msk @!p0 $0xffff, v43  }
0x181: {  	[tilespmem:s18], [sflag:$0x5] =	stream.strided.gather [hbm4b:s1+s12], $0x2000, s13, s12, $0x38;
	[tilespmem:$0x18100] =	vst v63  }
0x182: {  	_ =	swait.ge @!p0 [sflag:s29], $0x2000  }
0x183: {  	(v2sf) =	vpush @!p0 v41, $0xD;
	_ =	sdelay $0xa  }
0x184: {  	s1 =	sadd.s32 @!p0 $0x5, s2  }
0x185: {  	v42 =	vmov @!p0 s1  }
0x186: {  	v43 =	vshll.u32 @!p0 v42, $0x3  }
0x187: {  	v42 =	vand.u32 @!p0 $0x7D, v42;
	v43 =	vand.u32 @!p0 $0xFFFFFC00, v43  }
0x188: {  	v42 =	vor.u32 @!p0 v42, v43;
	s1 =	spop @!p0 (v2sf)  }
0x189: {  	v43 =	vadd.s32 @!p0 v1, v42;
	s1 =	sand.u32 @!p0 $0x7F, s1  }
0x18a: {  	v44 =	vor.u32 @!p0 s1, v0;
	_ =	sdelay $0x1  }
0x18b: {  	[sflag:s29] =	ssyncset.done @!p0 $0x0  }
0x18c: {  	[sflag:s29] =	ssyncadd.s32 @!p0 $0xFFFFE000  }
0x18d: {  	v45 =	vld.idx.msk @!p0 [tilespmem:v43+s11+$0x0], $0xffff  }
0x18e: {  	v44 =	vld.idx.msk @!p0 [tilespmem:v44+s19+$0x0], $0xffff;
	_ =	sdelay $0x2  }
0x18f: {  	v46 =	vor.u32 @!p0 s1, v2  }
0x190: {  	v47 =	vadd.s32 @!p0 v3, v42  }
0x191: {  	v44 =	vadd.f32 @!p0 v45, v44;
	_ =	sdelay $0x1  }
0x192: {  	[tilespmem:v43+s23+$0x0] =	vst.idx.msk @!p0 $0xffff, v44  }
0x193: {  	v43 =	vld.idx.msk @!p0 [tilespmem:v46+s19+$0x0], $0xffff  }
0x194: {  	v44 =	vld.idx.msk @!p0 [tilespmem:v47+s11+$0x0], $0xffff;
	_ =	sdelay $0x2  }
0x195: {  	v45 =	vor.u32 @!p0 s1, v4  }
0x196: {  	v46 =	vadd.s32 @!p0 v5, v42  }
0x197: {  	v43 =	vadd.f32 @!p0 v44, v43;
	_ =	sdelay $0x1  }
0x198: {  	[tilespmem:v47+s23+$0x0] =	vst.idx.msk @!p0 $0xffff, v43  }
0x199: {  	(v2sf) =	vpush v40, $0x5;
	v43 =	vld.idx.msk @!p0 [tilespmem:v45+s19+$0x0], $0xffff  }
0x19a: {  	v44 =	vld.idx.msk @!p0 [tilespmem:v46+s11+$0x0], $0xffff;
	_ =	sdelay $0x2  }
0x19b: {  	v45 =	vor.u32 @!p0 s1, v6  }
0x19c: {  	v42 =	vadd.s32 @!p0 v7, v42  }
0x19d: {  	v43 =	vadd.f32 @!p0 v44, v43;
	_ =	sdelay $0x1  }
0x19e: {  	[tilespmem:v46+s23+$0x0] =	vst.idx.msk @!p0 $0xffff, v43  }
0x19f: {  	v43 =	vld.idx.msk @!p0 [tilespmem:v45+s19+$0x0], $0xffff  }
0x1a0: {  	v44 =	vld.idx.msk @!p0 [tilespmem:v42+s11+$0x0], $0xffff;
	_ =	sdelay $0x4  }
0x1a1: {  	s7 =	spop (v2sf);
	v43 =	vadd.f32 @!p0 v44, v43  }
0x1a2: {  	s8 =	sand.u32 $0xFFFFF80, s7  }
0x1a3: {  	s1 =	sadd.s32 s0, s8;
	[tilespmem:v42+s23+$0x0] =	vst.idx.msk @!p0 $0xffff, v43  }
0x1a4: {  	[tilespmem:s19], [sflag:$0x6] =	stream.strided.gather [hbm4b:s1+s12], $0x2000, s13, s12, $0x38;
	[tilespmem:$0x18100] =	vst v63  }
0x1a5: {  	_ =	swait.ge @!p0 [sflag:s30], $0x2000  }
0x1a6: {  	(v2sf) =	vpush @!p0 v41, $0xE;
	_ =	sdelay $0xa  }
0x1a7: {  	s1 =	sadd.s32 @!p0 $0x6, s2  }
0x1a8: {  	v42 =	vmov @!p0 s1  }
0x1a9: {  	v43 =	vshll.u32 @!p0 v42, $0x3  }
0x1aa: {  	v42 =	vand.u32 @!p0 $0x7E, v42;
	v43 =	vand.u32 @!p0 $0xFFFFFC00, v43  }
0x1ab: {  	v42 =	vor.u32 @!p0 v42, v43;
	s1 =	spop @!p0 (v2sf)  }
0x1ac: {  	v43 =	vadd.s32 @!p0 v1, v42;
	s1 =	sand.u32 @!p0 $0x7F, s1  }
0x1ad: {  	v44 =	vor.u32 @!p0 s1, v0;
	_ =	sdelay $0x1  }
0x1ae: {  	[sflag:s30] =	ssyncset.done @!p0 $0x0  }
0x1af: {  	[sflag:s30] =	ssyncadd.s32 @!p0 $0xFFFFE000  }
0x1b0: {  	v45 =	vld.idx.msk @!p0 [tilespmem:v43+s11+$0x0], $0xffff  }
0x1b1: {  	v44 =	vld.idx.msk @!p0 [tilespmem:v44+s20+$0x0], $0xffff;
	_ =	sdelay $0x2  }
0x1b2: {  	v46 =	vor.u32 @!p0 s1, v2  }
0x1b3: {  	v47 =	vadd.s32 @!p0 v3, v42  }
0x1b4: {  	v44 =	vadd.f32 @!p0 v45, v44;
	_ =	sdelay $0x1  }
0x1b5: {  	[tilespmem:v43+s23+$0x0] =	vst.idx.msk @!p0 $0xffff, v44  }
0x1b6: {  	v43 =	vld.idx.msk @!p0 [tilespmem:v46+s20+$0x0], $0xffff  }
0x1b7: {  	v44 =	vld.idx.msk @!p0 [tilespmem:v47+s11+$0x0], $0xffff;
	_ =	sdelay $0x2  }
0x1b8: {  	v45 =	vor.u32 @!p0 s1, v4  }
0x1b9: {  	v46 =	vadd.s32 @!p0 v5, v42  }
0x1ba: {  	v43 =	vadd.f32 @!p0 v44, v43;
	_ =	sdelay $0x1  }
0x1bb: {  	[tilespmem:v47+s23+$0x0] =	vst.idx.msk @!p0 $0xffff, v43  }
0x1bc: {  	(v2sf) =	vpush v40, $0x6;
	v43 =	vld.idx.msk @!p0 [tilespmem:v45+s20+$0x0], $0xffff  }
0x1bd: {  	v44 =	vld.idx.msk @!p0 [tilespmem:v46+s11+$0x0], $0xffff;
	_ =	sdelay $0x2  }
0x1be: {  	v45 =	vor.u32 @!p0 s1, v6  }
0x1bf: {  	v42 =	vadd.s32 @!p0 v7, v42  }
0x1c0: {  	v43 =	vadd.f32 @!p0 v44, v43;
	_ =	sdelay $0x1  }
0x1c1: {  	[tilespmem:v46+s23+$0x0] =	vst.idx.msk @!p0 $0xffff, v43  }
0x1c2: {  	v43 =	vld.idx.msk @!p0 [tilespmem:v45+s20+$0x0], $0xffff  }
0x1c3: {  	v44 =	vld.idx.msk @!p0 [tilespmem:v42+s11+$0x0], $0xffff;
	_ =	sdelay $0x4  }
0x1c4: {  	s8 =	spop (v2sf);
	v43 =	vadd.f32 @!p0 v44, v43  }
0x1c5: {  	s22 =	sand.u32 $0xFFFFF80, s8  }
0x1c6: {  	s1 =	sadd.s32 s0, s22;
	[tilespmem:v42+s23+$0x0] =	vst.idx.msk @!p0 $0xffff, v43  }
0x1c7: {  	[tilespmem:s20], [sflag:$0x7] =	stream.strided.gather [hbm4b:s1+s12], $0x2000, s13, s12, $0x38;
	[tilespmem:$0x18100] =	vst v63  }
0x1c8: {  	_ =	swait.ge @!p0 [sflag:s31], $0x2000  }
0x1c9: {  	(v2sf) =	vpush @!p0 v41, $0xF;
	_ =	sdelay $0xa  }
0x1ca: {  	s1 =	sadd.s32 @!p0 $0x7, s2  }
0x1cb: {  	v41 =	vmov @!p0 s1  }
0x1cc: {  	v42 =	vshll.u32 @!p0 v41, $0x3  }
0x1cd: {  	v41 =	vand.u32 @!p0 $0x7F, v41;
	v42 =	vand.u32 @!p0 $0xFFFFFC00, v42  }
0x1ce: {  	v41 =	vor.u32 @!p0 v41, v42;
	s1 =	spop @!p0 (v2sf)  }
0x1cf: {  	v42 =	vadd.s32 @!p0 v1, v41;
	s1 =	sand.u32 @!p0 $0x7F, s1  }
0x1d0: {  	v43 =	vor.u32 @!p0 s1, v0;
	_ =	sdelay $0x1  }
0x1d1: {  	[sflag:s31] =	ssyncset.done @!p0 $0x0  }
0x1d2: {  	[sflag:s31] =	ssyncadd.s32 @!p0 $0xFFFFE000  }
0x1d3: {  	v44 =	vld.idx.msk @!p0 [tilespmem:v42+s11+$0x0], $0xffff  }
0x1d4: {  	v43 =	vld.idx.msk @!p0 [tilespmem:v43+s21+$0x0], $0xffff;
	_ =	sdelay $0x2  }
0x1d5: {  	v45 =	vor.u32 @!p0 s1, v2  }
0x1d6: {  	v46 =	vadd.s32 @!p0 v3, v41  }
0x1d7: {  	v43 =	vadd.f32 @!p0 v44, v43;
	_ =	sdelay $0x1  }
0x1d8: {  	[tilespmem:v42+s23+$0x0] =	vst.idx.msk @!p0 $0xffff, v43  }
0x1d9: {  	v42 =	vld.idx.msk @!p0 [tilespmem:v45+s21+$0x0], $0xffff  }
0x1da: {  	v43 =	vld.idx.msk @!p0 [tilespmem:v46+s11+$0x0], $0xffff;
	_ =	sdelay $0x2  }
0x1db: {  	v44 =	vor.u32 @!p0 s1, v4  }
0x1dc: {  	v45 =	vadd.s32 @!p0 v5, v41  }
0x1dd: {  	v42 =	vadd.f32 @!p0 v43, v42;
	_ =	sdelay $0x1  }
0x1de: {  	[tilespmem:v46+s23+$0x0] =	vst.idx.msk @!p0 $0xffff, v42  }
0x1df: {  	(v2sf) =	vpush v40, $0x7;
	v42 =	vld.idx.msk @!p0 [tilespmem:v44+s21+$0x0], $0xffff  }
0x1e0: {  	v43 =	vld.idx.msk @!p0 [tilespmem:v45+s11+$0x0], $0xffff;
	_ =	sdelay $0x2  }
0x1e1: {  	v44 =	vor.u32 @!p0 s1, v6  }
0x1e2: {  	v41 =	vadd.s32 @!p0 v7, v41  }
0x1e3: {  	v42 =	vadd.f32 @!p0 v43, v42;
	_ =	sdelay $0x1  }
0x1e4: {  	[tilespmem:v45+s23+$0x0] =	vst.idx.msk @!p0 $0xffff, v42  }
0x1e5: {  	v42 =	vld.idx.msk @!p0 [tilespmem:v44+s21+$0x0], $0xffff  }
0x1e6: {  	v43 =	vld.idx.msk @!p0 [tilespmem:v41+s11+$0x0], $0xffff;
	_ =	sdelay $0x3  }
0x1e7: {  	s22 =	sadd.s32 $0x8, s2  }
0x1e8: {  	v49 =	vmov s22;
	s1 =	spop (v2sf);
	v42 =	vadd.f32 @!p0 v43, v42  }
0x1e9: {  	v50 =	vshll.u32 v49, $0x3;
	s22 =	sand.u32 $0xFFFFF80, s1  }
0x1ea: {  	s9 =	sand.u32 $0x7F, s9;
	s22 =	sadd.s32 s0, s22;
	[tilespmem:v41+s23+$0x0] =	vst.idx.msk @!p0 $0xffff, v42;
	v41 =	vand.u32 $0x70, v49;
	v42 =	vand.u32 $0x400, v50  }
0x1eb: {  	v51 =	vor.u32 s9, v0;
	v41 =	vor.u32 v41, v42;
	[tilespmem:s21], [sflag:$0x8] =	stream.strided.gather [hbm4b:s22+s12], $0x2000, s13, s12, $0x38;
	[tilespmem:$0x18100] =	vst v63  }
0x1ec: {  	s22 =	simm.s32 $0x1;
	v42 =	vor.u32 v1, v41  }
0x1ed: {  	_ =	swait.ge [sflag:s22], $0x2000  }
0x1ee: {  	[sflag:s22] =	ssyncset.done $0x0  }
0x1ef: {  	[sflag:s22] =	ssyncadd.s32 $0xFFFFE000  }
0x1f0: {  	v43 =	vld.idx.msk [tilespmem:v51+s14+$0x0], $0xffff  }
0x1f1: {  	v52 =	vld.idx.msk [tilespmem:v42+s11+$0x0], $0xffff;
	_ =	sdelay $0x2  }
0x1f2: {  	v53 =	vor.u32 s9, v2  }
0x1f3: {  	v54 =	vor.u32 v3, v41  }
0x1f4: {  	v43 =	vadd.f32 v52, v43;
	_ =	sdelay $0x1  }
0x1f5: {  	[tilespmem:v42+s23+$0x0] =	vst.idx.msk $0xffff, v43  }
0x1f6: {  	v42 =	vld.idx.msk [tilespmem:v53+s14+$0x0], $0xffff  }
0x1f7: {  	v43 =	vld.idx.msk [tilespmem:v54+s11+$0x0], $0xffff;
	_ =	sdelay $0x2  }
0x1f8: {  	v55 =	vor.u32 s9, v4  }
0x1f9: {  	v56 =	vor.u32 v5, v41  }
0x1fa: {  	v42 =	vadd.f32 v43, v42;
	_ =	sdelay $0x1  }
0x1fb: {  	[tilespmem:v54+s23+$0x0] =	vst.idx.msk $0xffff, v42  }
0x1fc: {  	(v2sf) =	vpush v40, $0x8;
	v42 =	vld.idx.msk [tilespmem:v55+s14+$0x0], $0xffff  }
0x1fd: {  	v57 =	vld.idx.msk [tilespmem:v56+s11+$0x0], $0xffff;
	_ =	sdelay $0x2  }
0x1fe: {  	v58 =	vor.u32 s9, v6  }
0x1ff: {  	v41 =	vor.u32 v7, v41  }
0x200: {  	v42 =	vadd.f32 v57, v42;
	_ =	sdelay $0x1  }
0x201: {  	[tilespmem:v56+s23+$0x0] =	vst.idx.msk $0xffff, v42  }
0x202: {  	v42 =	vld.idx.msk [tilespmem:v58+s14+$0x0], $0xffff  }
0x203: {  	v59 =	vld.idx.msk [tilespmem:v41+s11+$0x0], $0xffff;
	_ =	sdelay $0x2  }
0x204: {  	s22 =	sadd.s32 $0x9, s2  }
0x205: {  	v60 =	vmov s22  }
0x206: {  	v61 =	vshll.u32 v60, $0x3;
	s9 =	spop (v2sf);
	v42 =	vadd.f32 v59, v42  }
0x207: {  	s10 =	sand.u32 $0x7F, s10;
	v44 =	vand.u32 $0x71, v60;
	s22 =	sand.u32 $0xFFFFF80, s9;
	v43 =	vand.u32 $0x400, v61  }
0x208: {  	v62 =	vor.u32 s10, v0;
	s22 =	sadd.s32 s0, s22;
	v63 =	vor.u32 v44, v43;
	[tilespmem:v41+s23+$0x0] =	vst.idx.msk $0xffff, v42  }
0x209: {  	v43 =	vor.u32 v1, v63;
	[tilespmem:s14], [sflag:$0x1] =	stream.strided.gather [hbm4b:s22+s12], $0x2000, s13, s12, $0x38;
	[tilespmem:$0x18100] =	vst v63  }
0x20a: {  	_ =	swait.ge [sflag:s24], $0x2000  }
0x20b: {  	[sflag:s24] =	ssyncset.done $0x0  }
0x20c: {  	[sflag:s24] =	ssyncadd.s32 $0xFFFFE000  }
0x20d: {  	v41 =	vld.idx.msk [tilespmem:v62+s15+$0x0], $0xffff  }
0x20e: {  	v48 =	vld.idx.msk [tilespmem:v43+s11+$0x0], $0xffff;
	_ =	sdelay $0x2  }
0x20f: {  	v49 =	vor.u32 s10, v2  }
0x210: {  	v50 =	vor.u32 v3, v63  }
0x211: {  	v41 =	vadd.f32 v48, v41;
	_ =	sdelay $0x1  }
0x212: {  	[tilespmem:v43+s23+$0x0] =	vst.idx.msk $0xffff, v41  }
0x213: {  	v41 =	vld.idx.msk [tilespmem:v49+s15+$0x0], $0xffff  }
0x214: {  	v43 =	vld.idx.msk [tilespmem:v50+s11+$0x0], $0xffff;
	_ =	sdelay $0x2  }
0x215: {  	v51 =	vor.u32 s10, v4  }
0x216: {  	v52 =	vor.u32 v5, v63  }
0x217: {  	v41 =	vadd.f32 v43, v41;
	_ =	sdelay $0x1  }
0x218: {  	[tilespmem:v50+s23+$0x0] =	vst.idx.msk $0xffff, v41  }
0x219: {  	(v2sf) =	vpush v40, $0x9;
	v41 =	vld.idx.msk [tilespmem:v51+s15+$0x0], $0xffff  }
0x21a: {  	v53 =	vld.idx.msk [tilespmem:v52+s11+$0x0], $0xffff;
	_ =	sdelay $0x2  }
0x21b: {  	v54 =	vor.u32 s10, v6  }
0x21c: {  	v42 =	vor.u32 v7, v63  }
0x21d: {  	v41 =	vadd.f32 v53, v41;
	_ =	sdelay $0x1  }
0x21e: {  	[tilespmem:v52+s23+$0x0] =	vst.idx.msk $0xffff, v41  }
0x21f: {  	v41 =	vld.idx.msk [tilespmem:v54+s15+$0x0], $0xffff  }
0x220: {  	v55 =	vld.idx.msk [tilespmem:v42+s11+$0x0], $0xffff;
	_ =	sdelay $0x2  }
0x221: {  	s22 =	sadd.s32 $0xA, s2  }
0x222: {  	v56 =	vmov s22  }
0x223: {  	v57 =	vshll.u32 v56, $0x3;
	s10 =	spop (v2sf);
	v41 =	vadd.f32 v55, v41  }
0x224: {  	s4 =	sand.u32 $0x7F, s4;
	v44 =	vand.u32 $0x72, v56;
	v43 =	vand.u32 $0x400, v57;
	s22 =	sand.u32 $0xFFFFF80, s10  }
0x225: {  	v58 =	vor.u32 s4, v0;
	v59 =	vor.u32 v44, v43;
	s22 =	sadd.s32 s0, s22;
	[tilespmem:v42+s23+$0x0] =	vst.idx.msk $0xffff, v41  }
0x226: {  	v43 =	vor.u32 v1, v59;
	[tilespmem:s15], [sflag:$0x2] =	stream.strided.gather [hbm4b:s22+s12], $0x2000, s13, s12, $0x38;
	[tilespmem:$0x18100] =	vst v63  }
0x227: {  	_ =	swait.ge [sflag:s25], $0x2000  }
0x228: {  	[sflag:s25] =	ssyncset.done $0x0  }
0x229: {  	[sflag:s25] =	ssyncadd.s32 $0xFFFFE000  }
0x22a: {  	v41 =	vld.idx.msk [tilespmem:v58+s16+$0x0], $0xffff  }
0x22b: {  	v60 =	vld.idx.msk [tilespmem:v43+s11+$0x0], $0xffff;
	_ =	sdelay $0x2  }
0x22c: {  	v61 =	vor.u32 s4, v2  }
0x22d: {  	v62 =	vor.u32 v3, v59  }
0x22e: {  	v41 =	vadd.f32 v60, v41;
	_ =	sdelay $0x1  }
0x22f: {  	[tilespmem:v43+s23+$0x0] =	vst.idx.msk $0xffff, v41  }
0x230: {  	v41 =	vld.idx.msk [tilespmem:v61+s16+$0x0], $0xffff  }
0x231: {  	v43 =	vld.idx.msk [tilespmem:v62+s11+$0x0], $0xffff;
	_ =	sdelay $0x2  }
0x232: {  	v63 =	vor.u32 s4, v4  }
0x233: {  	v48 =	vor.u32 v5, v59  }
0x234: {  	v41 =	vadd.f32 v43, v41;
	_ =	sdelay $0x1  }
0x235: {  	[tilespmem:v62+s23+$0x0] =	vst.idx.msk $0xffff, v41  }
0x236: {  	(v2sf) =	vpush v40, $0xA;
	v41 =	vld.idx.msk [tilespmem:v63+s16+$0x0], $0xffff  }
0x237: {  	v49 =	vld.idx.msk [tilespmem:v48+s11+$0x0], $0xffff;
	_ =	sdelay $0x2  }
0x238: {  	v50 =	vor.u32 s4, v6  }
0x239: {  	v42 =	vor.u32 v7, v59  }
0x23a: {  	v41 =	vadd.f32 v49, v41;
	_ =	sdelay $0x1  }
0x23b: {  	[tilespmem:v48+s23+$0x0] =	vst.idx.msk $0xffff, v41  }
0x23c: {  	v41 =	vld.idx.msk [tilespmem:v50+s16+$0x0], $0xffff  }
0x23d: {  	v51 =	vld.idx.msk [tilespmem:v42+s11+$0x0], $0xffff;
	_ =	sdelay $0x2  }
0x23e: {  	s22 =	sadd.s32 $0xB, s2  }
0x23f: {  	v52 =	vmov s22  }
0x240: {  	v53 =	vshll.u32 v52, $0x3;
	s4 =	spop (v2sf);
	v41 =	vadd.f32 v51, v41  }
0x241: {  	s5 =	sand.u32 $0x7F, s5;
	v44 =	vand.u32 $0x73, v52;
	v43 =	vand.u32 $0x400, v53;
	s22 =	sand.u32 $0xFFFFF80, s4  }
0x242: {  	v54 =	vor.u32 s5, v0;
	v55 =	vor.u32 v44, v43;
	s22 =	sadd.s32 s0, s22;
	[tilespmem:v42+s23+$0x0] =	vst.idx.msk $0xffff, v41  }
0x243: {  	v43 =	vor.u32 v1, v55;
	[tilespmem:s16], [sflag:$0x3] =	stream.strided.gather [hbm4b:s22+s12], $0x2000, s13, s12, $0x38;
	[tilespmem:$0x18100] =	vst v63  }
0x244: {  	_ =	swait.ge [sflag:s26], $0x2000  }
0x245: {  	[sflag:s26] =	ssyncset.done $0x0  }
0x246: {  	[sflag:s26] =	ssyncadd.s32 $0xFFFFE000  }
0x247: {  	v41 =	vld.idx.msk [tilespmem:v54+s17+$0x0], $0xffff  }
0x248: {  	v56 =	vld.idx.msk [tilespmem:v43+s11+$0x0], $0xffff;
	_ =	sdelay $0x2  }
0x249: {  	v57 =	vor.u32 s5, v2  }
0x24a: {  	v58 =	vor.u32 v3, v55  }
0x24b: {  	v41 =	vadd.f32 v56, v41;
	_ =	sdelay $0x1  }
0x24c: {  	[tilespmem:v43+s23+$0x0] =	vst.idx.msk $0xffff, v41  }
0x24d: {  	v41 =	vld.idx.msk [tilespmem:v57+s17+$0x0], $0xffff  }
0x24e: {  	v43 =	vld.idx.msk [tilespmem:v58+s11+$0x0], $0xffff;
	_ =	sdelay $0x2  }
0x24f: {  	v59 =	vor.u32 s5, v4  }
0x250: {  	v60 =	vor.u32 v5, v55  }
0x251: {  	v41 =	vadd.f32 v43, v41;
	_ =	sdelay $0x1  }
0x252: {  	[tilespmem:v58+s23+$0x0] =	vst.idx.msk $0xffff, v41  }
0x253: {  	(v2sf) =	vpush v40, $0xB;
	v41 =	vld.idx.msk [tilespmem:v59+s17+$0x0], $0xffff  }
0x254: {  	v61 =	vld.idx.msk [tilespmem:v60+s11+$0x0], $0xffff;
	_ =	sdelay $0x2  }
0x255: {  	v62 =	vor.u32 s5, v6  }
0x256: {  	v42 =	vor.u32 v7, v55  }
0x257: {  	v41 =	vadd.f32 v61, v41;
	_ =	sdelay $0x1  }
0x258: {  	[tilespmem:v60+s23+$0x0] =	vst.idx.msk $0xffff, v41  }
0x259: {  	v41 =	vld.idx.msk [tilespmem:v62+s17+$0x0], $0xffff  }
0x25a: {  	v63 =	vld.idx.msk [tilespmem:v42+s11+$0x0], $0xffff;
	_ =	sdelay $0x2  }
0x25b: {  	s22 =	sadd.s32 $0xC, s2  }
0x25c: {  	v48 =	vmov s22  }
0x25d: {  	v49 =	vshll.u32 v48, $0x3;
	s5 =	spop (v2sf);
	v41 =	vadd.f32 v63, v41  }
0x25e: {  	s6 =	sand.u32 $0x7F, s6;
	v44 =	vand.u32 $0x74, v48;
	v43 =	vand.u32 $0x400, v49;
	s22 =	sand.u32 $0xFFFFF80, s5  }
0x25f: {  	v50 =	vor.u32 s6, v0;
	v51 =	vor.u32 v44, v43;
	s22 =	sadd.s32 s0, s22;
	[tilespmem:v42+s23+$0x0] =	vst.idx.msk $0xffff, v41  }
0x260: {  	v43 =	vor.u32 v1, v51;
	[tilespmem:s17], [sflag:$0x4] =	stream.strided.gather [hbm4b:s22+s12], $0x2000, s13, s12, $0x38;
	[tilespmem:$0x18100] =	vst v63  }
0x261: {  	_ =	swait.ge [sflag:s28], $0x2000  }
0x262: {  	[sflag:s28] =	ssyncset.done $0x0  }
0x263: {  	[sflag:s28] =	ssyncadd.s32 $0xFFFFE000  }
0x264: {  	v41 =	vld.idx.msk [tilespmem:v50+s18+$0x0], $0xffff  }
0x265: {  	v52 =	vld.idx.msk [tilespmem:v43+s11+$0x0], $0xffff;
	_ =	sdelay $0x2  }
0x266: {  	v53 =	vor.u32 s6, v2  }
0x267: {  	v54 =	vor.u32 v3, v51  }
0x268: {  	v41 =	vadd.f32 v52, v41;
	_ =	sdelay $0x1  }
0x269: {  	[tilespmem:v43+s23+$0x0] =	vst.idx.msk $0xffff, v41  }
0x26a: {  	v41 =	vld.idx.msk [tilespmem:v53+s18+$0x0], $0xffff  }
0x26b: {  	v43 =	vld.idx.msk [tilespmem:v54+s11+$0x0], $0xffff;
	_ =	sdelay $0x2  }
0x26c: {  	v55 =	vor.u32 s6, v4  }
0x26d: {  	v56 =	vor.u32 v5, v51  }
0x26e: {  	v41 =	vadd.f32 v43, v41;
	_ =	sdelay $0x1  }
0x26f: {  	[tilespmem:v54+s23+$0x0] =	vst.idx.msk $0xffff, v41  }
0x270: {  	(v2sf) =	vpush v40, $0xC;
	v41 =	vld.idx.msk [tilespmem:v55+s18+$0x0], $0xffff  }
0x271: {  	v57 =	vld.idx.msk [tilespmem:v56+s11+$0x0], $0xffff;
	_ =	sdelay $0x2  }
0x272: {  	v58 =	vor.u32 s6, v6  }
0x273: {  	v42 =	vor.u32 v7, v51  }
0x274: {  	v41 =	vadd.f32 v57, v41;
	_ =	sdelay $0x1  }
0x275: {  	[tilespmem:v56+s23+$0x0] =	vst.idx.msk $0xffff, v41  }
0x276: {  	v41 =	vld.idx.msk [tilespmem:v58+s18+$0x0], $0xffff  }
0x277: {  	v59 =	vld.idx.msk [tilespmem:v42+s11+$0x0], $0xffff;
	_ =	sdelay $0x2  }
0x278: {  	s22 =	sadd.s32 $0xD, s2  }
0x279: {  	v60 =	vmov s22  }
0x27a: {  	v61 =	vshll.u32 v60, $0x3;
	s6 =	spop (v2sf);
	v41 =	vadd.f32 v59, v41  }
0x27b: {  	s7 =	sand.u32 $0x7F, s7;
	v44 =	vand.u32 $0x75, v60;
	v43 =	vand.u32 $0x400, v61;
	s22 =	sand.u32 $0xFFFFF80, s6  }
0x27c: {  	v62 =	vor.u32 s7, v0;
	v63 =	vor.u32 v44, v43;
	s22 =	sadd.s32 s0, s22;
	[tilespmem:v42+s23+$0x0] =	vst.idx.msk $0xffff, v41  }
0x27d: {  	v43 =	vor.u32 v1, v63;
	[tilespmem:s18], [sflag:$0x5] =	stream.strided.gather [hbm4b:s22+s12], $0x2000, s13, s12, $0x38;
	[tilespmem:$0x18100] =	vst v63  }
0x27e: {  	_ =	swait.ge [sflag:s29], $0x2000  }
0x27f: {  	[sflag:s29] =	ssyncset.done $0x0  }
0x280: {  	[sflag:s29] =	ssyncadd.s32 $0xFFFFE000  }
0x281: {  	v41 =	vld.idx.msk [tilespmem:v62+s19+$0x0], $0xffff  }
0x282: {  	v48 =	vld.idx.msk [tilespmem:v43+s11+$0x0], $0xffff;
	_ =	sdelay $0x2  }
0x283: {  	v49 =	vor.u32 s7, v2  }
0x284: {  	v50 =	vor.u32 v3, v63  }
0x285: {  	v41 =	vadd.f32 v48, v41;
	_ =	sdelay $0x1  }
0x286: {  	[tilespmem:v43+s23+$0x0] =	vst.idx.msk $0xffff, v41  }
0x287: {  	v41 =	vld.idx.msk [tilespmem:v49+s19+$0x0], $0xffff  }
0x288: {  	v43 =	vld.idx.msk [tilespmem:v50+s11+$0x0], $0xffff;
	_ =	sdelay $0x2  }
0x289: {  	v51 =	vor.u32 s7, v4  }
0x28a: {  	v52 =	vor.u32 v5, v63  }
0x28b: {  	v41 =	vadd.f32 v43, v41;
	_ =	sdelay $0x1  }
0x28c: {  	[tilespmem:v50+s23+$0x0] =	vst.idx.msk $0xffff, v41  }
0x28d: {  	(v2sf) =	vpush v40, $0xD;
	v41 =	vld.idx.msk [tilespmem:v51+s19+$0x0], $0xffff  }
0x28e: {  	v53 =	vld.idx.msk [tilespmem:v52+s11+$0x0], $0xffff;
	_ =	sdelay $0x2  }
0x28f: {  	v54 =	vor.u32 s7, v6  }
0x290: {  	v42 =	vor.u32 v7, v63  }
0x291: {  	v41 =	vadd.f32 v53, v41;
	_ =	sdelay $0x1  }
0x292: {  	[tilespmem:v52+s23+$0x0] =	vst.idx.msk $0xffff, v41  }
0x293: {  	v41 =	vld.idx.msk [tilespmem:v54+s19+$0x0], $0xffff  }
0x294: {  	v55 =	vld.idx.msk [tilespmem:v42+s11+$0x0], $0xffff;
	_ =	sdelay $0x2  }
0x295: {  	s22 =	sadd.s32 $0xE, s2  }
0x296: {  	v56 =	vmov s22  }
0x297: {  	v57 =	vshll.u32 v56, $0x3;
	s7 =	spop (v2sf);
	v41 =	vadd.f32 v55, v41  }
0x298: {  	s8 =	sand.u32 $0x7F, s8;
	v44 =	vand.u32 $0x76, v56;
	v43 =	vand.u32 $0x400, v57;
	s22 =	sand.u32 $0xFFFFF80, s7  }
0x299: {  	v58 =	vor.u32 s8, v0;
	v59 =	vor.u32 v44, v43;
	s22 =	sadd.s32 s0, s22;
	[tilespmem:v42+s23+$0x0] =	vst.idx.msk $0xffff, v41  }
0x29a: {  	v43 =	vor.u32 v1, v59;
	[tilespmem:s19], [sflag:$0x6] =	stream.strided.gather [hbm4b:s22+s12], $0x2000, s13, s12, $0x38;
	[tilespmem:$0x18100] =	vst v63  }
0x29b: {  	_ =	swait.ge [sflag:s30], $0x2000  }
0x29c: {  	[sflag:s30] =	ssyncset.done $0x0  }
0x29d: {  	[sflag:s30] =	ssyncadd.s32 $0xFFFFE000  }
0x29e: {  	v41 =	vld.idx.msk [tilespmem:v58+s20+$0x0], $0xffff  }
0x29f: {  	v60 =	vld.idx.msk [tilespmem:v43+s11+$0x0], $0xffff;
	_ =	sdelay $0x2  }
0x2a0: {  	v61 =	vor.u32 s8, v2  }
0x2a1: {  	v62 =	vor.u32 v3, v59  }
0x2a2: {  	v41 =	vadd.f32 v60, v41;
	_ =	sdelay $0x1  }
0x2a3: {  	[tilespmem:v43+s23+$0x0] =	vst.idx.msk $0xffff, v41  }
0x2a4: {  	v41 =	vld.idx.msk [tilespmem:v61+s20+$0x0], $0xffff  }
0x2a5: {  	v43 =	vld.idx.msk [tilespmem:v62+s11+$0x0], $0xffff;
	_ =	sdelay $0x2  }
0x2a6: {  	v63 =	vor.u32 s8, v4  }
0x2a7: {  	v48 =	vor.u32 v5, v59  }
0x2a8: {  	v41 =	vadd.f32 v43, v41;
	_ =	sdelay $0x1  }
0x2a9: {  	[tilespmem:v62+s23+$0x0] =	vst.idx.msk $0xffff, v41  }
0x2aa: {  	(v2sf) =	vpush v40, $0xE;
	v41 =	vld.idx.msk [tilespmem:v63+s20+$0x0], $0xffff  }
0x2ab: {  	v49 =	vld.idx.msk [tilespmem:v48+s11+$0x0], $0xffff;
	_ =	sdelay $0x2  }
0x2ac: {  	v50 =	vor.u32 s8, v6  }
0x2ad: {  	v42 =	vor.u32 v7, v59  }
0x2ae: {  	v41 =	vadd.f32 v49, v41;
	_ =	sdelay $0x1  }
0x2af: {  	[tilespmem:v48+s23+$0x0] =	vst.idx.msk $0xffff, v41  }
0x2b0: {  	v41 =	vld.idx.msk [tilespmem:v50+s20+$0x0], $0xffff  }
0x2b1: {  	v51 =	vld.idx.msk [tilespmem:v42+s11+$0x0], $0xffff;
	_ =	sdelay $0x2  }
0x2b2: {  	s22 =	sadd.s32 $0xF, s2  }
0x2b3: {  	v52 =	vmov s22  }
0x2b4: {  	v53 =	vshll.u32 v52, $0x3;
	s8 =	spop (v2sf);
	v41 =	vadd.f32 v51, v41  }
0x2b5: {  	s1 =	sand.u32 $0x7F, s1;
	v44 =	vand.u32 $0x77, v52;
	v43 =	vand.u32 $0x400, v53;
	s22 =	sand.u32 $0xFFFFF80, s8  }
0x2b6: {  	v54 =	vor.u32 s1, v0;
	v55 =	vor.u32 v44, v43;
	s22 =	sadd.s32 s0, s22;
	[tilespmem:v42+s23+$0x0] =	vst.idx.msk $0xffff, v41  }
0x2b7: {  	v43 =	vor.u32 v1, v55;
	[tilespmem:s20], [sflag:$0x7] =	stream.strided.gather [hbm4b:s22+s12], $0x2000, s13, s12, $0x38;
	[tilespmem:$0x18100] =	vst v63  }
0x2b8: {  	_ =	swait.ge [sflag:s31], $0x2000  }
0x2b9: {  	[sflag:s31] =	ssyncset.done $0x0  }
0x2ba: {  	[sflag:s31] =	ssyncadd.s32 $0xFFFFE000  }
0x2bb: {  	v41 =	vld.idx.msk [tilespmem:v54+s21+$0x0], $0xffff  }
0x2bc: {  	v56 =	vld.idx.msk [tilespmem:v43+s11+$0x0], $0xffff;
	_ =	sdelay $0x2  }
0x2bd: {  	v57 =	vor.u32 s1, v2  }
0x2be: {  	v58 =	vor.u32 v3, v55  }
0x2bf: {  	v41 =	vadd.f32 v56, v41;
	_ =	sdelay $0x1  }
0x2c0: {  	[tilespmem:v43+s23+$0x0] =	vst.idx.msk $0xffff, v41  }
0x2c1: {  	v41 =	vld.idx.msk [tilespmem:v57+s21+$0x0], $0xffff  }
0x2c2: {  	v43 =	vld.idx.msk [tilespmem:v58+s11+$0x0], $0xffff;
	_ =	sdelay $0x2  }
0x2c3: {  	v59 =	vor.u32 s1, v4  }
0x2c4: {  	v60 =	vor.u32 v5, v55  }
0x2c5: {  	v41 =	vadd.f32 v43, v41;
	_ =	sdelay $0x1  }
0x2c6: {  	[tilespmem:v58+s23+$0x0] =	vst.idx.msk $0xffff, v41  }
0x2c7: {  	v41 =	vld.idx.msk [tilespmem:v59+s21+$0x0], $0xffff  }
0x2c8: {  	(v2sf) =	vpush v40, $0xF;
	v61 =	vld.idx.msk [tilespmem:v60+s11+$0x0], $0xffff;
	_ =	sdelay $0x2  }
0x2c9: {  	v62 =	vor.u32 s1, v6  }
0x2ca: {  	v42 =	vor.u32 v7, v55  }
0x2cb: {  	v41 =	vadd.f32 v61, v41;
	_ =	sdelay $0x1  }
0x2cc: {  	[tilespmem:v60+s23+$0x0] =	vst.idx.msk $0xffff, v41  }
0x2cd: {  	v41 =	vld.idx.msk [tilespmem:v62+s21+$0x0], $0xffff  }
0x2ce: {  	v63 =	vld.idx.msk [tilespmem:v42+s11+$0x0], $0xffff;
	_ =	sdelay $0x2  }
0x2cf: {  	s2 =	sadd.s32 $0x10, s2  }
0x2d0: {  	p0 =	sne.s32 s2, $0xF8  }
.Ltmp0:
0x2d1: {  	v41 =	vadd.f32 v63, v41;
	(pc) =	sbr.rel @p0 .LBB2_2-.Ltmp0, $4  }
0x2d2: {  	s1 =	spop (v2sf)  }
0x2d3: {  	s22 =	sand.u32 $0xFFFFF80, s1  }
0x2d4: {  	s3 =	sadd.s32 $0x10, s3;
	s22 =	sadd.s32 s0, s22;
	[tilespmem:v42+s23+$0x0] =	vst.idx.msk $0xffff, v41  }
0x2d5: {  	[tilespmem:s21], [sflag:$0x8] =	stream.strided.gather [hbm4b:s22+s12], $0x2000, s13, s12, $0x38;
	v41 =	vmov v40;
	[tilespmem:$0x18100] =	vst v63  }
0x2d6: {  	s2 =	sand.u32 $0x7F, s9  }
0x2d7: {  	s3 =	simm.s32 $0x1;
	v40 =	vor.u32 s2, v0  }
0x2d8: {  	_ =	swait.ge [sflag:s3], $0x2000  }
0x2d9: {  	[sflag:s3] =	ssyncset.done $0x0  }
0x2da: {  	[sflag:s3] =	ssyncadd.s32 $0xFFFFE000  }
0x2db: {  	v41 =	vld.idx.msk [tilespmem:v8+s11+$0x0], $0xffff  }
0x2dc: {  	v40 =	vld.idx.msk [tilespmem:v40+s14+$0x0], $0xffff;
	_ =	sdelay $0x2  }
0x2dd: {  	v42 =	vor.u32 s2, v2;
	_ =	sdelay $0x1  }
0x2de: {  	v40 =	vadd.f32 v41, v40;
	_ =	sdelay $0x1  }
0x2df: {  	[tilespmem:v8+s23+$0x0] =	vst.idx.msk $0xffff, v40  }
0x2e0: {  	v40 =	vld.idx.msk [tilespmem:v42+s14+$0x0], $0xffff  }
0x2e1: {  	v53 =	vld.idx.msk [tilespmem:v9+s11+$0x0], $0xffff;
	_ =	sdelay $0x2  }
0x2e2: {  	v54 =	vor.u32 s2, v4;
	_ =	sdelay $0x1  }
0x2e3: {  	v40 =	vadd.f32 v53, v40;
	_ =	sdelay $0x1  }
0x2e4: {  	[tilespmem:v9+s23+$0x0] =	vst.idx.msk $0xffff, v40  }
0x2e5: {  	v40 =	vld.idx.msk [tilespmem:v54+s14+$0x0], $0xffff  }
0x2e6: {  	v55 =	vld.idx.msk [tilespmem:v10+s11+$0x0], $0xffff;
	_ =	sdelay $0x2  }
0x2e7: {  	v56 =	vor.u32 s2, v6;
	_ =	sdelay $0x1  }
0x2e8: {  	v40 =	vadd.f32 v55, v40;
	_ =	sdelay $0x1  }
0x2e9: {  	[tilespmem:v10+s23+$0x0] =	vst.idx.msk $0xffff, v40  }
0x2ea: {  	v40 =	vld.idx.msk [tilespmem:v56+s14+$0x0], $0xffff  }
0x2eb: {  	v57 =	vld.idx.msk [tilespmem:v11+s11+$0x0], $0xffff;
	_ =	sdelay $0x4  }
0x2ec: {  	s3 =	sand.u32 $0x7F, s10;
	v40 =	vadd.f32 v57, v40  }
0x2ed: {  	v58 =	vor.u32 s3, v0  }
0x2ee: {  	[tilespmem:v11+s23+$0x0] =	vst.idx.msk $0xffff, v40  }
0x2ef: {  	_ =	swait.ge [sflag:s24], $0x2000  }
0x2f0: {  	[sflag:s24] =	ssyncset.done $0x0  }
0x2f1: {  	[sflag:s24] =	ssyncadd.s32 $0xFFFFE000  }
0x2f2: {  	v59 =	vld.idx.msk [tilespmem:v58+s15+$0x0], $0xffff  }
0x2f3: {  	v60 =	vld.idx.msk [tilespmem:v12+s11+$0x0], $0xffff;
	_ =	sdelay $0x2  }
0x2f4: {  	v61 =	vor.u32 s3, v2;
	_ =	sdelay $0x1  }
0x2f5: {  	v40 =	vadd.f32 v60, v59;
	_ =	sdelay $0x1  }
0x2f6: {  	[tilespmem:v12+s23+$0x0] =	vst.idx.msk $0xffff, v40  }
0x2f7: {  	v40 =	vld.idx.msk [tilespmem:v61+s15+$0x0], $0xffff  }
0x2f8: {  	v62 =	vld.idx.msk [tilespmem:v13+s11+$0x0], $0xffff;
	_ =	sdelay $0x2  }
0x2f9: {  	v63 =	vor.u32 s3, v4;
	_ =	sdelay $0x1  }
0x2fa: {  	v40 =	vadd.f32 v62, v40;
	_ =	sdelay $0x1  }
0x2fb: {  	[tilespmem:v13+s23+$0x0] =	vst.idx.msk $0xffff, v40  }
0x2fc: {  	v40 =	vld.idx.msk [tilespmem:v63+s15+$0x0], $0xffff  }
0x2fd: {  	v45 =	vld.idx.msk [tilespmem:v14+s11+$0x0], $0xffff;
	_ =	sdelay $0x2  }
0x2fe: {  	v46 =	vor.u32 s3, v6;
	_ =	sdelay $0x1  }
0x2ff: {  	v40 =	vadd.f32 v45, v40;
	_ =	sdelay $0x1  }
0x300: {  	[tilespmem:v14+s23+$0x0] =	vst.idx.msk $0xffff, v40  }
0x301: {  	v40 =	vld.idx.msk [tilespmem:v46+s15+$0x0], $0xffff  }
0x302: {  	v47 =	vld.idx.msk [tilespmem:v15+s11+$0x0], $0xffff;
	_ =	sdelay $0x4  }
0x303: {  	s4 =	sand.u32 $0x7F, s4;
	v40 =	vadd.f32 v47, v40  }
0x304: {  	v48 =	vor.u32 s4, v0  }
0x305: {  	[tilespmem:v15+s23+$0x0] =	vst.idx.msk $0xffff, v40  }
0x306: {  	_ =	swait.ge [sflag:s25], $0x2000  }
0x307: {  	[sflag:s25] =	ssyncset.done $0x0  }
0x308: {  	[sflag:s25] =	ssyncadd.s32 $0xFFFFE000  }
0x309: {  	v49 =	vld.idx.msk [tilespmem:v48+s16+$0x0], $0xffff  }
0x30a: {  	v50 =	vld.idx.msk [tilespmem:v16+s11+$0x0], $0xffff;
	_ =	sdelay $0x2  }
0x30b: {  	v51 =	vor.u32 s4, v2;
	_ =	sdelay $0x1  }
0x30c: {  	v40 =	vadd.f32 v50, v49;
	_ =	sdelay $0x1  }
0x30d: {  	[tilespmem:v16+s23+$0x0] =	vst.idx.msk $0xffff, v40  }
0x30e: {  	v40 =	vld.idx.msk [tilespmem:v51+s16+$0x0], $0xffff  }
0x30f: {  	v52 =	vld.idx.msk [tilespmem:v17+s11+$0x0], $0xffff;
	_ =	sdelay $0x2  }
0x310: {  	v53 =	vor.u32 s4, v4;
	_ =	sdelay $0x1  }
0x311: {  	v40 =	vadd.f32 v52, v40;
	_ =	sdelay $0x1  }
0x312: {  	[tilespmem:v17+s23+$0x0] =	vst.idx.msk $0xffff, v40  }
0x313: {  	v40 =	vld.idx.msk [tilespmem:v53+s16+$0x0], $0xffff  }
0x314: {  	v54 =	vld.idx.msk [tilespmem:v18+s11+$0x0], $0xffff;
	_ =	sdelay $0x2  }
0x315: {  	v55 =	vor.u32 s4, v6;
	_ =	sdelay $0x1  }
0x316: {  	v40 =	vadd.f32 v54, v40;
	_ =	sdelay $0x1  }
0x317: {  	[tilespmem:v18+s23+$0x0] =	vst.idx.msk $0xffff, v40  }
0x318: {  	v40 =	vld.idx.msk [tilespmem:v55+s16+$0x0], $0xffff  }
0x319: {  	v56 =	vld.idx.msk [tilespmem:v19+s11+$0x0], $0xffff;
	_ =	sdelay $0x4  }
0x31a: {  	s5 =	sand.u32 $0x7F, s5;
	v40 =	vadd.f32 v56, v40  }
0x31b: {  	v57 =	vor.u32 s5, v0  }
0x31c: {  	[tilespmem:v19+s23+$0x0] =	vst.idx.msk $0xffff, v40  }
0x31d: {  	_ =	swait.ge [sflag:s26], $0x2000  }
0x31e: {  	[sflag:s26] =	ssyncset.done $0x0  }
0x31f: {  	[sflag:s26] =	ssyncadd.s32 $0xFFFFE000  }
0x320: {  	v58 =	vld.idx.msk [tilespmem:v57+s17+$0x0], $0xffff  }
0x321: {  	v59 =	vld.idx.msk [tilespmem:v20+s11+$0x0], $0xffff;
	_ =	sdelay $0x2  }
0x322: {  	v60 =	vor.u32 s5, v2;
	_ =	sdelay $0x1  }
0x323: {  	v40 =	vadd.f32 v59, v58;
	_ =	sdelay $0x1  }
0x324: {  	[tilespmem:v20+s23+$0x0] =	vst.idx.msk $0xffff, v40  }
0x325: {  	v40 =	vld.idx.msk [tilespmem:v60+s17+$0x0], $0xffff  }
0x326: {  	v61 =	vld.idx.msk [tilespmem:v21+s11+$0x0], $0xffff;
	_ =	sdelay $0x2  }
0x327: {  	v62 =	vor.u32 s5, v4;
	_ =	sdelay $0x1  }
0x328: {  	v40 =	vadd.f32 v61, v40;
	_ =	sdelay $0x1  }
0x329: {  	[tilespmem:v21+s23+$0x0] =	vst.idx.msk $0xffff, v40  }
0x32a: {  	v40 =	vld.idx.msk [tilespmem:v62+s17+$0x0], $0xffff  }
0x32b: {  	v63 =	vld.idx.msk [tilespmem:v22+s11+$0x0], $0xffff;
	_ =	sdelay $0x2  }
0x32c: {  	v45 =	vor.u32 s5, v6;
	_ =	sdelay $0x1  }
0x32d: {  	v40 =	vadd.f32 v63, v40;
	_ =	sdelay $0x1  }
0x32e: {  	[tilespmem:v22+s23+$0x0] =	vst.idx.msk $0xffff, v40  }
0x32f: {  	v40 =	vld.idx.msk [tilespmem:v45+s17+$0x0], $0xffff  }
0x330: {  	v46 =	vld.idx.msk [tilespmem:v23+s11+$0x0], $0xffff;
	_ =	sdelay $0x4  }
0x331: {  	s6 =	sand.u32 $0x7F, s6;
	v40 =	vadd.f32 v46, v40  }
0x332: {  	v47 =	vor.u32 s6, v0  }
0x333: {  	[tilespmem:v23+s23+$0x0] =	vst.idx.msk $0xffff, v40  }
0x334: {  	_ =	swait.ge [sflag:s28], $0x2000  }
0x335: {  	[sflag:s28] =	ssyncset.done $0x0  }
0x336: {  	[sflag:s28] =	ssyncadd.s32 $0xFFFFE000  }
0x337: {  	v48 =	vld.idx.msk [tilespmem:v47+s18+$0x0], $0xffff  }
0x338: {  	v49 =	vld.idx.msk [tilespmem:v24+s11+$0x0], $0xffff;
	_ =	sdelay $0x2  }
0x339: {  	v50 =	vor.u32 s6, v2;
	_ =	sdelay $0x1  }
0x33a: {  	v40 =	vadd.f32 v49, v48;
	_ =	sdelay $0x1  }
0x33b: {  	[tilespmem:v24+s23+$0x0] =	vst.idx.msk $0xffff, v40  }
0x33c: {  	v40 =	vld.idx.msk [tilespmem:v50+s18+$0x0], $0xffff  }
0x33d: {  	v51 =	vld.idx.msk [tilespmem:v25+s11+$0x0], $0xffff;
	_ =	sdelay $0x2  }
0x33e: {  	v52 =	vor.u32 s6, v4;
	_ =	sdelay $0x1  }
0x33f: {  	v40 =	vadd.f32 v51, v40;
	_ =	sdelay $0x1  }
0x340: {  	[tilespmem:v25+s23+$0x0] =	vst.idx.msk $0xffff, v40  }
0x341: {  	v40 =	vld.idx.msk [tilespmem:v52+s18+$0x0], $0xffff  }
0x342: {  	v53 =	vld.idx.msk [tilespmem:v26+s11+$0x0], $0xffff;
	_ =	sdelay $0x2  }
0x343: {  	v54 =	vor.u32 s6, v6;
	_ =	sdelay $0x1  }
0x344: {  	v40 =	vadd.f32 v53, v40;
	_ =	sdelay $0x1  }
0x345: {  	[tilespmem:v26+s23+$0x0] =	vst.idx.msk $0xffff, v40  }
0x346: {  	v40 =	vld.idx.msk [tilespmem:v54+s18+$0x0], $0xffff  }
0x347: {  	v55 =	vld.idx.msk [tilespmem:v27+s11+$0x0], $0xffff;
	_ =	sdelay $0x4  }
0x348: {  	s7 =	sand.u32 $0x7F, s7;
	v40 =	vadd.f32 v55, v40  }
0x349: {  	v56 =	vor.u32 s7, v0  }
0x34a: {  	[tilespmem:v27+s23+$0x0] =	vst.idx.msk $0xffff, v40  }
0x34b: {  	_ =	swait.ge [sflag:s29], $0x2000  }
0x34c: {  	[sflag:s29] =	ssyncset.done $0x0  }
0x34d: {  	[sflag:s29] =	ssyncadd.s32 $0xFFFFE000  }
0x34e: {  	v57 =	vld.idx.msk [tilespmem:v56+s19+$0x0], $0xffff  }
0x34f: {  	v58 =	vld.idx.msk [tilespmem:v28+s11+$0x0], $0xffff;
	_ =	sdelay $0x2  }
0x350: {  	v59 =	vor.u32 s7, v2;
	_ =	sdelay $0x1  }
0x351: {  	v40 =	vadd.f32 v58, v57;
	_ =	sdelay $0x1  }
0x352: {  	[tilespmem:v28+s23+$0x0] =	vst.idx.msk $0xffff, v40  }
0x353: {  	v40 =	vld.idx.msk [tilespmem:v59+s19+$0x0], $0xffff  }
0x354: {  	v60 =	vld.idx.msk [tilespmem:v29+s11+$0x0], $0xffff;
	_ =	sdelay $0x2  }
0x355: {  	v61 =	vor.u32 s7, v4;
	_ =	sdelay $0x1  }
0x356: {  	v40 =	vadd.f32 v60, v40;
	_ =	sdelay $0x1  }
0x357: {  	[tilespmem:v29+s23+$0x0] =	vst.idx.msk $0xffff, v40  }
0x358: {  	v40 =	vld.idx.msk [tilespmem:v61+s19+$0x0], $0xffff  }
0x359: {  	v62 =	vld.idx.msk [tilespmem:v30+s11+$0x0], $0xffff;
	_ =	sdelay $0x2  }
0x35a: {  	v63 =	vor.u32 s7, v6;
	_ =	sdelay $0x1  }
0x35b: {  	v40 =	vadd.f32 v62, v40;
	_ =	sdelay $0x1  }
0x35c: {  	[tilespmem:v30+s23+$0x0] =	vst.idx.msk $0xffff, v40  }
0x35d: {  	v40 =	vld.idx.msk [tilespmem:v63+s19+$0x0], $0xffff  }
0x35e: {  	v45 =	vld.idx.msk [tilespmem:v31+s11+$0x0], $0xffff;
	_ =	sdelay $0x4  }
0x35f: {  	s8 =	sand.u32 $0x7F, s8;
	v40 =	vadd.f32 v45, v40  }
0x360: {  	v46 =	vor.u32 s8, v0  }
0x361: {  	[tilespmem:v31+s23+$0x0] =	vst.idx.msk $0xffff, v40  }
0x362: {  	_ =	swait.ge [sflag:s30], $0x2000  }
0x363: {  	[sflag:s30] =	ssyncset.done $0x0  }
0x364: {  	[sflag:s30] =	ssyncadd.s32 $0xFFFFE000  }
0x365: {  	v47 =	vld.idx.msk [tilespmem:v46+s20+$0x0], $0xffff  }
0x366: {  	v48 =	vld.idx.msk [tilespmem:v32+s11+$0x0], $0xffff;
	_ =	sdelay $0x2  }
0x367: {  	v49 =	vor.u32 s8, v2;
	_ =	sdelay $0x1  }
0x368: {  	v40 =	vadd.f32 v48, v47;
	_ =	sdelay $0x1  }
0x369: {  	[tilespmem:v32+s23+$0x0] =	vst.idx.msk $0xffff, v40  }
0x36a: {  	v40 =	vld.idx.msk [tilespmem:v49+s20+$0x0], $0xffff  }
0x36b: {  	v50 =	vld.idx.msk [tilespmem:v33+s11+$0x0], $0xffff;
	_ =	sdelay $0x2  }
0x36c: {  	v51 =	vor.u32 s8, v4;
	_ =	sdelay $0x1  }
0x36d: {  	v40 =	vadd.f32 v50, v40;
	_ =	sdelay $0x1  }
0x36e: {  	[tilespmem:v33+s23+$0x0] =	vst.idx.msk $0xffff, v40  }
0x36f: {  	v40 =	vld.idx.msk [tilespmem:v51+s20+$0x0], $0xffff  }
0x370: {  	v52 =	vld.idx.msk [tilespmem:v34+s11+$0x0], $0xffff;
	_ =	sdelay $0x2  }
0x371: {  	v53 =	vor.u32 s8, v6;
	_ =	sdelay $0x1  }
0x372: {  	v40 =	vadd.f32 v52, v40;
	_ =	sdelay $0x1  }
0x373: {  	[tilespmem:v34+s23+$0x0] =	vst.idx.msk $0xffff, v40  }
0x374: {  	v40 =	vld.idx.msk [tilespmem:v53+s20+$0x0], $0xffff  }
0x375: {  	v54 =	vld.idx.msk [tilespmem:v35+s11+$0x0], $0xffff;
	_ =	sdelay $0x4  }
0x376: {  	s1 =	sand.u32 $0x7F, s1;
	v40 =	vadd.f32 v54, v40  }
0x377: {  	v55 =	vor.u32 s1, v0  }
0x378: {  	[tilespmem:v35+s23+$0x0] =	vst.idx.msk $0xffff, v40  }
0x379: {  	_ =	swait.ge [sflag:s31], $0x2000  }
0x37a: {  	[sflag:s31] =	ssyncset.done $0x0  }
0x37b: {  	[sflag:s31] =	ssyncadd.s32 $0xFFFFE000  }
0x37c: {  	v56 =	vld.idx.msk [tilespmem:v55+s21+$0x0], $0xffff  }
0x37d: {  	v57 =	vld.idx.msk [tilespmem:v36+s11+$0x0], $0xffff;
	_ =	sdelay $0x2  }
0x37e: {  	v58 =	vor.u32 s1, v2;
	_ =	sdelay $0x1  }
0x37f: {  	v40 =	vadd.f32 v57, v56;
	_ =	sdelay $0x1  }
0x380: {  	[tilespmem:v36+s23+$0x0] =	vst.idx.msk $0xffff, v40  }
0x381: {  	v40 =	vld.idx.msk [tilespmem:v58+s21+$0x0], $0xffff  }
0x382: {  	v59 =	vld.idx.msk [tilespmem:v37+s11+$0x0], $0xffff;
	_ =	sdelay $0x2  }
0x383: {  	v60 =	vor.u32 s1, v4;
	_ =	sdelay $0x1  }
0x384: {  	v40 =	vadd.f32 v59, v40;
	_ =	sdelay $0x1  }
0x385: {  	[tilespmem:v37+s23+$0x0] =	vst.idx.msk $0xffff, v40  }
0x386: {  	v40 =	vld.idx.msk [tilespmem:v60+s21+$0x0], $0xffff  }
0x387: {  	v61 =	vld.idx.msk [tilespmem:v38+s11+$0x0], $0xffff;
	_ =	sdelay $0x2  }
0x388: {  	v62 =	vor.u32 s1, v6;
	_ =	sdelay $0x1  }
0x389: {  	v40 =	vadd.f32 v61, v40;
	_ =	sdelay $0x1  }
0x38a: {  	[tilespmem:v38+s23+$0x0] =	vst.idx.msk $0xffff, v40  }
0x38b: {  	v40 =	vld.idx.msk [tilespmem:v62+s21+$0x0], $0xffff  }
0x38c: {  	v63 =	vld.idx.msk [tilespmem:v39+s11+$0x0], $0xffff;
	_ =	sdelay $0x4  }
0x38d: {  	v40 =	vadd.f32 v63, v40  }
0x38e: {  	s3 =	simm.s32 $0x9  }
0x38f: {  	s4 =	simm.s32 $0x800;
	s5 =	simm.s32 $0x4000;
	s9 =	rddreg [dreg:$0x7];
	[tilespmem:v39+s23+$0x0] =	vst.idx.msk $0xffff, v40  }
0x390: {  	[hbm4b:s9+s4] =	stream.strided.scatter [tilespmem:s23], [sflag:$0x9], $0x4000, s5, s4, $0x38;
	[tilespmem:$0x18100] =	vst v63  }
0x391: {  	_ =	swait.ge [sflag:s3], $0x4000  }
0x392: {  	s10 =	rddreg [dreg:$0x9]  }
0x393: {  	s22 =	rddreg [dreg:$0x8];
	s2 =	sadd.s32 $0x1, s10  }
0x394: {  	p0 =	sne.s32 s2, s22  }
.Ltmp1:
0x395: {  	_ = 	snop;
	(pc) =	sbr.rel @p0 .LBB2_1-.Ltmp1, $3  }
0x396: {  	_ =	sdelay $0x1  }
0x397: {  	[sflag:s3] =	ssyncset.done $0x0  }
0x398: {  	[sflag:s3] =	ssyncadd.s32 $0xFFFFC000  }
0x399: {  	_ =	sfence.sel $0x180000  }
0x39a: {  	[bflag:$0x0] =	sbarrier.arrive $0xFFFF  }
0x39b: {  	_ =	strace $0x90000047  }
0x39c: {  	s0 =	stileid.u32;
	[bflag:$0x2] =	sbarrier.arrive $0xFFFF  }
0x39d: {  	p0 =	sne.s32 s0, $0x0;
	s0 =	rddreg [dreg:$0x4]  }
0x39e: {  	s0 =	sadd.s32 @!p0 $0x100000, s0  }
0x39f: {  	[sflag:s0] =	ssyncadd.tile.s32 @!p0 $0x1;
	_ =	shalt  }
.Lfunc_end2:
_tile_overlayer_lowered:
.L_overlay_start_2:
0x3a0: {  	(tag) =	ssettag $0x2  }
0x3a1: {  	s0 =	rddreg [dreg:$0x0];
	s2 =	stileid.u32  }
0x3a2: {  	s1 =	rddreg [dreg:$0x1];
	p0 =	sne.s32 s2, $0x0  }
0x3a3: {  	s3 =	rddreg [dreg:$0x2];
	[bflag:$0x3] =	sbarrier.arrive $0xFFFF;
	s2 =	simm.s32 @!p0 $0x1C09  }
0x3a4: {  	[timem:s3], [sflag:s2] =	dma.local @!p0 [hbm:s0], s1  }
0x3a5: {  	s0 =	simm.s32 @!p0 $0x9  }
0x3a6: {  	_ =	swait.ge @!p0 [sflag:s0], s1  }
0x3a7: {  	s1 =	ssub.s32 @!p0 $0x0, s1;
	[sflag:s0] =	ssyncset.done @!p0 $0x0  }
0x3a8: {  	[sflag:s0] =	ssyncadd.s32 @!p0 s1  }
0x3a9: {  	[bflag:$0x3] =	sbarrier.arrive $0xFFFF  }
0x3aa: {  	_ =	shalt  }

</sc_bundles>
